<compile_context>
chip_gen: v7x
topology: tpu7x:2x2x1
jax: 0.10.2.dev20260603
libtpu: 0.0.44.dev20260713+nightly
codegen_flags: <defaults>
</compile_context>

<pallas_src>
import jax
import jax.numpy as jnp
from jax import lax
from jax.experimental import pallas as pl
from jax.experimental.pallas import tpu as pltpu
from jax.experimental.pallas import tpu_sc as plsc

NUM_LAYERS = 24
LAYER_TOKENS = 8192
NUM_TOKENS = NUM_LAYERS * LAYER_TOKENS
E = 8
NW = 32
SC_LAYERS = 8
TC_LAYERS = NUM_LAYERS - SC_LAYERS
TPW = SC_LAYERS * LAYER_TOKENS // NW
CHUNK = 16
PIECE = 1024
PIECES = TPW // PIECE
PIECE_CHUNKS = PIECE // CHUNK
LANES = 1024
GRP = LAYER_TOKENS // LANES
TOP_P = 0.75
BROADCAST_THRESHOLD = 2.0
NSLOT = 18

_COMPARATORS = (
    (0, 1), (2, 3), (4, 5), (6, 7),
    (0, 2), (1, 3), (4, 6), (5, 7),
    (1, 2), (5, 6),
    (0, 4), (1, 5), (2, 6), (3, 7),
    (2, 4), (3, 5),
    (1, 2), (3, 4), (5, 6),
)


def _ln(y):
    bits = lax.bitcast_convert_type(y, jnp.int32)
    ex = (bits >> 23) & 0xFF
    mbits = (bits & 0x7FFFFF) | 0x3F800000
    m = lax.bitcast_convert_type(mbits, jnp.float32)
    exf = (ex - 127).astype(jnp.float32)
    s = (m - 1.0) / (m + 1.0)
    s2 = s * s
    t = 1.0 + s2 * (0.3333333432674408
                    + s2 * (0.20000000298023224 + s2 * 0.1428571492433548))
    return exf * 0.6931471805599453 + 2.0 * s * t


def _body(x_hbm, am_hbm, out_hbm, x_v, am_v, acc_v,
          sx0, sx1, sa0, sa1):
    cid = lax.axis_index("c")
    sid = lax.axis_index("s")
    wid = cid * 16 + sid
    zeros = jnp.zeros((CHUNK,), jnp.float32)
    for j in range(NSLOT):
        acc_v[j] = zeros
    sx = (sx0, sx1)
    sa = (sa0, sa1)

    def start(p):
        s_flat = wid * TPW + p * PIECE
        layer = s_flat // LAYER_TOKENS
        off = s_flat % LAYER_TOKENS
        b = p % 2
        hx = pltpu.async_copy(
            x_hbm.at[layer, :, pl.ds(off, PIECE)], x_v.at[b], sx[b])
        ha = pltpu.async_copy(
            am_hbm.at[pl.ds(off, PIECE)], am_v.at[b], sa[b])
        return hx, ha

    def one(b, i):
        xs = [x_v[b, e, pl.ds(i * CHUNK, CHUNK)] for e in range(E)]
        amf = am_v[b, pl.ds(i * CHUNK, CHUNK)]
        es = [jnp.exp(x) for x in xs]
        s_sum = ((es[0] + es[1]) + (es[2] + es[3])) + \
                ((es[4] + es[5]) + (es[6] + es[7]))
        rinv = 1.0 / s_sum
        ps = [e * rinv for e in es]
        dot = ((ps[0] * xs[0] + ps[1] * xs[1])
               + (ps[2] * xs[2] + ps[3] * xs[3])) + \
              ((ps[4] * xs[4] + ps[5] * xs[5])
               + (ps[6] * xs[6] + ps[7] * xs[7]))
        h = _ln(s_sum) - dot
        thr = jnp.where(h >= BROADCAST_THRESHOLD, 2.0, TOP_P)
        v = ps
        for (a, b) in _COMPARATORS:
            hi = jnp.maximum(v[a], v[b])
            lo = jnp.minimum(v[a], v[b])
            v[a], v[b] = hi, lo
        plsc.addupdate(acc_v.at[E], amf * v[0])
        cprev = v[0]
        for j in range(1, E):
            km = jnp.where(cprev <= thr, amf, 0.0)
            plsc.addupdate(acc_v.at[j], km)
            plsc.addupdate(acc_v.at[E + j], km * v[j])
            if j < E - 1:
                cprev = cprev + v[j]
        plsc.addupdate(acc_v.at[16], h)
        plsc.addupdate(acc_v.at[17], amf)

    handles = [None, None]
    handles[0] = start(0)
    for p in range(PIECES):
        b = p % 2
        if p + 1 < PIECES:
            handles[(p + 1) % 2] = start(p + 1)

        def chunk(i, carry, b=b):
            one(b, 2 * i)
            one(b, 2 * i + 1)
            return carry

        hx, ha = handles[b]
        hx.wait()
        ha.wait()
        lax.fori_loop(0, PIECE_CHUNKS // 2, chunk, 0)

    pltpu.sync_copy(acc_v, out_hbm.at[wid])


def _tc_body(x_ref, out_ref):
    i = pl.program_id(0)

    @pl.when(i == 0)
    def _init():
        out_ref[...] = jnp.zeros_like(out_ref)

    xr = x_ref[0].reshape(E, GRP, LANES)
    xs = [xr[e] for e in range(E)]
    es = [jnp.exp(xv) for xv in xs]
    s_sum = ((es[0] + es[1]) + (es[2] + es[3])) + \
            ((es[4] + es[5]) + (es[6] + es[7]))
    rinv = 1.0 / s_sum
    ps = [ev * rinv for ev in es]
    dot = ((ps[0] * xs[0] + ps[1] * xs[1])
           + (ps[2] * xs[2] + ps[3] * xs[3])) + \
          ((ps[4] * xs[4] + ps[5] * xs[5])
           + (ps[6] * xs[6] + ps[7] * xs[7]))
    h = jnp.log(s_sum) - dot
    thr = jnp.where(h >= BROADCAST_THRESHOLD, 2.0, TOP_P)
    v = ps
    for (a, c) in _COMPARATORS:
        hi = jnp.maximum(v[a], v[c])
        lo = jnp.minimum(v[a], v[c])
        v[a], v[c] = hi, lo
    out_ref[E] += v[0]
    cprev = v[0]
    one = jnp.ones((GRP, LANES), jnp.float32)
    for j in range(1, E):
        kf = jnp.where(cprev <= thr, one, 0.0)
        out_ref[j] += kf
        out_ref[E + j] += kf * v[j]
        if j < E - 1:
            cprev = cprev + v[j]
    out_ref[16] += h


def _ep_body(parts_ref, tc_ref, am_ref, out_ref):
    amr = am_ref[...].reshape(GRP, LANES)
    am_sum = jnp.sum(amr)
    v2 = jnp.sum(parts_ref[...], axis=0)

    def scrow(j):
        return jnp.sum(v2[j])

    def mrow(j):
        return jnp.sum(tc_ref[j] * amr)

    denom = scrow(17) + TC_LAYERS * am_sum
    h_sum = scrow(16) + jnp.sum(tc_ref[16])
    dotcnt = denom * (scrow(8) + mrow(8))
    for j in range(1, E):
        dotcnt += (scrow(j) + mrow(j)) * (scrow(8 + j) + mrow(8 + j))
    overall = dotcnt / (denom * denom)
    loss = h_sum / NUM_TOKENS * 0.001 + overall * (E * 0.001)
    out_ref[...] = loss * jnp.ones((1, 1), jnp.float32)


def kernel(gate_logits, attention_mask):
    x = jnp.transpose(gate_logits, (0, 2, 1))
    am = attention_mask.astype(jnp.float32).reshape(LAYER_TOKENS)
    mesh = plsc.VectorSubcoreMesh(
        core_axis_name="c", subcore_axis_name="s",
        num_cores=2, num_subcores=16)
    run = pl.kernel(
        _body,
        out_type=jax.ShapeDtypeStruct((NW, NSLOT, CHUNK), jnp.float32),
        mesh=mesh,
        scratch_types=[
            pltpu.VMEM((2, E, PIECE), jnp.float32),
            pltpu.VMEM((2, PIECE), jnp.float32),
            pltpu.VMEM((NSLOT, CHUNK), jnp.float32),
            pltpu.SemaphoreType.DMA,
            pltpu.SemaphoreType.DMA,
            pltpu.SemaphoreType.DMA,
            pltpu.SemaphoreType.DMA,
        ],
        compiler_params=pltpu.CompilerParams(needs_layout_passes=False),
    )
    parts = run(x, am)
    tc_parts = pl.pallas_call(
        _tc_body,
        grid=(TC_LAYERS,),
        in_specs=[
            pl.BlockSpec((1, E, LAYER_TOKENS),
                         lambda i: (i + SC_LAYERS, 0, 0)),
        ],
        out_specs=pl.BlockSpec((17, GRP, LANES), lambda i: (0, 0, 0)),
        out_shape=jax.ShapeDtypeStruct((17, GRP, LANES), jnp.float32),
    )(x)
    loss = pl.pallas_call(
        _ep_body,
        out_shape=jax.ShapeDtypeStruct((1, 1), jnp.float32),
    )(parts, tc_parts, am)
    return loss[0, 0]

# --- scband reference (transcript-rebuilt; emitter-appended) ---
"""Pipeline reference for scband-dyn-mole-router-loss-89103391523358 (READ-ONLY COPY).

The authoritative reference and input builder live on the scoring server;
editing this copy changes nothing except your own understanding.
"""

import jax, jax.numpy as jnp
import numpy as np

BROADCAST_THRESHOLD = 2.0
TOP_P = 0.75
EPS = 1e-05
AUX_LOSS_COEF = 0.001
DYN_LOSS_COEF = 0.001


def setup_inputs(seed: int = 0) -> dict:
    key = jax.random.key(seed)
    k1, k2 = jax.random.split(key)
    # gate_logits: stacked list of 24 layers, each [B*S, E] = [8192, 8]
    gate_logits = jax.random.normal(k1, (24, 8192, 8), dtype=jnp.float32)
    attention_mask = jax.random.randint(k2, (4, 2048), 0, 2).astype(jnp.int32)
    return {"gate_logits": gate_logits, "attention_mask": attention_mask}


def _entropy(p, eps):
    return -jnp.sum(p * jnp.log(p + eps), axis=-1)


def reference(gate_logits, attention_mask):
    num_experts = gate_logits.shape[-1]
    # _unpack_router_logits: concat each layer reshaped to [-1, E]
    routing_logits = gate_logits.reshape(-1, num_experts)
    routing_weights = jax.nn.softmax(routing_logits, axis=-1)
    # _dynamic_routing
    router_entropy = _entropy(routing_weights, EPS)
    broadcast_rows = router_entropy >= BROADCAST_THRESHOLD
    sorted_logits = -jnp.sort(-routing_weights, axis=-1)  # descending
    cumulative_probs = jnp.cumsum(sorted_logits, axis=-1)
    expert_mask = cumulative_probs > TOP_P
    threshold_indices = jnp.argmax(expert_mask.astype(jnp.int32), axis=-1)
    threshold_mask = jax.nn.one_hot(threshold_indices, num_experts, dtype=jnp.bool_)
    expert_mask = expert_mask & (~threshold_mask)
    # index_fill(0, broadcast_index, False) -> zero out mask on broadcast rows
    expert_mask = jnp.where(broadcast_rows[:, None], False, expert_mask)
    sorted_logits = jnp.where(expert_mask, 0.0, sorted_logits)
    entropy_loss = jnp.mean(router_entropy, axis=0)
    expert_binary = (sorted_logits > 0.0).astype(jnp.float32)
    batch_size, sequence_length = attention_mask.shape
    num_hidden_layers = sorted_logits.shape[0] // (batch_size * sequence_length)
    am = attention_mask.astype(jnp.float32)
    expert_attention_mask = jnp.broadcast_to(
        am[None, :, :, None], (num_hidden_layers, batch_size, sequence_length, num_experts)
    ).reshape(-1, num_experts)
    tokens_per_expert = jnp.sum(expert_binary * expert_attention_mask, axis=0) / jnp.sum(expert_attention_mask, axis=0)
    router_prob_per_expert = jnp.sum(sorted_logits * expert_attention_mask, axis=0) / jnp.sum(expert_attention_mask, axis=0)
    overall_loss = jnp.sum(tokens_per_expert * router_prob_per_expert)
    return entropy_loss * DYN_LOSS_COEF + overall_loss * num_experts * AUX_LOSS_COEF

if __name__ == "__main__":
    import jax
    _d = setup_inputs()
    print(jax.jit(kernel)(*tuple(_d.values())))

</pallas_src>

<mosaic_0001>
#map = affine_map<(d0, d1) -> (0, 0, 0)>
#map1 = affine_map<(d0, d1) -> (0)>
module attributes {stable_mosaic.version = 14 : i64} {
  func.func @_body(%arg0: i32, %arg1: i32, %arg2: memref<24x8x8192xf32, #tpu.memory_space<hbm>>, %arg3: memref<8192xf32, #tpu.memory_space<hbm>>, %arg4: memref<32x18x16xf32, #tpu.memory_space<hbm>>, %arg5: memref<2x8x1024xf32, #tpu.memory_space<vmem>>, %arg6: memref<2x1024xf32, #tpu.memory_space<vmem>>, %arg7: memref<18x16xf32, #tpu.memory_space<vmem>>, %arg8: memref<!tpu.dma_semaphore, #tpu.memory_space<semaphore_mem>>, %arg9: memref<!tpu.dma_semaphore, #tpu.memory_space<semaphore_mem>>, %arg10: memref<!tpu.dma_semaphore, #tpu.memory_space<semaphore_mem>>, %arg11: memref<!tpu.dma_semaphore, #tpu.memory_space<semaphore_mem>>) attributes {dimension_semantics = [#tpu.dimension_semantics<core_parallel>, #tpu.dimension_semantics<subcore_parallel>], iteration_bounds = array<i64: 2, 16>, scalar_prefetch = 0 : i64, scratch_operands = 7 : i64, tpu.core_type = #tpu.core_type<sc_vector_subcore>, window_params = [{transform_indices = #map}, {transform_indices = #map1}, {transform_indices = #map}]} {
    %mul3A = arith.constant 16 : i32
    %mul3A_0 = arith.muli %arg0, %mul3A : i32
    %add3A = arith.addi %mul3A_0, %arg1 : i32
    %broadcast_in_dim3A = arith.constant 0.000000e+00 : f32
    %broadcast_in_dim3A_1 = vector.broadcast %broadcast_in_dim3A : f32 to vector<16xf32>
    %swap3A = arith.constant 0 : i32
    %swap3A_2 = arith.index_cast %swap3A : i32 to index
    %swap3A_3 = arith.constant 0 : index
    %swap3A_4 = tpu.vector_load %arg7[%swap3A_2, %swap3A_3] {strides = array<i32>} : memref<18x16xf32, #tpu.memory_space<vmem>>, vector<16xf32>,
    tpu.vector_store %arg7[%swap3A_2, %swap3A_3], %broadcast_in_dim3A_1 {strides = array<i32>} : memref<18x16xf32, #tpu.memory_space<vmem>>, vector<16xf32>,
    %swap3A_5 = arith.constant 1 : i32
    %swap3A_6 = arith.index_cast %swap3A_5 : i32 to index
    %swap3A_7 = arith.constant 0 : index
    %swap3A_8 = tpu.vector_load %arg7[%swap3A_6, %swap3A_7] {strides = array<i32>} : memref<18x16xf32, #tpu.memory_space<vmem>>, vector<16xf32>,
    tpu.vector_store %arg7[%swap3A_6, %swap3A_7], %broadcast_in_dim3A_1 {strides = array<i32>} : memref<18x16xf32, #tpu.memory_space<vmem>>, vector<16xf32>,
    %swap3A_9 = arith.constant 2 : i32
    %swap3A_10 = arith.index_cast %swap3A_9 : i32 to index
    %swap3A_11 = arith.constant 0 : index
    %swap3A_12 = tpu.vector_load %arg7[%swap3A_10, %swap3A_11] {strides = array<i32>} : memref<18x16xf32, #tpu.memory_space<vmem>>, vector<16xf32>,
    tpu.vector_store %arg7[%swap3A_10, %swap3A_11], %broadcast_in_dim3A_1 {strides = array<i32>} : memref<18x16xf32, #tpu.memory_space<vmem>>, vector<16xf32>,
    %swap3A_13 = arith.constant 3 : i32
    %swap3A_14 = arith.index_cast %swap3A_13 : i32 to index
    %swap3A_15 = arith.constant 0 : index
    %swap3A_16 = tpu.vector_load %arg7[%swap3A_14, %swap3A_15] {strides = array<i32>} : memref<18x16xf32, #tpu.memory_space<vmem>>, vector<16xf32>,
    tpu.vector_store %arg7[%swap3A_14, %swap3A_15], %broadcast_in_dim3A_1 {strides = array<i32>} : memref<18x16xf32, #tpu.memory_space<vmem>>, vector<16xf32>,
    %swap3A_17 = arith.constant 4 : i32
    %swap3A_18 = arith.index_cast %swap3A_17 : i32 to index
    %swap3A_19 = arith.constant 0 : index
    %swap3A_20 = tpu.vector_load %arg7[%swap3A_18, %swap3A_19] {strides = array<i32>} : memref<18x16xf32, #tpu.memory_space<vmem>>, vector<16xf32>,
    tpu.vector_store %arg7[%swap3A_18, %swap3A_19], %broadcast_in_dim3A_1 {strides = array<i32>} : memref<18x16xf32, #tpu.memory_space<vmem>>, vector<16xf32>,
    %swap3A_21 = arith.constant 5 : i32
    %swap3A_22 = arith.index_cast %swap3A_21 : i32 to index
    %swap3A_23 = arith.constant 0 : index
    %swap3A_24 = tpu.vector_load %arg7[%swap3A_22, %swap3A_23] {strides = array<i32>} : memref<18x16xf32, #tpu.memory_space<vmem>>, vector<16xf32>,
    tpu.vector_store %arg7[%swap3A_22, %swap3A_23], %broadcast_in_dim3A_1 {strides = array<i32>} : memref<18x16xf32, #tpu.memory_space<vmem>>, vector<16xf32>,
    %swap3A_25 = arith.constant 6 : i32
    %swap3A_26 = arith.index_cast %swap3A_25 : i32 to index
    %swap3A_27 = arith.constant 0 : index
    %swap3A_28 = tpu.vector_load %arg7[%swap3A_26, %swap3A_27] {strides = array<i32>} : memref<18x16xf32, #tpu.memory_space<vmem>>, vector<16xf32>,
    tpu.vector_store %arg7[%swap3A_26, %swap3A_27], %broadcast_in_dim3A_1 {strides = array<i32>} : memref<18x16xf32, #tpu.memory_space<vmem>>, vector<16xf32>,
    %swap3A_29 = arith.constant 7 : i32
    %swap3A_30 = arith.index_cast %swap3A_29 : i32 to index
    %swap3A_31 = arith.constant 0 : index
    %swap3A_32 = tpu.vector_load %arg7[%swap3A_30, %swap3A_31] {strides = array<i32>} : memref<18x16xf32, #tpu.memory_space<vmem>>, vector<16xf32>,
    tpu.vector_store %arg7[%swap3A_30, %swap3A_31], %broadcast_in_dim3A_1 {strides = array<i32>} : memref<18x16xf32, #tpu.memory_space<vmem>>, vector<16xf32>,
    %swap3A_33 = arith.constant 8 : i32
    %swap3A_34 = arith.index_cast %swap3A_33 : i32 to index
    %swap3A_35 = arith.constant 0 : index
    %swap3A_36 = tpu.vector_load %arg7[%swap3A_34, %swap3A_35] {strides = array<i32>} : memref<18x16xf32, #tpu.memory_space<vmem>>, vector<16xf32>,
    tpu.vector_store %arg7[%swap3A_34, %swap3A_35], %broadcast_in_dim3A_1 {strides = array<i32>} : memref<18x16xf32, #tpu.memory_space<vmem>>, vector<16xf32>,
    %swap3A_37 = arith.constant 9 : i32
    %swap3A_38 = arith.index_cast %swap3A_37 : i32 to index
    %swap3A_39 = arith.constant 0 : index
    %swap3A_40 = tpu.vector_load %arg7[%swap3A_38, %swap3A_39] {strides = array<i32>} : memref<18x16xf32, #tpu.memory_space<vmem>>, vector<16xf32>,
    tpu.vector_store %arg7[%swap3A_38, %swap3A_39], %broadcast_in_dim3A_1 {strides = array<i32>} : memref<18x16xf32, #tpu.memory_space<vmem>>, vector<16xf32>,
    %swap3A_41 = arith.constant 10 : i32
    %swap3A_42 = arith.index_cast %swap3A_41 : i32 to index
    %swap3A_43 = arith.constant 0 : index
    %swap3A_44 = tpu.vector_load %arg7[%swap3A_42, %swap3A_43] {strides = array<i32>} : memref<18x16xf32, #tpu.memory_space<vmem>>, vector<16xf32>,
    tpu.vector_store %arg7[%swap3A_42, %swap3A_43], %broadcast_in_dim3A_1 {strides = array<i32>} : memref<18x16xf32, #tpu.memory_space<vmem>>, vector<16xf32>,
    %swap3A_45 = arith.constant 11 : i32
    %swap3A_46 = arith.index_cast %swap3A_45 : i32 to index
    %swap3A_47 = arith.constant 0 : index
    %swap3A_48 = tpu.vector_load %arg7[%swap3A_46, %swap3A_47] {strides = array<i32>} : memref<18x16xf32, #tpu.memory_space<vmem>>, vector<16xf32>,
    tpu.vector_store %arg7[%swap3A_46, %swap3A_47], %broadcast_in_dim3A_1 {strides = array<i32>} : memref<18x16xf32, #tpu.memory_space<vmem>>, vector<16xf32>,
    %swap3A_49 = arith.constant 12 : i32
    %swap3A_50 = arith.index_cast %swap3A_49 : i32 to index
    %swap3A_51 = arith.constant 0 : index
    %swap3A_52 = tpu.vector_load %arg7[%swap3A_50, %swap3A_51] {strides = array<i32>} : memref<18x16xf32, #tpu.memory_space<vmem>>, vector<16xf32>,
    tpu.vector_store %arg7[%swap3A_50, %swap3A_51], %broadcast_in_dim3A_1 {strides = array<i32>} : memref<18x16xf32, #tpu.memory_space<vmem>>, vector<16xf32>,
    %swap3A_53 = arith.constant 13 : i32
    %swap3A_54 = arith.index_cast %swap3A_53 : i32 to index
    %swap3A_55 = arith.constant 0 : index
    %swap3A_56 = tpu.vector_load %arg7[%swap3A_54, %swap3A_55] {strides = array<i32>} : memref<18x16xf32, #tpu.memory_space<vmem>>, vector<16xf32>,
    tpu.vector_store %arg7[%swap3A_54, %swap3A_55], %broadcast_in_dim3A_1 {strides = array<i32>} : memref<18x16xf32, #tpu.memory_space<vmem>>, vector<16xf32>,
    %swap3A_57 = arith.constant 14 : i32
    %swap3A_58 = arith.index_cast %swap3A_57 : i32 to index
    %swap3A_59 = arith.constant 0 : index
    %swap3A_60 = tpu.vector_load %arg7[%swap3A_58, %swap3A_59] {strides = array<i32>} : memref<18x16xf32, #tpu.memory_space<vmem>>, vector<16xf32>,
    tpu.vector_store %arg7[%swap3A_58, %swap3A_59], %broadcast_in_dim3A_1 {strides = array<i32>} : memref<18x16xf32, #tpu.memory_space<vmem>>, vector<16xf32>,
    %swap3A_61 = arith.constant 15 : i32
    %swap3A_62 = arith.index_cast %swap3A_61 : i32 to index
    %swap3A_63 = arith.constant 0 : index
    %swap3A_64 = tpu.vector_load %arg7[%swap3A_62, %swap3A_63] {strides = array<i32>} : memref<18x16xf32, #tpu.memory_space<vmem>>, vector<16xf32>,
    tpu.vector_store %arg7[%swap3A_62, %swap3A_63], %broadcast_in_dim3A_1 {strides = array<i32>} : memref<18x16xf32, #tpu.memory_space<vmem>>, vector<16xf32>,
    %swap3A_65 = arith.constant 16 : i32
    %swap3A_66 = arith.index_cast %swap3A_65 : i32 to index
    %swap3A_67 = arith.constant 0 : index
    %swap3A_68 = tpu.vector_load %arg7[%swap3A_66, %swap3A_67] {strides = array<i32>} : memref<18x16xf32, #tpu.memory_space<vmem>>, vector<16xf32>,
    tpu.vector_store %arg7[%swap3A_66, %swap3A_67], %broadcast_in_dim3A_1 {strides = array<i32>} : memref<18x16xf32, #tpu.memory_space<vmem>>, vector<16xf32>,
    %swap3A_69 = arith.constant 17 : i32
    %swap3A_70 = arith.index_cast %swap3A_69 : i32 to index
    %swap3A_71 = arith.constant 0 : index
    %swap3A_72 = tpu.vector_load %arg7[%swap3A_70, %swap3A_71] {strides = array<i32>} : memref<18x16xf32, #tpu.memory_space<vmem>>, vector<16xf32>,
    tpu.vector_store %arg7[%swap3A_70, %swap3A_71], %broadcast_in_dim3A_1 {strides = array<i32>} : memref<18x16xf32, #tpu.memory_space<vmem>>, vector<16xf32>,
    %mul3A_73 = arith.constant 2048 : i32
    %mul3A_74 = arith.muli %add3A, %mul3A_73 : i32
    %add3A_75 = arith.constant 0 : i32
    %add3A_76 = arith.addi %mul3A_74, %add3A_75 : i32
    %jit3A = arith.constant 8192 : i32
    %div3A = arith.divsi %add3A_76, %jit3A : i32
    %sign3A = arith.constant 0 : i32
    %sign3A_77 = arith.cmpi sgt, %add3A_76, %sign3A : i32
    %sign3A_78 = arith.extui %sign3A_77 : i1 to i32
    %sign3A_79 = arith.constant 0 : i32
    %sign3A_80 = arith.cmpi slt, %add3A_76, %sign3A_79 : i32
    %sign3A_81 = arith.extui %sign3A_80 : i1 to i32
    %sign3A_82 = arith.subi %sign3A_78, %sign3A_81 : i32
    %sign3A_83 = arith.constant 0 : i32
    %sign3A_84 = arith.cmpi sgt, %jit3A, %sign3A_83 : i32
    %sign3A_85 = arith.extui %sign3A_84 : i1 to i32
    %sign3A_86 = arith.constant 0 : i32
    %sign3A_87 = arith.cmpi slt, %jit3A, %sign3A_86 : i32
    %sign3A_88 = arith.extui %sign3A_87 : i1 to i32
    %sign3A_89 = arith.subi %sign3A_85, %sign3A_88 : i32
    %ne3A = arith.cmpi ne, %sign3A_82, %sign3A_89 : i32
    %rem3A = arith.remsi %add3A_76, %jit3A : i32
    %ne3A_90 = arith.constant 0 : i32
    %ne3A_91 = arith.cmpi ne, %rem3A, %ne3A_90 : i32
    %and3A = arith.andi %ne3A, %ne3A_91 : i1
    %sub3A = arith.constant 1 : i32
    %sub3A_92 = arith.subi %div3A, %sub3A : i32
    %select_n3A = arith.select %and3A, %sub3A_92, %div3A : i32
    %jit3A_93 = arith.constant 8192 : i32
    %eq3A = arith.constant 0 : i32
    %eq3A_94 = arith.cmpi eq, %jit3A_93, %eq3A : i32
    %jit3A_95 = arith.constant 1 : i32
    %select_n3A_96 = arith.select %eq3A_94, %jit3A_95, %jit3A_93 : i32
    %rem3A_97 = arith.remsi %add3A_76, %select_n3A_96 : i32
    %ne3A_98 = arith.constant 0 : i32
    %ne3A_99 = arith.cmpi ne, %rem3A_97, %ne3A_98 : i32
    %lt3A = arith.constant 0 : i32
    %lt3A_100 = arith.cmpi slt, %rem3A_97, %lt3A : i32
    %lt3A_101 = arith.constant 0 : i32
    %lt3A_102 = arith.cmpi slt, %select_n3A_96, %lt3A_101 : i32
    %ne3A_103 = arith.xori %lt3A_100, %lt3A_102 : i1
    %and3A_104 = arith.andi %ne3A_103, %ne3A_99 : i1
    %add3A_105 = arith.addi %rem3A_97, %select_n3A_96 : i32
    %select_n3A_106 = arith.select %and3A_104, %add3A_105, %rem3A_97 : i32
    %dma_start3A = arith.constant 0 : i32
    %dma_start3A_107 = arith.constant 0 : i32
    %dma_start3A_108 = arith.constant 0 : i32
    %dma_start3A_109 = tpu.memref_slice %arg5[%dma_start3A, %dma_start3A_107, %dma_start3A_108] : memref<2x8x1024xf32, #tpu.memory_space<vmem>> -> memref<1x8x1024xf32, #tpu.memory_space<vmem>>
    %dma_start3A_110 = tpu.memref_squeeze %dma_start3A_109 : memref<1x8x1024xf32, #tpu.memory_space<vmem>> -> memref<8x1024xf32, #tpu.memory_space<vmem>>
    %dma_start3A_111 = arith.constant 0 : i32
    %dma_start3A_112 = tpu.memref_slice %arg2[%select_n3A, %dma_start3A_111, %select_n3A_106] : memref<24x8x8192xf32, #tpu.memory_space<hbm>> -> memref<1x8x1024xf32, #tpu.memory_space<hbm>>
    %dma_start3A_113 = tpu.memref_squeeze %dma_start3A_112 : memref<1x8x1024xf32, #tpu.memory_space<hbm>> -> memref<8x1024xf32, #tpu.memory_space<hbm>>
    %dma_start3A_114 = arith.constant 0 : i32
    %dma_start3A_115 = arith.constant 0 : i32
    %dma_start3A_116 = tpu.memref_slice %arg5[%dma_start3A, %dma_start3A_114, %dma_start3A_115] : memref<2x8x1024xf32, #tpu.memory_space<vmem>> -> memref<1x8x1024xf32, #tpu.memory_space<vmem>>
    %dma_start3A_117 = tpu.memref_squeeze %dma_start3A_116 : memref<1x8x1024xf32, #tpu.memory_space<vmem>> -> memref<8x1024xf32, #tpu.memory_space<vmem>>
    %dma_start3A_118 = arith.constant 0 : i32
    %dma_start3A_119 = tpu.memref_slice %arg2[%select_n3A, %dma_start3A_118, %select_n3A_106] : memref<24x8x8192xf32, #tpu.memory_space<hbm>> -> memref<1x8x1024xf32, #tpu.memory_space<hbm>>
    %dma_start3A_120 = tpu.memref_squeeze %dma_start3A_119 : memref<1x8x1024xf32, #tpu.memory_space<hbm>> -> memref<8x1024xf32, #tpu.memory_space<hbm>>
    tpu.enqueue_dma source(%dma_start3A_120 : memref<8x1024xf32, #tpu.memory_space<hbm>>) target(%dma_start3A_117 : memref<8x1024xf32, #tpu.memory_space<vmem>>) target_semaphore(%arg8 : memref<!tpu.dma_semaphore, #tpu.memory_space<semaphore_mem>>)
    %dma_start3A_121 = arith.constant 0 : i32
    %dma_start3A_122 = arith.constant 0 : i32
    %dma_start3A_123 = tpu.memref_slice %arg6[%dma_start3A_121, %dma_start3A_122] : memref<2x1024xf32, #tpu.memory_space<vmem>> -> memref<1x1024xf32, #tpu.memory_space<vmem>>
    %dma_start3A_124 = tpu.memref_squeeze %dma_start3A_123 : memref<1x1024xf32, #tpu.memory_space<vmem>> -> memref<1024xf32, #tpu.memory_space<vmem>>
    %dma_start3A_125 = tpu.memref_slice %arg3[%select_n3A_106] : memref<8192xf32, #tpu.memory_space<hbm>> -> memref<1024xf32, #tpu.memory_space<hbm>>
    %dma_start3A_126 = arith.constant 0 : i32
    %dma_start3A_127 = tpu.memref_slice %arg6[%dma_start3A_121, %dma_start3A_126] : memref<2x1024xf32, #tpu.memory_space<vmem>> -> memref<1x1024xf32, #tpu.memory_space<vmem>>
    %dma_start3A_128 = tpu.memref_squeeze %dma_start3A_127 : memref<1x1024xf32, #tpu.memory_space<vmem>> -> memref<1024xf32, #tpu.memory_space<vmem>>
    %dma_start3A_129 = tpu.memref_slice %arg3[%select_n3A_106] : memref<8192xf32, #tpu.memory_space<hbm>> -> memref<1024xf32, #tpu.memory_space<hbm>>
    tpu.enqueue_dma source(%dma_start3A_129 : memref<1024xf32, #tpu.memory_space<hbm>>) target(%dma_start3A_128 : memref<1024xf32, #tpu.memory_space<vmem>>) target_semaphore(%arg10 : memref<!tpu.dma_semaphore, #tpu.memory_space<semaphore_mem>>)
    %mul3A_130 = arith.constant 2048 : i32
    %mul3A_131 = arith.muli %add3A, %mul3A_130 : i32
    %add3A_132 = arith.constant 1024 : i32
    %add3A_133 = arith.addi %mul3A_131, %add3A_132 : i32
    %jit3A_134 = arith.constant 8192 : i32
    %div3A_135 = arith.divsi %add3A_133, %jit3A_134 : i32
    %sign3A_136 = arith.constant 0 : i32
    %sign3A_137 = arith.cmpi sgt, %add3A_133, %sign3A_136 : i32
    %sign3A_138 = arith.extui %sign3A_137 : i1 to i32
    %sign3A_139 = arith.constant 0 : i32
    %sign3A_140 = arith.cmpi slt, %add3A_133, %sign3A_139 : i32
    %sign3A_141 = arith.extui %sign3A_140 : i1 to i32
    %sign3A_142 = arith.subi %sign3A_138, %sign3A_141 : i32
    %sign3A_143 = arith.constant 0 : i32
    %sign3A_144 = arith.cmpi sgt, %jit3A_134, %sign3A_143 : i32
    %sign3A_145 = arith.extui %sign3A_144 : i1 to i32
    %sign3A_146 = arith.constant 0 : i32
    %sign3A_147 = arith.cmpi slt, %jit3A_134, %sign3A_146 : i32
    %sign3A_148 = arith.extui %sign3A_147 : i1 to i32
    %sign3A_149 = arith.subi %sign3A_145, %sign3A_148 : i32
    %ne3A_150 = arith.cmpi ne, %sign3A_142, %sign3A_149 : i32
    %rem3A_151 = arith.remsi %add3A_133, %jit3A_134 : i32
    %ne3A_152 = arith.constant 0 : i32
    %ne3A_153 = arith.cmpi ne, %rem3A_151, %ne3A_152 : i32
    %and3A_154 = arith.andi %ne3A_150, %ne3A_153 : i1
    %sub3A_155 = arith.constant 1 : i32
    %sub3A_156 = arith.subi %div3A_135, %sub3A_155 : i32
    %select_n3A_157 = arith.select %and3A_154, %sub3A_156, %div3A_135 : i32
    %jit3A_158 = arith.constant 8192 : i32
    %eq3A_159 = arith.constant 0 : i32
    %eq3A_160 = arith.cmpi eq, %jit3A_158, %eq3A_159 : i32
    %jit3A_161 = arith.constant 1 : i32
    %select_n3A_162 = arith.select %eq3A_160, %jit3A_161, %jit3A_158 : i32
    %rem3A_163 = arith.remsi %add3A_133, %select_n3A_162 : i32
    %ne3A_164 = arith.constant 0 : i32
    %ne3A_165 = arith.cmpi ne, %rem3A_163, %ne3A_164 : i32
    %lt3A_166 = arith.constant 0 : i32
    %lt3A_167 = arith.cmpi slt, %rem3A_163, %lt3A_166 : i32
    %lt3A_168 = arith.constant 0 : i32
    %lt3A_169 = arith.cmpi slt, %select_n3A_162, %lt3A_168 : i32
    %ne3A_170 = arith.xori %lt3A_167, %lt3A_169 : i1
    %and3A_171 = arith.andi %ne3A_170, %ne3A_165 : i1
    %add3A_172 = arith.addi %rem3A_163, %select_n3A_162 : i32
    %select_n3A_173 = arith.select %and3A_171, %add3A_172, %rem3A_163 : i32
    %dma_start3A_174 = arith.constant 1 : i32
    %dma_start3A_175 = arith.constant 0 : i32
    %dma_start3A_176 = arith.constant 0 : i32
    %dma_start3A_177 = tpu.memref_slice %arg5[%dma_start3A_174, %dma_start3A_175, %dma_start3A_176] : memref<2x8x1024xf32, #tpu.memory_space<vmem>> -> memref<1x8x1024xf32, #tpu.memory_space<vmem>>
    %dma_start3A_178 = tpu.memref_squeeze %dma_start3A_177 : memref<1x8x1024xf32, #tpu.memory_space<vmem>> -> memref<8x1024xf32, #tpu.memory_space<vmem>>
    %dma_start3A_179 = arith.constant 0 : i32
    %dma_start3A_180 = tpu.memref_slice %arg2[%select_n3A_157, %dma_start3A_179, %select_n3A_173] : memref<24x8x8192xf32, #tpu.memory_space<hbm>> -> memref<1x8x1024xf32, #tpu.memory_space<hbm>>
    %dma_start3A_181 = tpu.memref_squeeze %dma_start3A_180 : memref<1x8x1024xf32, #tpu.memory_space<hbm>> -> memref<8x1024xf32, #tpu.memory_space<hbm>>
    %dma_start3A_182 = arith.constant 0 : i32
    %dma_start3A_183 = arith.constant 0 : i32
    %dma_start3A_184 = tpu.memref_slice %arg5[%dma_start3A_174, %dma_start3A_182, %dma_start3A_183] : memref<2x8x1024xf32, #tpu.memory_space<vmem>> -> memref<1x8x1024xf32, #tpu.memory_space<vmem>>
    %dma_start3A_185 = tpu.memref_squeeze %dma_start3A_184 : memref<1x8x1024xf32, #tpu.memory_space<vmem>> -> memref<8x1024xf32, #tpu.memory_space<vmem>>
    %dma_start3A_186 = arith.constant 0 : i32
    %dma_start3A_187 = tpu.memref_slice %arg2[%select_n3A_157, %dma_start3A_186, %select_n3A_173] : memref<24x8x8192xf32, #tpu.memory_space<hbm>> -> memref<1x8x1024xf32, #tpu.memory_space<hbm>>
    %dma_start3A_188 = tpu.memref_squeeze %dma_start3A_187 : memref<1x8x1024xf32, #tpu.memory_space<hbm>> -> memref<8x1024xf32, #tpu.memory_space<hbm>>
    tpu.enqueue_dma source(%dma_start3A_188 : memref<8x1024xf32, #tpu.memory_space<hbm>>) target(%dma_start3A_185 : memref<8x1024xf32, #tpu.memory_space<vmem>>) target_semaphore(%arg9 : memref<!tpu.dma_semaphore, #tpu.memory_space<semaphore_mem>>)
    %dma_start3A_189 = arith.constant 1 : i32
    %dma_start3A_190 = arith.constant 0 : i32
    %dma_start3A_191 = tpu.memref_slice %arg6[%dma_start3A_189, %dma_start3A_190] : memref<2x1024xf32, #tpu.memory_space<vmem>> -> memref<1x1024xf32, #tpu.memory_space<vmem>>
    %dma_start3A_192 = tpu.memref_squeeze %dma_start3A_191 : memref<1x1024xf32, #tpu.memory_space<vmem>> -> memref<1024xf32, #tpu.memory_space<vmem>>
    %dma_start3A_193 = tpu.memref_slice %arg3[%select_n3A_173] : memref<8192xf32, #tpu.memory_space<hbm>> -> memref<1024xf32, #tpu.memory_space<hbm>>
    %dma_start3A_194 = arith.constant 0 : i32
    %dma_start3A_195 = tpu.memref_slice %arg6[%dma_start3A_189, %dma_start3A_194] : memref<2x1024xf32, #tpu.memory_space<vmem>> -> memref<1x1024xf32, #tpu.memory_space<vmem>>
    %dma_start3A_196 = tpu.memref_squeeze %dma_start3A_195 : memref<1x1024xf32, #tpu.memory_space<vmem>> -> memref<1024xf32, #tpu.memory_space<vmem>>
    %dma_start3A_197 = tpu.memref_slice %arg3[%select_n3A_173] : memref<8192xf32, #tpu.memory_space<hbm>> -> memref<1024xf32, #tpu.memory_space<hbm>>
    tpu.enqueue_dma source(%dma_start3A_197 : memref<1024xf32, #tpu.memory_space<hbm>>) target(%dma_start3A_196 : memref<1024xf32, #tpu.memory_space<vmem>>) target_semaphore(%arg11 : memref<!tpu.dma_semaphore, #tpu.memory_space<semaphore_mem>>)
    %dma_wait3A = arith.constant 0 : i32
    %dma_wait3A_198 = arith.constant 0 : i32
    %dma_wait3A_199 = arith.constant 0 : i32
    %dma_wait3A_200 = tpu.memref_slice %arg5[%dma_wait3A, %dma_wait3A_198, %dma_wait3A_199] : memref<2x8x1024xf32, #tpu.memory_space<vmem>> -> memref<1x8x1024xf32, #tpu.memory_space<vmem>>
    %dma_wait3A_201 = tpu.memref_squeeze %dma_wait3A_200 : memref<1x8x1024xf32, #tpu.memory_space<vmem>> -> memref<8x1024xf32, #tpu.memory_space<vmem>>
    %dma_wait3A_202 = arith.constant 0 : i32
    %dma_wait3A_203 = tpu.memref_slice %arg2[%select_n3A, %dma_wait3A_202, %select_n3A_106] : memref<24x8x8192xf32, #tpu.memory_space<hbm>> -> memref<1x8x1024xf32, #tpu.memory_space<hbm>>
    %dma_wait3A_204 = tpu.memref_squeeze %dma_wait3A_203 : memref<1x8x1024xf32, #tpu.memory_space<hbm>> -> memref<8x1024xf32, #tpu.memory_space<hbm>>
    %dma_wait3A_205 = arith.constant 0 : i32
    %dma_wait3A_206 = arith.constant 0 : i32
    %dma_wait3A_207 = tpu.memref_slice %arg5[%dma_wait3A, %dma_wait3A_205, %dma_wait3A_206] : memref<2x8x1024xf32, #tpu.memory_space<vmem>> -> memref<1x8x1024xf32, #tpu.memory_space<vmem>>
    %dma_wait3A_208 = tpu.memref_squeeze %dma_wait3A_207 : memref<1x8x1024xf32, #tpu.memory_space<vmem>> -> memref<8x1024xf32, #tpu.memory_space<vmem>>
    %dma_wait3A_209 = arith.constant 0 : i32
    %dma_wait3A_210 = tpu.memref_slice %arg2[%select_n3A, %dma_wait3A_209, %select_n3A_106] : memref<24x8x8192xf32, #tpu.memory_space<hbm>> -> memref<1x8x1024xf32, #tpu.memory_space<hbm>>
    %dma_wait3A_211 = tpu.memref_squeeze %dma_wait3A_210 : memref<1x8x1024xf32, #tpu.memory_space<hbm>> -> memref<8x1024xf32, #tpu.memory_space<hbm>>
    tpu.wait_dma2 semaphore(%arg8 : memref<!tpu.dma_semaphore, #tpu.memory_space<semaphore_mem>>) src(%dma_wait3A_211 : memref<8x1024xf32, #tpu.memory_space<hbm>>) dst(%dma_wait3A_208 : memref<8x1024xf32, #tpu.memory_space<vmem>>)
    %dma_wait3A_212 = arith.constant 0 : i32
    %dma_wait3A_213 = arith.constant 0 : i32
    %dma_wait3A_214 = tpu.memref_slice %arg6[%dma_wait3A_212, %dma_wait3A_213] : memref<2x1024xf32, #tpu.memory_space<vmem>> -> memref<1x1024xf32, #tpu.memory_space<vmem>>
    %dma_wait3A_215 = tpu.memref_squeeze %dma_wait3A_214 : memref<1x1024xf32, #tpu.memory_space<vmem>> -> memref<1024xf32, #tpu.memory_space<vmem>>
    %dma_wait3A_216 = tpu.memref_slice %arg3[%select_n3A_106] : memref<8192xf32, #tpu.memory_space<hbm>> -> memref<1024xf32, #tpu.memory_space<hbm>>
    %dma_wait3A_217 = arith.constant 0 : i32
    %dma_wait3A_218 = tpu.memref_slice %arg6[%dma_wait3A_212, %dma_wait3A_217] : memref<2x1024xf32, #tpu.memory_space<vmem>> -> memref<1x1024xf32, #tpu.memory_space<vmem>>
    %dma_wait3A_219 = tpu.memref_squeeze %dma_wait3A_218 : memref<1x1024xf32, #tpu.memory_space<vmem>> -> memref<1024xf32, #tpu.memory_space<vmem>>
    %dma_wait3A_220 = tpu.memref_slice %arg3[%select_n3A_106] : memref<8192xf32, #tpu.memory_space<hbm>> -> memref<1024xf32, #tpu.memory_space<hbm>>
    tpu.wait_dma2 semaphore(%arg10 : memref<!tpu.dma_semaphore, #tpu.memory_space<semaphore_mem>>) src(%dma_wait3A_220 : memref<1024xf32, #tpu.memory_space<hbm>>) dst(%dma_wait3A_219 : memref<1024xf32, #tpu.memory_space<vmem>>)
    %scan3A = arith.constant 0 : i32
    %scan3A_221 = arith.constant 0 : i32
    %scan3A_222 = arith.constant 32 : i32
    %scan3A_223 = arith.addi %scan3A_221, %scan3A_222 : i32
    %scan3A_224 = arith.constant 1 : i32
    scf.for %scan3A_256 = %scan3A_221 to %scan3A_223 step %scan3A_224  : i32 {
      %mul3A_257 = arith.constant 2 : i32
      %mul3A_258 = arith.muli %mul3A_257, %scan3A_256 : i32
      %mul3A_259 = arith.constant 16 : i32
      %mul3A_260 = arith.muli %mul3A_258, %mul3A_259 : i32
      %get3A = arith.constant 0 : i32
      %get3A_261 = arith.constant 0 : i32
      %get3A_262 = arith.index_cast %get3A : i32 to index
      %get3A_263 = arith.index_cast %get3A_261 : i32 to index
      %get3A_264 = arith.index_cast %mul3A_260 : i32 to index
      %get3A_265 = tpu.vector_load %arg5[%get3A_262, %get3A_263, %get3A_264] {strides = array<i32>} : memref<2x8x1024xf32, #tpu.memory_space<vmem>>, vector<16xf32>,
      %mul3A_266 = arith.constant 16 : i32
      %mul3A_267 = arith.muli %mul3A_258, %mul3A_266 : i32
      %get3A_268 = arith.constant 0 : i32
      %get3A_269 = arith.constant 1 : i32
      %get3A_270 = arith.index_cast %get3A_268 : i32 to index
      %get3A_271 = arith.index_cast %get3A_269 : i32 to index
      %get3A_272 = arith.index_cast %mul3A_267 : i32 to index
      %get3A_273 = tpu.vector_load %arg5[%get3A_270, %get3A_271, %get3A_272] {strides = array<i32>} : memref<2x8x1024xf32, #tpu.memory_space<vmem>>, vector<16xf32>,
      %mul3A_274 = arith.constant 16 : i32
      %mul3A_275 = arith.muli %mul3A_258, %mul3A_274 : i32
      %get3A_276 = arith.constant 0 : i32
      %get3A_277 = arith.constant 2 : i32
      %get3A_278 = arith.index_cast %get3A_276 : i32 to index
      %get3A_279 = arith.index_cast %get3A_277 : i32 to index
      %get3A_280 = arith.index_cast %mul3A_275 : i32 to index
      %get3A_281 = tpu.vector_load %arg5[%get3A_278, %get3A_279, %get3A_280] {strides = array<i32>} : memref<2x8x1024xf32, #tpu.memory_space<vmem>>, vector<16xf32>,
      %mul3A_282 = arith.constant 16 : i32
      %mul3A_283 = arith.muli %mul3A_258, %mul3A_282 : i32
      %get3A_284 = arith.constant 0 : i32
      %get3A_285 = arith.constant 3 : i32
      %get3A_286 = arith.index_cast %get3A_284 : i32 to index
      %get3A_287 = arith.index_cast %get3A_285 : i32 to index
      %get3A_288 = arith.index_cast %mul3A_283 : i32 to index
      %get3A_289 = tpu.vector_load %arg5[%get3A_286, %get3A_287, %get3A_288] {strides = array<i32>} : memref<2x8x1024xf32, #tpu.memory_space<vmem>>, vector<16xf32>,
      %mul3A_290 = arith.constant 16 : i32
      %mul3A_291 = arith.muli %mul3A_258, %mul3A_290 : i32
      %get3A_292 = arith.constant 0 : i32
      %get3A_293 = arith.constant 4 : i32
      %get3A_294 = arith.index_cast %get3A_292 : i32 to index
      %get3A_295 = arith.index_cast %get3A_293 : i32 to index
      %get3A_296 = arith.index_cast %mul3A_291 : i32 to index
      %get3A_297 = tpu.vector_load %arg5[%get3A_294, %get3A_295, %get3A_296] {strides = array<i32>} : memref<2x8x1024xf32, #tpu.memory_space<vmem>>, vector<16xf32>,
      %mul3A_298 = arith.constant 16 : i32
      %mul3A_299 = arith.muli %mul3A_258, %mul3A_298 : i32
      %get3A_300 = arith.constant 0 : i32
      %get3A_301 = arith.constant 5 : i32
      %get3A_302 = arith.index_cast %get3A_300 : i32 to index
      %get3A_303 = arith.index_cast %get3A_301 : i32 to index
      %get3A_304 = arith.index_cast %mul3A_299 : i32 to index
      %get3A_305 = tpu.vector_load %arg5[%get3A_302, %get3A_303, %get3A_304] {strides = array<i32>} : memref<2x8x1024xf32, #tpu.memory_space<vmem>>, vector<16xf32>,
      %mul3A_306 = arith.constant 16 : i32
      %mul3A_307 = arith.muli %mul3A_258, %mul3A_306 : i32
      %get3A_308 = arith.constant 0 : i32
      %get3A_309 = arith.constant 6 : i32
      %get3A_310 = arith.index_cast %get3A_308 : i32 to index
      %get3A_311 = arith.index_cast %get3A_309 : i32 to index
      %get3A_312 = arith.index_cast %mul3A_307 : i32 to index
      %get3A_313 = tpu.vector_load %arg5[%get3A_310, %get3A_311, %get3A_312] {strides = array<i32>} : memref<2x8x1024xf32, #tpu.memory_space<vmem>>, vector<16xf32>,
      %mul3A_314 = arith.constant 16 : i32
      %mul3A_315 = arith.muli %mul3A_258, %mul3A_314 : i32
      %get3A_316 = arith.constant 0 : i32
      %get3A_317 = arith.constant 7 : i32
      %get3A_318 = arith.index_cast %get3A_316 : i32 to index
      %get3A_319 = arith.index_cast %get3A_317 : i32 to index
      %get3A_320 = arith.index_cast %mul3A_315 : i32 to index
      %get3A_321 = tpu.vector_load %arg5[%get3A_318, %get3A_319, %get3A_320] {strides = array<i32>} : memref<2x8x1024xf32, #tpu.memory_space<vmem>>, vector<16xf32>,
      %mul3A_322 = arith.constant 16 : i32
      %mul3A_323 = arith.muli %mul3A_258, %mul3A_322 : i32
      %get3A_324 = arith.constant 0 : i32
      %get3A_325 = arith.index_cast %get3A_324 : i32 to index
      %get3A_326 = arith.index_cast %mul3A_323 : i32 to index
      %get3A_327 = tpu.vector_load %arg6[%get3A_325, %get3A_326] {strides = array<i32>} : memref<2x1024xf32, #tpu.memory_space<vmem>>, vector<16xf32>,
      %exp3A = math.exp %get3A_265 : vector<16xf32>
      %exp3A_328 = math.exp %get3A_273 : vector<16xf32>
      %exp3A_329 = math.exp %get3A_281 : vector<16xf32>
      %exp3A_330 = math.exp %get3A_289 : vector<16xf32>
      %exp3A_331 = math.exp %get3A_297 : vector<16xf32>
      %exp3A_332 = math.exp %get3A_305 : vector<16xf32>
      %exp3A_333 = math.exp %get3A_313 : vector<16xf32>
      %exp3A_334 = math.exp %get3A_321 : vector<16xf32>
      %add3A_335 = arith.addf %exp3A, %exp3A_328 : vector<16xf32>
      %add3A_336 = arith.addf %exp3A_329, %exp3A_330 : vector<16xf32>
      %add3A_337 = arith.addf %add3A_335, %add3A_336 : vector<16xf32>
      %add3A_338 = arith.addf %exp3A_331, %exp3A_332 : vector<16xf32>
      %add3A_339 = arith.addf %exp3A_333, %exp3A_334 : vector<16xf32>
      %add3A_340 = arith.addf %add3A_338, %add3A_339 : vector<16xf32>
      %add3A_341 = arith.addf %add3A_337, %add3A_340 : vector<16xf32>
      %div3A_342 = arith.constant 1.000000e+00 : f32
      %div3A_343 = vector.broadcast %div3A_342 : f32 to vector<16xf32>
      %div3A_344 = arith.divf %div3A_343, %add3A_341 : vector<16xf32>
      %mul3A_345 = arith.mulf %exp3A, %div3A_344 : vector<16xf32>
      %mul3A_346 = arith.mulf %exp3A_328, %div3A_344 : vector<16xf32>
      %mul3A_347 = arith.mulf %exp3A_329, %div3A_344 : vector<16xf32>
      %mul3A_348 = arith.mulf %exp3A_330, %div3A_344 : vector<16xf32>
      %mul3A_349 = arith.mulf %exp3A_331, %div3A_344 : vector<16xf32>
      %mul3A_350 = arith.mulf %exp3A_332, %div3A_344 : vector<16xf32>
      %mul3A_351 = arith.mulf %exp3A_333, %div3A_344 : vector<16xf32>
      %mul3A_352 = arith.mulf %exp3A_334, %div3A_344 : vector<16xf32>
      %mul3A_353 = arith.mulf %mul3A_345, %get3A_265 : vector<16xf32>
      %mul3A_354 = arith.mulf %mul3A_346, %get3A_273 : vector<16xf32>
      %add3A_355 = arith.addf %mul3A_353, %mul3A_354 : vector<16xf32>
      %mul3A_356 = arith.mulf %mul3A_347, %get3A_281 : vector<16xf32>
      %mul3A_357 = arith.mulf %mul3A_348, %get3A_289 : vector<16xf32>
      %add3A_358 = arith.addf %mul3A_356, %mul3A_357 : vector<16xf32>
      %add3A_359 = arith.addf %add3A_355, %add3A_358 : vector<16xf32>
      %mul3A_360 = arith.mulf %mul3A_349, %get3A_297 : vector<16xf32>
      %mul3A_361 = arith.mulf %mul3A_350, %get3A_305 : vector<16xf32>
      %add3A_362 = arith.addf %mul3A_360, %mul3A_361 : vector<16xf32>
      %mul3A_363 = arith.mulf %mul3A_351, %get3A_313 : vector<16xf32>
      %mul3A_364 = arith.mulf %mul3A_352, %get3A_321 : vector<16xf32>
      %add3A_365 = arith.addf %mul3A_363, %mul3A_364 : vector<16xf32>
      %add3A_366 = arith.addf %add3A_362, %add3A_365 : vector<16xf32>
      %add3A_367 = arith.addf %add3A_359, %add3A_366 : vector<16xf32>
      %bitcast_convert_type3A = tpu.bitcast %add3A_341 : vector<16xf32> -> vector<16xi32>
      %shift_right_arithmetic3A = arith.constant 23 : i32
      %shift_right_arithmetic3A_368 = vector.broadcast %shift_right_arithmetic3A : i32 to vector<16xi32>
      %shift_right_arithmetic3A_369 = arith.shrsi %bitcast_convert_type3A, %shift_right_arithmetic3A_368 : vector<16xi32>
      %and3A_370 = arith.constant 255 : i32
      %and3A_371 = vector.broadcast %and3A_370 : i32 to vector<16xi32>
      %and3A_372 = arith.andi %shift_right_arithmetic3A_369, %and3A_371 : vector<16xi32>
      %and3A_373 = arith.constant 8388607 : i32
      %and3A_374 = vector.broadcast %and3A_373 : i32 to vector<16xi32>
      %and3A_375 = arith.andi %bitcast_convert_type3A, %and3A_374 : vector<16xi32>
      %or3A = arith.constant 1065353216 : i32
      %or3A_376 = vector.broadcast %or3A : i32 to vector<16xi32>
      %or3A_377 = arith.ori %and3A_375, %or3A_376 : vector<16xi32>
      %bitcast_convert_type3A_378 = tpu.bitcast %or3A_377 : vector<16xi32> -> vector<16xf32>
      %sub3A_379 = arith.constant 127 : i32
      %sub3A_380 = vector.broadcast %sub3A_379 : i32 to vector<16xi32>
      %sub3A_381 = arith.subi %and3A_372, %sub3A_380 : vector<16xi32>
      %convert_element_type3A = arith.sitofp %sub3A_381 : vector<16xi32> to vector<16xf32>
      %sub3A_382 = arith.constant 1.000000e+00 : f32
      %sub3A_383 = vector.broadcast %sub3A_382 : f32 to vector<16xf32>
      %sub3A_384 = arith.subf %bitcast_convert_type3A_378, %sub3A_383 : vector<16xf32>
      %add3A_385 = arith.constant 1.000000e+00 : f32
      %add3A_386 = vector.broadcast %add3A_385 : f32 to vector<16xf32>
      %add3A_387 = arith.addf %bitcast_convert_type3A_378, %add3A_386 : vector<16xf32>
      %div3A_388 = arith.divf %sub3A_384, %add3A_387 : vector<16xf32>
      %mul3A_389 = arith.mulf %div3A_388, %div3A_388 : vector<16xf32>
      %mul3A_390 = arith.constant 0.142857149 : f32
      %mul3A_391 = vector.broadcast %mul3A_390 : f32 to vector<16xf32>
      %mul3A_392 = arith.mulf %mul3A_389, %mul3A_391 : vector<16xf32>
      %add3A_393 = arith.constant 2.000000e-01 : f32
      %add3A_394 = vector.broadcast %add3A_393 : f32 to vector<16xf32>
      %add3A_395 = arith.addf %add3A_394, %mul3A_392 : vector<16xf32>
      %mul3A_396 = arith.mulf %mul3A_389, %add3A_395 : vector<16xf32>
      %add3A_397 = arith.constant 0.333333343 : f32
      %add3A_398 = vector.broadcast %add3A_397 : f32 to vector<16xf32>
      %add3A_399 = arith.addf %add3A_398, %mul3A_396 : vector<16xf32>
      %mul3A_400 = arith.mulf %mul3A_389, %add3A_399 : vector<16xf32>
      %add3A_401 = arith.constant 1.000000e+00 : f32
      %add3A_402 = vector.broadcast %add3A_401 : f32 to vector<16xf32>
      %add3A_403 = arith.addf %add3A_402, %mul3A_400 : vector<16xf32>
      %mul3A_404 = arith.constant 0.693147182 : f32
      %mul3A_405 = vector.broadcast %mul3A_404 : f32 to vector<16xf32>
      %mul3A_406 = arith.mulf %convert_element_type3A, %mul3A_405 : vector<16xf32>
      %mul3A_407 = arith.constant 2.000000e+00 : f32
      %mul3A_408 = vector.broadcast %mul3A_407 : f32 to vector<16xf32>
      %mul3A_409 = arith.mulf %mul3A_408, %div3A_388 : vector<16xf32>
      %mul3A_410 = arith.mulf %mul3A_409, %add3A_403 : vector<16xf32>
      %add3A_411 = arith.addf %mul3A_406, %mul3A_410 : vector<16xf32>
      %sub3A_412 = arith.subf %add3A_411, %add3A_367 : vector<16xf32>
      %ge3A = arith.constant 2.000000e+00 : f32
      %ge3A_413 = vector.broadcast %ge3A : f32 to vector<16xf32>
      %ge3A_414 = arith.cmpf oge, %sub3A_412, %ge3A_413 : vector<16xf32>
      %jit3A_415 = arith.constant 2.000000e+00 : f32
      %jit3A_416 = arith.constant 7.500000e-01 : f32
      %broadcast_in_dim3A_417 = vector.broadcast %jit3A_415 : f32 to vector<16xf32>
      %broadcast_in_dim3A_418 = vector.broadcast %jit3A_416 : f32 to vector<16xf32>
      %select_n3A_419 = arith.select %ge3A_414, %broadcast_in_dim3A_417, %broadcast_in_dim3A_418 : vector<16xi1>, vector<16xf32>
      %max3A = arith.maximumf %mul3A_345, %mul3A_346 : vector<16xf32>
      %min3A = arith.minimumf %mul3A_345, %mul3A_346 : vector<16xf32>
      %max3A_420 = arith.maximumf %mul3A_347, %mul3A_348 : vector<16xf32>
      %min3A_421 = arith.minimumf %mul3A_347, %mul3A_348 : vector<16xf32>
      %max3A_422 = arith.maximumf %mul3A_349, %mul3A_350 : vector<16xf32>
      %min3A_423 = arith.minimumf %mul3A_349, %mul3A_350 : vector<16xf32>
      %max3A_424 = arith.maximumf %mul3A_351, %mul3A_352 : vector<16xf32>
      %min3A_425 = arith.minimumf %mul3A_351, %mul3A_352 : vector<16xf32>
      %max3A_426 = arith.maximumf %max3A, %max3A_420 : vector<16xf32>
      %min3A_427 = arith.minimumf %max3A, %max3A_420 : vector<16xf32>
      %max3A_428 = arith.maximumf %min3A, %min3A_421 : vector<16xf32>
      %min3A_429 = arith.minimumf %min3A, %min3A_421 : vector<16xf32>
      %max3A_430 = arith.maximumf %max3A_422, %max3A_424 : vector<16xf32>
      %min3A_431 = arith.minimumf %max3A_422, %max3A_424 : vector<16xf32>
      %max3A_432 = arith.maximumf %min3A_423, %min3A_425 : vector<16xf32>
      %min3A_433 = arith.minimumf %min3A_423, %min3A_425 : vector<16xf32>
      %max3A_434 = arith.maximumf %max3A_428, %min3A_427 : vector<16xf32>
      %min3A_435 = arith.minimumf %max3A_428, %min3A_427 : vector<16xf32>
      %max3A_436 = arith.maximumf %max3A_432, %min3A_431 : vector<16xf32>
      %min3A_437 = arith.minimumf %max3A_432, %min3A_431 : vector<16xf32>
      %max3A_438 = arith.maximumf %max3A_426, %max3A_430 : vector<16xf32>
      %min3A_439 = arith.minimumf %max3A_426, %max3A_430 : vector<16xf32>
      %max3A_440 = arith.maximumf %max3A_434, %max3A_436 : vector<16xf32>
      %min3A_441 = arith.minimumf %max3A_434, %max3A_436 : vector<16xf32>
      %max3A_442 = arith.maximumf %min3A_435, %min3A_437 : vector<16xf32>
      %min3A_443 = arith.minimumf %min3A_435, %min3A_437 : vector<16xf32>
      %max3A_444 = arith.maximumf %min3A_429, %min3A_433 : vector<16xf32>
      %min3A_445 = arith.minimumf %min3A_429, %min3A_433 : vector<16xf32>
      %max3A_446 = arith.maximumf %max3A_442, %min3A_439 : vector<16xf32>
      %min3A_447 = arith.minimumf %max3A_442, %min3A_439 : vector<16xf32>
      %max3A_448 = arith.maximumf %max3A_444, %min3A_441 : vector<16xf32>
      %min3A_449 = arith.minimumf %max3A_444, %min3A_441 : vector<16xf32>
      %max3A_450 = arith.maximumf %max3A_440, %max3A_446 : vector<16xf32>
      %min3A_451 = arith.minimumf %max3A_440, %max3A_446 : vector<16xf32>
      %max3A_452 = arith.maximumf %max3A_448, %min3A_447 : vector<16xf32>
      %min3A_453 = arith.minimumf %max3A_448, %min3A_447 : vector<16xf32>
      %max3A_454 = arith.maximumf %min3A_449, %min3A_443 : vector<16xf32>
      %min3A_455 = arith.minimumf %min3A_449, %min3A_443 : vector<16xf32>
      %mul3A_456 = arith.mulf %get3A_327, %max3A_438 : vector<16xf32>
      %swap3A_457 = arith.constant 8 : i32
      %swap3A_458 = arith.index_cast %swap3A_457 : i32 to index
      %swap3A_459 = arith.constant 0 : index
      %swap3A_460 = tpu.vector_load %arg7[%swap3A_458, %swap3A_459] {strides = array<i32>} : memref<18x16xf32, #tpu.memory_space<vmem>>, vector<16xf32>,
      tpu.vector_store %arg7[%swap3A_458, %swap3A_459], %mul3A_456 {add = true, strides = array<i32>} : memref<18x16xf32, #tpu.memory_space<vmem>>, vector<16xf32>,
      %le3A = arith.cmpf ole, %max3A_438, %select_n3A_419 : vector<16xf32>
      %jit3A_461 = arith.constant 0.000000e+00 : f32
      %broadcast_in_dim3A_462 = vector.broadcast %jit3A_461 : f32 to vector<16xf32>
      %select_n3A_463 = arith.select %le3A, %get3A_327, %broadcast_in_dim3A_462 : vector<16xi1>, vector<16xf32>
      %swap3A_464 = arith.constant 1 : i32
      %swap3A_465 = arith.index_cast %swap3A_464 : i32 to index
      %swap3A_466 = arith.constant 0 : index
      %swap3A_467 = tpu.vector_load %arg7[%swap3A_465, %swap3A_466] {strides = array<i32>} : memref<18x16xf32, #tpu.memory_space<vmem>>, vector<16xf32>,
      tpu.vector_store %arg7[%swap3A_465, %swap3A_466], %select_n3A_463 {add = true, strides = array<i32>} : memref<18x16xf32, #tpu.memory_space<vmem>>, vector<16xf32>,
      %mul3A_468 = arith.mulf %select_n3A_463, %max3A_450 : vector<16xf32>
      %swap3A_469 = arith.constant 9 : i32
      %swap3A_470 = arith.index_cast %swap3A_469 : i32 to index
      %swap3A_471 = arith.constant 0 : index
      %swap3A_472 = tpu.vector_load %arg7[%swap3A_470, %swap3A_471] {strides = array<i32>} : memref<18x16xf32, #tpu.memory_space<vmem>>, vector<16xf32>,
      tpu.vector_store %arg7[%swap3A_470, %swap3A_471], %mul3A_468 {add = true, strides = array<i32>} : memref<18x16xf32, #tpu.memory_space<vmem>>, vector<16xf32>,
      %add3A_473 = arith.addf %max3A_438, %max3A_450 : vector<16xf32>
      %le3A_474 = arith.cmpf ole, %add3A_473, %select_n3A_419 : vector<16xf32>
      %jit3A_475 = arith.constant 0.000000e+00 : f32
      %broadcast_in_dim3A_476 = vector.broadcast %jit3A_475 : f32 to vector<16xf32>
      %select_n3A_477 = arith.select %le3A_474, %get3A_327, %broadcast_in_dim3A_476 : vector<16xi1>, vector<16xf32>
      %swap3A_478 = arith.constant 2 : i32
      %swap3A_479 = arith.index_cast %swap3A_478 : i32 to index
      %swap3A_480 = arith.constant 0 : index
      %swap3A_481 = tpu.vector_load %arg7[%swap3A_479, %swap3A_480] {strides = array<i32>} : memref<18x16xf32, #tpu.memory_space<vmem>>, vector<16xf32>,
      tpu.vector_store %arg7[%swap3A_479, %swap3A_480], %select_n3A_477 {add = true, strides = array<i32>} : memref<18x16xf32, #tpu.memory_space<vmem>>, vector<16xf32>,
      %mul3A_482 = arith.mulf %select_n3A_477, %min3A_451 : vector<16xf32>
      %swap3A_483 = arith.constant 10 : i32
      %swap3A_484 = arith.index_cast %swap3A_483 : i32 to index
      %swap3A_485 = arith.constant 0 : index
      %swap3A_486 = tpu.vector_load %arg7[%swap3A_484, %swap3A_485] {strides = array<i32>} : memref<18x16xf32, #tpu.memory_space<vmem>>, vector<16xf32>,
      tpu.vector_store %arg7[%swap3A_484, %swap3A_485], %mul3A_482 {add = true, strides = array<i32>} : memref<18x16xf32, #tpu.memory_space<vmem>>, vector<16xf32>,
      %add3A_487 = arith.addf %add3A_473, %min3A_451 : vector<16xf32>
      %le3A_488 = arith.cmpf ole, %add3A_487, %select_n3A_419 : vector<16xf32>
      %jit3A_489 = arith.constant 0.000000e+00 : f32
      %broadcast_in_dim3A_490 = vector.broadcast %jit3A_489 : f32 to vector<16xf32>
      %select_n3A_491 = arith.select %le3A_488, %get3A_327, %broadcast_in_dim3A_490 : vector<16xi1>, vector<16xf32>
      %swap3A_492 = arith.constant 3 : i32
      %swap3A_493 = arith.index_cast %swap3A_492 : i32 to index
      %swap3A_494 = arith.constant 0 : index
      %swap3A_495 = tpu.vector_load %arg7[%swap3A_493, %swap3A_494] {strides = array<i32>} : memref<18x16xf32, #tpu.memory_space<vmem>>, vector<16xf32>,
      tpu.vector_store %arg7[%swap3A_493, %swap3A_494], %select_n3A_491 {add = true, strides = array<i32>} : memref<18x16xf32, #tpu.memory_space<vmem>>, vector<16xf32>,
      %mul3A_496 = arith.mulf %select_n3A_491, %max3A_452 : vector<16xf32>
      %swap3A_497 = arith.constant 11 : i32
      %swap3A_498 = arith.index_cast %swap3A_497 : i32 to index
      %swap3A_499 = arith.constant 0 : index
      %swap3A_500 = tpu.vector_load %arg7[%swap3A_498, %swap3A_499] {strides = array<i32>} : memref<18x16xf32, #tpu.memory_space<vmem>>, vector<16xf32>,
      tpu.vector_store %arg7[%swap3A_498, %swap3A_499], %mul3A_496 {add = true, strides = array<i32>} : memref<18x16xf32, #tpu.memory_space<vmem>>, vector<16xf32>,
      %add3A_501 = arith.addf %add3A_487, %max3A_452 : vector<16xf32>
      %le3A_502 = arith.cmpf ole, %add3A_501, %select_n3A_419 : vector<16xf32>
      %jit3A_503 = arith.constant 0.000000e+00 : f32
      %broadcast_in_dim3A_504 = vector.broadcast %jit3A_503 : f32 to vector<16xf32>
      %select_n3A_505 = arith.select %le3A_502, %get3A_327, %broadcast_in_dim3A_504 : vector<16xi1>, vector<16xf32>
      %swap3A_506 = arith.constant 4 : i32
      %swap3A_507 = arith.index_cast %swap3A_506 : i32 to index
      %swap3A_508 = arith.constant 0 : index
      %swap3A_509 = tpu.vector_load %arg7[%swap3A_507, %swap3A_508] {strides = array<i32>} : memref<18x16xf32, #tpu.memory_space<vmem>>, vector<16xf32>,
      tpu.vector_store %arg7[%swap3A_507, %swap3A_508], %select_n3A_505 {add = true, strides = array<i32>} : memref<18x16xf32, #tpu.memory_space<vmem>>, vector<16xf32>,
      %mul3A_510 = arith.mulf %select_n3A_505, %min3A_453 : vector<16xf32>
      %swap3A_511 = arith.constant 12 : i32
      %swap3A_512 = arith.index_cast %swap3A_511 : i32 to index
      %swap3A_513 = arith.constant 0 : index
      %swap3A_514 = tpu.vector_load %arg7[%swap3A_512, %swap3A_513] {strides = array<i32>} : memref<18x16xf32, #tpu.memory_space<vmem>>, vector<16xf32>,
      tpu.vector_store %arg7[%swap3A_512, %swap3A_513], %mul3A_510 {add = true, strides = array<i32>} : memref<18x16xf32, #tpu.memory_space<vmem>>, vector<16xf32>,
      %add3A_515 = arith.addf %add3A_501, %min3A_453 : vector<16xf32>
      %le3A_516 = arith.cmpf ole, %add3A_515, %select_n3A_419 : vector<16xf32>
      %jit3A_517 = arith.constant 0.000000e+00 : f32
      %broadcast_in_dim3A_518 = vector.broadcast %jit3A_517 : f32 to vector<16xf32>
      %select_n3A_519 = arith.select %le3A_516, %get3A_327, %broadcast_in_dim3A_518 : vector<16xi1>, vector<16xf32>
      %swap3A_520 = arith.constant 5 : i32
      %swap3A_521 = arith.index_cast %swap3A_520 : i32 to index
      %swap3A_522 = arith.constant 0 : index
      %swap3A_523 = tpu.vector_load %arg7[%swap3A_521, %swap3A_522] {strides = array<i32>} : memref<18x16xf32, #tpu.memory_space<vmem>>, vector<16xf32>,
      tpu.vector_store %arg7[%swap3A_521, %swap3A_522], %select_n3A_519 {add = true, strides = array<i32>} : memref<18x16xf32, #tpu.memory_space<vmem>>, vector<16xf32>,
      %mul3A_524 = arith.mulf %select_n3A_519, %max3A_454 : vector<16xf32>
      %swap3A_525 = arith.constant 13 : i32
      %swap3A_526 = arith.index_cast %swap3A_525 : i32 to index
      %swap3A_527 = arith.constant 0 : index
      %swap3A_528 = tpu.vector_load %arg7[%swap3A_526, %swap3A_527] {strides = array<i32>} : memref<18x16xf32, #tpu.memory_space<vmem>>, vector<16xf32>,
      tpu.vector_store %arg7[%swap3A_526, %swap3A_527], %mul3A_524 {add = true, strides = array<i32>} : memref<18x16xf32, #tpu.memory_space<vmem>>, vector<16xf32>,
      %add3A_529 = arith.addf %add3A_515, %max3A_454 : vector<16xf32>
      %le3A_530 = arith.cmpf ole, %add3A_529, %select_n3A_419 : vector<16xf32>
      %jit3A_531 = arith.constant 0.000000e+00 : f32
      %broadcast_in_dim3A_532 = vector.broadcast %jit3A_531 : f32 to vector<16xf32>
      %select_n3A_533 = arith.select %le3A_530, %get3A_327, %broadcast_in_dim3A_532 : vector<16xi1>, vector<16xf32>
      %swap3A_534 = arith.constant 6 : i32
      %swap3A_535 = arith.index_cast %swap3A_534 : i32 to index
      %swap3A_536 = arith.constant 0 : index
      %swap3A_537 = tpu.vector_load %arg7[%swap3A_535, %swap3A_536] {strides = array<i32>} : memref<18x16xf32, #tpu.memory_space<vmem>>, vector<16xf32>,
      tpu.vector_store %arg7[%swap3A_535, %swap3A_536], %select_n3A_533 {add = true, strides = array<i32>} : memref<18x16xf32, #tpu.memory_space<vmem>>, vector<16xf32>,
      %mul3A_538 = arith.mulf %select_n3A_533, %min3A_455 : vector<16xf32>
      %swap3A_539 = arith.constant 14 : i32
      %swap3A_540 = arith.index_cast %swap3A_539 : i32 to index
      %swap3A_541 = arith.constant 0 : index
      %swap3A_542 = tpu.vector_load %arg7[%swap3A_540, %swap3A_541] {strides = array<i32>} : memref<18x16xf32, #tpu.memory_space<vmem>>, vector<16xf32>,
      tpu.vector_store %arg7[%swap3A_540, %swap3A_541], %mul3A_538 {add = true, strides = array<i32>} : memref<18x16xf32, #tpu.memory_space<vmem>>, vector<16xf32>,
      %add3A_543 = arith.addf %add3A_529, %min3A_455 : vector<16xf32>
      %le3A_544 = arith.cmpf ole, %add3A_543, %select_n3A_419 : vector<16xf32>
      %jit3A_545 = arith.constant 0.000000e+00 : f32
      %broadcast_in_dim3A_546 = vector.broadcast %jit3A_545 : f32 to vector<16xf32>
      %select_n3A_547 = arith.select %le3A_544, %get3A_327, %broadcast_in_dim3A_546 : vector<16xi1>, vector<16xf32>
      %swap3A_548 = arith.constant 7 : i32
      %swap3A_549 = arith.index_cast %swap3A_548 : i32 to index
      %swap3A_550 = arith.constant 0 : index
      %swap3A_551 = tpu.vector_load %arg7[%swap3A_549, %swap3A_550] {strides = array<i32>} : memref<18x16xf32, #tpu.memory_space<vmem>>, vector<16xf32>,
      tpu.vector_store %arg7[%swap3A_549, %swap3A_550], %select_n3A_547 {add = true, strides = array<i32>} : memref<18x16xf32, #tpu.memory_space<vmem>>, vector<16xf32>,
      %mul3A_552 = arith.mulf %select_n3A_547, %min3A_445 : vector<16xf32>
      %swap3A_553 = arith.constant 15 : i32
      %swap3A_554 = arith.index_cast %swap3A_553 : i32 to index
      %swap3A_555 = arith.constant 0 : index
      %swap3A_556 = tpu.vector_load %arg7[%swap3A_554, %swap3A_555] {strides = array<i32>} : memref<18x16xf32, #tpu.memory_space<vmem>>, vector<16xf32>,
      tpu.vector_store %arg7[%swap3A_554, %swap3A_555], %mul3A_552 {add = true, strides = array<i32>} : memref<18x16xf32, #tpu.memory_space<vmem>>, vector<16xf32>,
      %swap3A_557 = arith.constant 16 : i32
      %swap3A_558 = arith.index_cast %swap3A_557 : i32 to index
      %swap3A_559 = arith.constant 0 : index
      %swap3A_560 = tpu.vector_load %arg7[%swap3A_558, %swap3A_559] {strides = array<i32>} : memref<18x16xf32, #tpu.memory_space<vmem>>, vector<16xf32>,
      tpu.vector_store %arg7[%swap3A_558, %swap3A_559], %sub3A_412 {add = true, strides = array<i32>} : memref<18x16xf32, #tpu.memory_space<vmem>>, vector<16xf32>,
      %swap3A_561 = arith.constant 17 : i32
      %swap3A_562 = arith.index_cast %swap3A_561 : i32 to index
      %swap3A_563 = arith.constant 0 : index
      %swap3A_564 = tpu.vector_load %arg7[%swap3A_562, %swap3A_563] {strides = array<i32>} : memref<18x16xf32, #tpu.memory_space<vmem>>, vector<16xf32>,
      tpu.vector_store %arg7[%swap3A_562, %swap3A_563], %get3A_327 {add = true, strides = array<i32>} : memref<18x16xf32, #tpu.memory_space<vmem>>, vector<16xf32>,
      %mul3A_565 = arith.constant 2 : i32
      %mul3A_566 = arith.muli %mul3A_565, %scan3A_256 : i32
      %add3A_567 = arith.constant 1 : i32
      %add3A_568 = arith.addi %mul3A_566, %add3A_567 : i32
      %mul3A_569 = arith.constant 16 : i32
      %mul3A_570 = arith.muli %add3A_568, %mul3A_569 : i32
      %get3A_571 = arith.constant 0 : i32
      %get3A_572 = arith.constant 0 : i32
      %get3A_573 = arith.index_cast %get3A_571 : i32 to index
      %get3A_574 = arith.index_cast %get3A_572 : i32 to index
      %get3A_575 = arith.index_cast %mul3A_570 : i32 to index
      %get3A_576 = tpu.vector_load %arg5[%get3A_573, %get3A_574, %get3A_575] {strides = array<i32>} : memref<2x8x1024xf32, #tpu.memory_space<vmem>>, vector<16xf32>,
      %mul3A_577 = arith.constant 16 : i32
      %mul3A_578 = arith.muli %add3A_568, %mul3A_577 : i32
      %get3A_579 = arith.constant 0 : i32
      %get3A_580 = arith.constant 1 : i32
      %get3A_581 = arith.index_cast %get3A_579 : i32 to index
      %get3A_582 = arith.index_cast %get3A_580 : i32 to index
      %get3A_583 = arith.index_cast %mul3A_578 : i32 to index
      %get3A_584 = tpu.vector_load %arg5[%get3A_581, %get3A_582, %get3A_583] {strides = array<i32>} : memref<2x8x1024xf32, #tpu.memory_space<vmem>>, vector<16xf32>,
      %mul3A_585 = arith.constant 16 : i32
      %mul3A_586 = arith.muli %add3A_568, %mul3A_585 : i32
      %get3A_587 = arith.constant 0 : i32
      %get3A_588 = arith.constant 2 : i32
      %get3A_589 = arith.index_cast %get3A_587 : i32 to index
      %get3A_590 = arith.index_cast %get3A_588 : i32 to index
      %get3A_591 = arith.index_cast %mul3A_586 : i32 to index
      %get3A_592 = tpu.vector_load %arg5[%get3A_589, %get3A_590, %get3A_591] {strides = array<i32>} : memref<2x8x1024xf32, #tpu.memory_space<vmem>>, vector<16xf32>,
      %mul3A_593 = arith.constant 16 : i32
      %mul3A_594 = arith.muli %add3A_568, %mul3A_593 : i32
      %get3A_595 = arith.constant 0 : i32
      %get3A_596 = arith.constant 3 : i32
      %get3A_597 = arith.index_cast %get3A_595 : i32 to index
      %get3A_598 = arith.index_cast %get3A_596 : i32 to index
      %get3A_599 = arith.index_cast %mul3A_594 : i32 to index
      %get3A_600 = tpu.vector_load %arg5[%get3A_597, %get3A_598, %get3A_599] {strides = array<i32>} : memref<2x8x1024xf32, #tpu.memory_space<vmem>>, vector<16xf32>,
      %mul3A_601 = arith.constant 16 : i32
      %mul3A_602 = arith.muli %add3A_568, %mul3A_601 : i32
      %get3A_603 = arith.constant 0 : i32
      %get3A_604 = arith.constant 4 : i32
      %get3A_605 = arith.index_cast %get3A_603 : i32 to index
      %get3A_606 = arith.index_cast %get3A_604 : i32 to index
      %get3A_607 = arith.index_cast %mul3A_602 : i32 to index
      %get3A_608 = tpu.vector_load %arg5[%get3A_605, %get3A_606, %get3A_607] {strides = array<i32>} : memref<2x8x1024xf32, #tpu.memory_space<vmem>>, vector<16xf32>,
      %mul3A_609 = arith.constant 16 : i32
      %mul3A_610 = arith.muli %add3A_568, %mul3A_609 : i32
      %get3A_611 = arith.constant 0 : i32
      %get3A_612 = arith.constant 5 : i32
      %get3A_613 = arith.index_cast %get3A_611 : i32 to index
      %get3A_614 = arith.index_cast %get3A_612 : i32 to index
      %get3A_615 = arith.index_cast %mul3A_610 : i32 to index
      %get3A_616 = tpu.vector_load %arg5[%get3A_613, %get3A_614, %get3A_615] {strides = array<i32>} : memref<2x8x1024xf32, #tpu.memory_space<vmem>>, vector<16xf32>,
      %mul3A_617 = arith.constant 16 : i32
      %mul3A_618 = arith.muli %add3A_568, %mul3A_617 : i32
      %get3A_619 = arith.constant 0 : i32
      %get3A_620 = arith.constant 6 : i32
      %get3A_621 = arith.index_cast %get3A_619 : i32 to index
      %get3A_622 = arith.index_cast %get3A_620 : i32 to index
      %get3A_623 = arith.index_cast %mul3A_618 : i32 to index
      %get3A_624 = tpu.vector_load %arg5[%get3A_621, %get3A_622, %get3A_623] {strides = array<i32>} : memref<2x8x1024xf32, #tpu.memory_space<vmem>>, vector<16xf32>,
      %mul3A_625 = arith.constant 16 : i32
      %mul3A_626 = arith.muli %add3A_568, %mul3A_625 : i32
      %get3A_627 = arith.constant 0 : i32
      %get3A_628 = arith.constant 7 : i32
      %get3A_629 = arith.index_cast %get3A_627 : i32 to index
      %get3A_630 = arith.index_cast %get3A_628 : i32 to index
      %get3A_631 = arith.index_cast %mul3A_626 : i32 to index
      %get3A_632 = tpu.vector_load %arg5[%get3A_629, %get3A_630, %get3A_631] {strides = array<i32>} : memref<2x8x1024xf32, #tpu.memory_space<vmem>>, vector<16xf32>,
      %mul3A_633 = arith.constant 16 : i32
      %mul3A_634 = arith.muli %add3A_568, %mul3A_633 : i32
      %get3A_635 = arith.constant 0 : i32
      %get3A_636 = arith.index_cast %get3A_635 : i32 to index
      %get3A_637 = arith.index_cast %mul3A_634 : i32 to index
      %get3A_638 = tpu.vector_load %arg6[%get3A_636, %get3A_637] {strides = array<i32>} : memref<2x1024xf32, #tpu.memory_space<vmem>>, vector<16xf32>,
      %exp3A_639 = math.exp %get3A_576 : vector<16xf32>
      %exp3A_640 = math.exp %get3A_584 : vector<16xf32>
      %exp3A_641 = math.exp %get3A_592 : vector<16xf32>
      %exp3A_642 = math.exp %get3A_600 : vector<16xf32>
      %exp3A_643 = math.exp %get3A_608 : vector<16xf32>
      %exp3A_644 = math.exp %get3A_616 : vector<16xf32>
      %exp3A_645 = math.exp %get3A_624 : vector<16xf32>
      %exp3A_646 = math.exp %get3A_632 : vector<16xf32>
      %add3A_647 = arith.addf %exp3A_639, %exp3A_640 : vector<16xf32>
      %add3A_648 = arith.addf %exp3A_641, %exp3A_642 : vector<16xf32>
      %add3A_649 = arith.addf %add3A_647, %add3A_648 : vector<16xf32>
      %add3A_650 = arith.addf %exp3A_643, %exp3A_644 : vector<16xf32>
      %add3A_651 = arith.addf %exp3A_645, %exp3A_646 : vector<16xf32>
      %add3A_652 = arith.addf %add3A_650, %add3A_651 : vector<16xf32>
      %add3A_653 = arith.addf %add3A_649, %add3A_652 : vector<16xf32>
      %div3A_654 = arith.constant 1.000000e+00 : f32
      %div3A_655 = vector.broadcast %div3A_654 : f32 to vector<16xf32>
      %div3A_656 = arith.divf %div3A_655, %add3A_653 : vector<16xf32>
      %mul3A_657 = arith.mulf %exp3A_639, %div3A_656 : vector<16xf32>
      %mul3A_658 = arith.mulf %exp3A_640, %div3A_656 : vector<16xf32>
      %mul3A_659 = arith.mulf %exp3A_641, %div3A_656 : vector<16xf32>
      %mul3A_660 = arith.mulf %exp3A_642, %div3A_656 : vector<16xf32>
      %mul3A_661 = arith.mulf %exp3A_643, %div3A_656 : vector<16xf32>
      %mul3A_662 = arith.mulf %exp3A_644, %div3A_656 : vector<16xf32>
      %mul3A_663 = arith.mulf %exp3A_645, %div3A_656 : vector<16xf32>
      %mul3A_664 = arith.mulf %exp3A_646, %div3A_656 : vector<16xf32>
      %mul3A_665 = arith.mulf %mul3A_657, %get3A_576 : vector<16xf32>
      %mul3A_666 = arith.mulf %mul3A_658, %get3A_584 : vector<16xf32>
      %add3A_667 = arith.addf %mul3A_665, %mul3A_666 : vector<16xf32>
      %mul3A_668 = arith.mulf %mul3A_659, %get3A_592 : vector<16xf32>
      %mul3A_669 = arith.mulf %mul3A_660, %get3A_600 : vector<16xf32>
      %add3A_670 = arith.addf %mul3A_668, %mul3A_669 : vector<16xf32>
      %add3A_671 = arith.addf %add3A_667, %add3A_670 : vector<16xf32>
      %mul3A_672 = arith.mulf %mul3A_661, %get3A_608 : vector<16xf32>
      %mul3A_673 = arith.mulf %mul3A_662, %get3A_616 : vector<16xf32>
      %add3A_674 = arith.addf %mul3A_672, %mul3A_673 : vector<16xf32>
      %mul3A_675 = arith.mulf %mul3A_663, %get3A_624 : vector<16xf32>
      %mul3A_676 = arith.mulf %mul3A_664, %get3A_632 : vector<16xf32>
      %add3A_677 = arith.addf %mul3A_675, %mul3A_676 : vector<16xf32>
      %add3A_678 = arith.addf %add3A_674, %add3A_677 : vector<16xf32>
      %add3A_679 = arith.addf %add3A_671, %add3A_678 : vector<16xf32>
      %bitcast_convert_type3A_680 = tpu.bitcast %add3A_653 : vector<16xf32> -> vector<16xi32>
      %shift_right_arithmetic3A_681 = arith.constant 23 : i32
      %shift_right_arithmetic3A_682 = vector.broadcast %shift_right_arithmetic3A_681 : i32 to vector<16xi32>
      %shift_right_arithmetic3A_683 = arith.shrsi %bitcast_convert_type3A_680, %shift_right_arithmetic3A_682 : vector<16xi32>
      %and3A_684 = arith.constant 255 : i32
      %and3A_685 = vector.broadcast %and3A_684 : i32 to vector<16xi32>
      %and3A_686 = arith.andi %shift_right_arithmetic3A_683, %and3A_685 : vector<16xi32>
      %and3A_687 = arith.constant 8388607 : i32
      %and3A_688 = vector.broadcast %and3A_687 : i32 to vector<16xi32>
      %and3A_689 = arith.andi %bitcast_convert_type3A_680, %and3A_688 : vector<16xi32>
      %or3A_690 = arith.constant 1065353216 : i32
      %or3A_691 = vector.broadcast %or3A_690 : i32 to vector<16xi32>
      %or3A_692 = arith.ori %and3A_689, %or3A_691 : vector<16xi32>
      %bitcast_convert_type3A_693 = tpu.bitcast %or3A_692 : vector<16xi32> -> vector<16xf32>
      %sub3A_694 = arith.constant 127 : i32
      %sub3A_695 = vector.broadcast %sub3A_694 : i32 to vector<16xi32>
      %sub3A_696 = arith.subi %and3A_686, %sub3A_695 : vector<16xi32>
      %convert_element_type3A_697 = arith.sitofp %sub3A_696 : vector<16xi32> to vector<16xf32>
      %sub3A_698 = arith.constant 1.000000e+00 : f32
      %sub3A_699 = vector.broadcast %sub3A_698 : f32 to vector<16xf32>
      %sub3A_700 = arith.subf %bitcast_convert_type3A_693, %sub3A_699 : vector<16xf32>
      %add3A_701 = arith.constant 1.000000e+00 : f32
      %add3A_702 = vector.broadcast %add3A_701 : f32 to vector<16xf32>
      %add3A_703 = arith.addf %bitcast_convert_type3A_693, %add3A_702 : vector<16xf32>
      %div3A_704 = arith.divf %sub3A_700, %add3A_703 : vector<16xf32>
      %mul3A_705 = arith.mulf %div3A_704, %div3A_704 : vector<16xf32>
      %mul3A_706 = arith.constant 0.142857149 : f32
      %mul3A_707 = vector.broadcast %mul3A_706 : f32 to vector<16xf32>
      %mul3A_708 = arith.mulf %mul3A_705, %mul3A_707 : vector<16xf32>
      %add3A_709 = arith.constant 2.000000e-01 : f32
      %add3A_710 = vector.broadcast %add3A_709 : f32 to vector<16xf32>
      %add3A_711 = arith.addf %add3A_710, %mul3A_708 : vector<16xf32>
      %mul3A_712 = arith.mulf %mul3A_705, %add3A_711 : vector<16xf32>
      %add3A_713 = arith.constant 0.333333343 : f32
      %add3A_714 = vector.broadcast %add3A_713 : f32 to vector<16xf32>
      %add3A_715 = arith.addf %add3A_714, %mul3A_712 : vector<16xf32>
      %mul3A_716 = arith.mulf %mul3A_705, %add3A_715 : vector<16xf32>
      %add3A_717 = arith.constant 1.000000e+00 : f32
      %add3A_718 = vector.broadcast %add3A_717 : f32 to vector<16xf32>
      %add3A_719 = arith.addf %add3A_718, %mul3A_716 : vector<16xf32>
      %mul3A_720 = arith.constant 0.693147182 : f32
      %mul3A_721 = vector.broadcast %mul3A_720 : f32 to vector<16xf32>
      %mul3A_722 = arith.mulf %convert_element_type3A_697, %mul3A_721 : vector<16xf32>
      %mul3A_723 = arith.constant 2.000000e+00 : f32
      %mul3A_724 = vector.broadcast %mul3A_723 : f32 to vector<16xf32>
      %mul3A_725 = arith.mulf %mul3A_724, %div3A_704 : vector<16xf32>
      %mul3A_726 = arith.mulf %mul3A_725, %add3A_719 : vector<16xf32>
      %add3A_727 = arith.addf %mul3A_722, %mul3A_726 : vector<16xf32>
      %sub3A_728 = arith.subf %add3A_727, %add3A_679 : vector<16xf32>
      %ge3A_729 = arith.constant 2.000000e+00 : f32
      %ge3A_730 = vector.broadcast %ge3A_729 : f32 to vector<16xf32>
      %ge3A_731 = arith.cmpf oge, %sub3A_728, %ge3A_730 : vector<16xf32>
      %jit3A_732 = arith.constant 2.000000e+00 : f32
      %jit3A_733 = arith.constant 7.500000e-01 : f32
      %broadcast_in_dim3A_734 = vector.broadcast %jit3A_732 : f32 to vector<16xf32>
      %broadcast_in_dim3A_735 = vector.broadcast %jit3A_733 : f32 to vector<16xf32>
      %select_n3A_736 = arith.select %ge3A_731, %broadcast_in_dim3A_734, %broadcast_in_dim3A_735 : vector<16xi1>, vector<16xf32>
      %max3A_737 = arith.maximumf %mul3A_657, %mul3A_658 : vector<16xf32>
      %min3A_738 = arith.minimumf %mul3A_657, %mul3A_658 : vector<16xf32>
      %max3A_739 = arith.maximumf %mul3A_659, %mul3A_660 : vector<16xf32>
      %min3A_740 = arith.minimumf %mul3A_659, %mul3A_660 : vector<16xf32>
      %max3A_741 = arith.maximumf %mul3A_661, %mul3A_662 : vector<16xf32>
      %min3A_742 = arith.minimumf %mul3A_661, %mul3A_662 : vector<16xf32>
      %max3A_743 = arith.maximumf %mul3A_663, %mul3A_664 : vector<16xf32>
      %min3A_744 = arith.minimumf %mul3A_663, %mul3A_664 : vector<16xf32>
      %max3A_745 = arith.maximumf %max3A_737, %max3A_739 : vector<16xf32>
      %min3A_746 = arith.minimumf %max3A_737, %max3A_739 : vector<16xf32>
      %max3A_747 = arith.maximumf %min3A_738, %min3A_740 : vector<16xf32>
      %min3A_748 = arith.minimumf %min3A_738, %min3A_740 : vector<16xf32>
      %max3A_749 = arith.maximumf %max3A_741, %max3A_743 : vector<16xf32>
      %min3A_750 = arith.minimumf %max3A_741, %max3A_743 : vector<16xf32>
      %max3A_751 = arith.maximumf %min3A_742, %min3A_744 : vector<16xf32>
      %min3A_752 = arith.minimumf %min3A_742, %min3A_744 : vector<16xf32>
      %max3A_753 = arith.maximumf %max3A_747, %min3A_746 : vector<16xf32>
      %min3A_754 = arith.minimumf %max3A_747, %min3A_746 : vector<16xf32>
      %max3A_755 = arith.maximumf %max3A_751, %min3A_750 : vector<16xf32>
      %min3A_756 = arith.minimumf %max3A_751, %min3A_750 : vector<16xf32>
      %max3A_757 = arith.maximumf %max3A_745, %max3A_749 : vector<16xf32>
      %min3A_758 = arith.minimumf %max3A_745, %max3A_749 : vector<16xf32>
      %max3A_759 = arith.maximumf %max3A_753, %max3A_755 : vector<16xf32>
      %min3A_760 = arith.minimumf %max3A_753, %max3A_755 : vector<16xf32>
      %max3A_761 = arith.maximumf %min3A_754, %min3A_756 : vector<16xf32>
      %min3A_762 = arith.minimumf %min3A_754, %min3A_756 : vector<16xf32>
      %max3A_763 = arith.maximumf %min3A_748, %min3A_752 : vector<16xf32>
      %min3A_764 = arith.minimumf %min3A_748, %min3A_752 : vector<16xf32>
      %max3A_765 = arith.maximumf %max3A_761, %min3A_758 : vector<16xf32>
      %min3A_766 = arith.minimumf %max3A_761, %min3A_758 : vector<16xf32>
      %max3A_767 = arith.maximumf %max3A_763, %min3A_760 : vector<16xf32>
      %min3A_768 = arith.minimumf %max3A_763, %min3A_760 : vector<16xf32>
      %max3A_769 = arith.maximumf %max3A_759, %max3A_765 : vector<16xf32>
      %min3A_770 = arith.minimumf %max3A_759, %max3A_765 : vector<16xf32>
      %max3A_771 = arith.maximumf %max3A_767, %min3A_766 : vector<16xf32>
      %min3A_772 = arith.minimumf %max3A_767, %min3A_766 : vector<16xf32>
      %max3A_773 = arith.maximumf %min3A_768, %min3A_762 : vector<16xf32>
      %min3A_774 = arith.minimumf %min3A_768, %min3A_762 : vector<16xf32>
      %mul3A_775 = arith.mulf %get3A_638, %max3A_757 : vector<16xf32>
      %swap3A_776 = arith.constant 8 : i32
      %swap3A_777 = arith.index_cast %swap3A_776 : i32 to index
      %swap3A_778 = arith.constant 0 : index
      %swap3A_779 = tpu.vector_load %arg7[%swap3A_777, %swap3A_778] {strides = array<i32>} : memref<18x16xf32, #tpu.memory_space<vmem>>, vector<16xf32>,
      tpu.vector_store %arg7[%swap3A_777, %swap3A_778], %mul3A_775 {add = true, strides = array<i32>} : memref<18x16xf32, #tpu.memory_space<vmem>>, vector<16xf32>,
      %le3A_780 = arith.cmpf ole, %max3A_757, %select_n3A_736 : vector<16xf32>
      %jit3A_781 = arith.constant 0.000000e+00 : f32
      %broadcast_in_dim3A_782 = vector.broadcast %jit3A_781 : f32 to vector<16xf32>
      %select_n3A_783 = arith.select %le3A_780, %get3A_638, %broadcast_in_dim3A_782 : vector<16xi1>, vector<16xf32>
      %swap3A_784 = arith.constant 1 : i32
      %swap3A_785 = arith.index_cast %swap3A_784 : i32 to index
      %swap3A_786 = arith.constant 0 : index
      %swap3A_787 = tpu.vector_load %arg7[%swap3A_785, %swap3A_786] {strides = array<i32>} : memref<18x16xf32, #tpu.memory_space<vmem>>, vector<16xf32>,
      tpu.vector_store %arg7[%swap3A_785, %swap3A_786], %select_n3A_783 {add = true, strides = array<i32>} : memref<18x16xf32, #tpu.memory_space<vmem>>, vector<16xf32>,
      %mul3A_788 = arith.mulf %select_n3A_783, %max3A_769 : vector<16xf32>
      %swap3A_789 = arith.constant 9 : i32
      %swap3A_790 = arith.index_cast %swap3A_789 : i32 to index
      %swap3A_791 = arith.constant 0 : index
      %swap3A_792 = tpu.vector_load %arg7[%swap3A_790, %swap3A_791] {strides = array<i32>} : memref<18x16xf32, #tpu.memory_space<vmem>>, vector<16xf32>,
      tpu.vector_store %arg7[%swap3A_790, %swap3A_791], %mul3A_788 {add = true, strides = array<i32>} : memref<18x16xf32, #tpu.memory_space<vmem>>, vector<16xf32>,
      %add3A_793 = arith.addf %max3A_757, %max3A_769 : vector<16xf32>
      %le3A_794 = arith.cmpf ole, %add3A_793, %select_n3A_736 : vector<16xf32>
      %jit3A_795 = arith.constant 0.000000e+00 : f32
      %broadcast_in_dim3A_796 = vector.broadcast %jit3A_795 : f32 to vector<16xf32>
      %select_n3A_797 = arith.select %le3A_794, %get3A_638, %broadcast_in_dim3A_796 : vector<16xi1>, vector<16xf32>
      %swap3A_798 = arith.constant 2 : i32
      %swap3A_799 = arith.index_cast %swap3A_798 : i32 to index
      %swap3A_800 = arith.constant 0 : index
      %swap3A_801 = tpu.vector_load %arg7[%swap3A_799, %swap3A_800] {strides = array<i32>} : memref<18x16xf32, #tpu.memory_space<vmem>>, vector<16xf32>,
      tpu.vector_store %arg7[%swap3A_799, %swap3A_800], %select_n3A_797 {add = true, strides = array<i32>} : memref<18x16xf32, #tpu.memory_space<vmem>>, vector<16xf32>,
      %mul3A_802 = arith.mulf %select_n3A_797, %min3A_770 : vector<16xf32>
      %swap3A_803 = arith.constant 10 : i32
      %swap3A_804 = arith.index_cast %swap3A_803 : i32 to index
      %swap3A_805 = arith.constant 0 : index
      %swap3A_806 = tpu.vector_load %arg7[%swap3A_804, %swap3A_805] {strides = array<i32>} : memref<18x16xf32, #tpu.memory_space<vmem>>, vector<16xf32>,
      tpu.vector_store %arg7[%swap3A_804, %swap3A_805], %mul3A_802 {add = true, strides = array<i32>} : memref<18x16xf32, #tpu.memory_space<vmem>>, vector<16xf32>,
      %add3A_807 = arith.addf %add3A_793, %min3A_770 : vector<16xf32>
      %le3A_808 = arith.cmpf ole, %add3A_807, %select_n3A_736 : vector<16xf32>
      %jit3A_809 = arith.constant 0.000000e+00 : f32
      %broadcast_in_dim3A_810 = vector.broadcast %jit3A_809 : f32 to vector<16xf32>
      %select_n3A_811 = arith.select %le3A_808, %get3A_638, %broadcast_in_dim3A_810 : vector<16xi1>, vector<16xf32>
      %swap3A_812 = arith.constant 3 : i32
      %swap3A_813 = arith.index_cast %swap3A_812 : i32 to index
      %swap3A_814 = arith.constant 0 : index
      %swap3A_815 = tpu.vector_load %arg7[%swap3A_813, %swap3A_814] {strides = array<i32>} : memref<18x16xf32, #tpu.memory_space<vmem>>, vector<16xf32>,
      tpu.vector_store %arg7[%swap3A_813, %swap3A_814], %select_n3A_811 {add = true, strides = array<i32>} : memref<18x16xf32, #tpu.memory_space<vmem>>, vector<16xf32>,
      %mul3A_816 = arith.mulf %select_n3A_811, %max3A_771 : vector<16xf32>
      %swap3A_817 = arith.constant 11 : i32
      %swap3A_818 = arith.index_cast %swap3A_817 : i32 to index
      %swap3A_819 = arith.constant 0 : index
      %swap3A_820 = tpu.vector_load %arg7[%swap3A_818, %swap3A_819] {strides = array<i32>} : memref<18x16xf32, #tpu.memory_space<vmem>>, vector<16xf32>,
      tpu.vector_store %arg7[%swap3A_818, %swap3A_819], %mul3A_816 {add = true, strides = array<i32>} : memref<18x16xf32, #tpu.memory_space<vmem>>, vector<16xf32>,
      %add3A_821 = arith.addf %add3A_807, %max3A_771 : vector<16xf32>
      %le3A_822 = arith.cmpf ole, %add3A_821, %select_n3A_736 : vector<16xf32>
      %jit3A_823 = arith.constant 0.000000e+00 : f32
      %broadcast_in_dim3A_824 = vector.broadcast %jit3A_823 : f32 to vector<16xf32>
      %select_n3A_825 = arith.select %le3A_822, %get3A_638, %broadcast_in_dim3A_824 : vector<16xi1>, vector<16xf32>
      %swap3A_826 = arith.constant 4 : i32
      %swap3A_827 = arith.index_cast %swap3A_826 : i32 to index
      %swap3A_828 = arith.constant 0 : index
      %swap3A_829 = tpu.vector_load %arg7[%swap3A_827, %swap3A_828] {strides = array<i32>} : memref<18x16xf32, #tpu.memory_space<vmem>>, vector<16xf32>,
      tpu.vector_store %arg7[%swap3A_827, %swap3A_828], %select_n3A_825 {add = true, strides = array<i32>} : memref<18x16xf32, #tpu.memory_space<vmem>>, vector<16xf32>,
      %mul3A_830 = arith.mulf %select_n3A_825, %min3A_772 : vector<16xf32>
      %swap3A_831 = arith.constant 12 : i32
      %swap3A_832 = arith.index_cast %swap3A_831 : i32 to index
      %swap3A_833 = arith.constant 0 : index
      %swap3A_834 = tpu.vector_load %arg7[%swap3A_832, %swap3A_833] {strides = array<i32>} : memref<18x16xf32, #tpu.memory_space<vmem>>, vector<16xf32>,
      tpu.vector_store %arg7[%swap3A_832, %swap3A_833], %mul3A_830 {add = true, strides = array<i32>} : memref<18x16xf32, #tpu.memory_space<vmem>>, vector<16xf32>,
      %add3A_835 = arith.addf %add3A_821, %min3A_772 : vector<16xf32>
      %le3A_836 = arith.cmpf ole, %add3A_835, %select_n3A_736 : vector<16xf32>
      %jit3A_837 = arith.constant 0.000000e+00 : f32
      %broadcast_in_dim3A_838 = vector.broadcast %jit3A_837 : f32 to vector<16xf32>
      %select_n3A_839 = arith.select %le3A_836, %get3A_638, %broadcast_in_dim3A_838 : vector<16xi1>, vector<16xf32>
      %swap3A_840 = arith.constant 5 : i32
      %swap3A_841 = arith.index_cast %swap3A_840 : i32 to index
      %swap3A_842 = arith.constant 0 : index
      %swap3A_843 = tpu.vector_load %arg7[%swap3A_841, %swap3A_842] {strides = array<i32>} : memref<18x16xf32, #tpu.memory_space<vmem>>, vector<16xf32>,
      tpu.vector_store %arg7[%swap3A_841, %swap3A_842], %select_n3A_839 {add = true, strides = array<i32>} : memref<18x16xf32, #tpu.memory_space<vmem>>, vector<16xf32>,
      %mul3A_844 = arith.mulf %select_n3A_839, %max3A_773 : vector<16xf32>
      %swap3A_845 = arith.constant 13 : i32
      %swap3A_846 = arith.index_cast %swap3A_845 : i32 to index
      %swap3A_847 = arith.constant 0 : index
      %swap3A_848 = tpu.vector_load %arg7[%swap3A_846, %swap3A_847] {strides = array<i32>} : memref<18x16xf32, #tpu.memory_space<vmem>>, vector<16xf32>,
      tpu.vector_store %arg7[%swap3A_846, %swap3A_847], %mul3A_844 {add = true, strides = array<i32>} : memref<18x16xf32, #tpu.memory_space<vmem>>, vector<16xf32>,
      %add3A_849 = arith.addf %add3A_835, %max3A_773 : vector<16xf32>
      %le3A_850 = arith.cmpf ole, %add3A_849, %select_n3A_736 : vector<16xf32>
      %jit3A_851 = arith.constant 0.000000e+00 : f32
      %broadcast_in_dim3A_852 = vector.broadcast %jit3A_851 : f32 to vector<16xf32>
      %select_n3A_853 = arith.select %le3A_850, %get3A_638, %broadcast_in_dim3A_852 : vector<16xi1>, vector<16xf32>
      %swap3A_854 = arith.constant 6 : i32
      %swap3A_855 = arith.index_cast %swap3A_854 : i32 to index
      %swap3A_856 = arith.constant 0 : index
      %swap3A_857 = tpu.vector_load %arg7[%swap3A_855, %swap3A_856] {strides = array<i32>} : memref<18x16xf32, #tpu.memory_space<vmem>>, vector<16xf32>,
      tpu.vector_store %arg7[%swap3A_855, %swap3A_856], %select_n3A_853 {add = true, strides = array<i32>} : memref<18x16xf32, #tpu.memory_space<vmem>>, vector<16xf32>,
      %mul3A_858 = arith.mulf %select_n3A_853, %min3A_774 : vector<16xf32>
      %swap3A_859 = arith.constant 14 : i32
      %swap3A_860 = arith.index_cast %swap3A_859 : i32 to index
      %swap3A_861 = arith.constant 0 : index
      %swap3A_862 = tpu.vector_load %arg7[%swap3A_860, %swap3A_861] {strides = array<i32>} : memref<18x16xf32, #tpu.memory_space<vmem>>, vector<16xf32>,
      tpu.vector_store %arg7[%swap3A_860, %swap3A_861], %mul3A_858 {add = true, strides = array<i32>} : memref<18x16xf32, #tpu.memory_space<vmem>>, vector<16xf32>,
      %add3A_863 = arith.addf %add3A_849, %min3A_774 : vector<16xf32>
      %le3A_864 = arith.cmpf ole, %add3A_863, %select_n3A_736 : vector<16xf32>
      %jit3A_865 = arith.constant 0.000000e+00 : f32
      %broadcast_in_dim3A_866 = vector.broadcast %jit3A_865 : f32 to vector<16xf32>
      %select_n3A_867 = arith.select %le3A_864, %get3A_638, %broadcast_in_dim3A_866 : vector<16xi1>, vector<16xf32>
      %swap3A_868 = arith.constant 7 : i32
      %swap3A_869 = arith.index_cast %swap3A_868 : i32 to index
      %swap3A_870 = arith.constant 0 : index
      %swap3A_871 = tpu.vector_load %arg7[%swap3A_869, %swap3A_870] {strides = array<i32>} : memref<18x16xf32, #tpu.memory_space<vmem>>, vector<16xf32>,
      tpu.vector_store %arg7[%swap3A_869, %swap3A_870], %select_n3A_867 {add = true, strides = array<i32>} : memref<18x16xf32, #tpu.memory_space<vmem>>, vector<16xf32>,
      %mul3A_872 = arith.mulf %select_n3A_867, %min3A_764 : vector<16xf32>
      %swap3A_873 = arith.constant 15 : i32
      %swap3A_874 = arith.index_cast %swap3A_873 : i32 to index
      %swap3A_875 = arith.constant 0 : index
      %swap3A_876 = tpu.vector_load %arg7[%swap3A_874, %swap3A_875] {strides = array<i32>} : memref<18x16xf32, #tpu.memory_space<vmem>>, vector<16xf32>,
      tpu.vector_store %arg7[%swap3A_874, %swap3A_875], %mul3A_872 {add = true, strides = array<i32>} : memref<18x16xf32, #tpu.memory_space<vmem>>, vector<16xf32>,
      %swap3A_877 = arith.constant 16 : i32
      %swap3A_878 = arith.index_cast %swap3A_877 : i32 to index
      %swap3A_879 = arith.constant 0 : index
      %swap3A_880 = tpu.vector_load %arg7[%swap3A_878, %swap3A_879] {strides = array<i32>} : memref<18x16xf32, #tpu.memory_space<vmem>>, vector<16xf32>,
      tpu.vector_store %arg7[%swap3A_878, %swap3A_879], %sub3A_728 {add = true, strides = array<i32>} : memref<18x16xf32, #tpu.memory_space<vmem>>, vector<16xf32>,
      %swap3A_881 = arith.constant 17 : i32
      %swap3A_882 = arith.index_cast %swap3A_881 : i32 to index
      %swap3A_883 = arith.constant 0 : index
      %swap3A_884 = tpu.vector_load %arg7[%swap3A_882, %swap3A_883] {strides = array<i32>} : memref<18x16xf32, #tpu.memory_space<vmem>>, vector<16xf32>,
      tpu.vector_store %arg7[%swap3A_882, %swap3A_883], %get3A_638 {add = true, strides = array<i32>} : memref<18x16xf32, #tpu.memory_space<vmem>>, vector<16xf32>,
    }
    %scan3A_225 = arith.constant 32 : i32
    %dma_wait3A_226 = arith.constant 1 : i32
    %dma_wait3A_227 = arith.constant 0 : i32
    %dma_wait3A_228 = arith.constant 0 : i32
    %dma_wait3A_229 = tpu.memref_slice %arg5[%dma_wait3A_226, %dma_wait3A_227, %dma_wait3A_228] : memref<2x8x1024xf32, #tpu.memory_space<vmem>> -> memref<1x8x1024xf32, #tpu.memory_space<vmem>>
    %dma_wait3A_230 = tpu.memref_squeeze %dma_wait3A_229 : memref<1x8x1024xf32, #tpu.memory_space<vmem>> -> memref<8x1024xf32, #tpu.memory_space<vmem>>
    %dma_wait3A_231 = arith.constant 0 : i32
    %dma_wait3A_232 = tpu.memref_slice %arg2[%select_n3A_157, %dma_wait3A_231, %select_n3A_173] : memref<24x8x8192xf32, #tpu.memory_space<hbm>> -> memref<1x8x1024xf32, #tpu.memory_space<hbm>>
    %dma_wait3A_233 = tpu.memref_squeeze %dma_wait3A_232 : memref<1x8x1024xf32, #tpu.memory_space<hbm>> -> memref<8x1024xf32, #tpu.memory_space<hbm>>
    %dma_wait3A_234 = arith.constant 0 : i32
    %dma_wait3A_235 = arith.constant 0 : i32
    %dma_wait3A_236 = tpu.memref_slice %arg5[%dma_wait3A_226, %dma_wait3A_234, %dma_wait3A_235] : memref<2x8x1024xf32, #tpu.memory_space<vmem>> -> memref<1x8x1024xf32, #tpu.memory_space<vmem>>
    %dma_wait3A_237 = tpu.memref_squeeze %dma_wait3A_236 : memref<1x8x1024xf32, #tpu.memory_space<vmem>> -> memref<8x1024xf32, #tpu.memory_space<vmem>>
    %dma_wait3A_238 = arith.constant 0 : i32
    %dma_wait3A_239 = tpu.memref_slice %arg2[%select_n3A_157, %dma_wait3A_238, %select_n3A_173] : memref<24x8x8192xf32, #tpu.memory_space<hbm>> -> memref<1x8x1024xf32, #tpu.memory_space<hbm>>
    %dma_wait3A_240 = tpu.memref_squeeze %dma_wait3A_239 : memref<1x8x1024xf32, #tpu.memory_space<hbm>> -> memref<8x1024xf32, #tpu.memory_space<hbm>>
    tpu.wait_dma2 semaphore(%arg9 : memref<!tpu.dma_semaphore, #tpu.memory_space<semaphore_mem>>) src(%dma_wait3A_240 : memref<8x1024xf32, #tpu.memory_space<hbm>>) dst(%dma_wait3A_237 : memref<8x1024xf32, #tpu.memory_space<vmem>>)
    %dma_wait3A_241 = arith.constant 1 : i32
    %dma_wait3A_242 = arith.constant 0 : i32
    %dma_wait3A_243 = tpu.memref_slice %arg6[%dma_wait3A_241, %dma_wait3A_242] : memref<2x1024xf32, #tpu.memory_space<vmem>> -> memref<1x1024xf32, #tpu.memory_space<vmem>>
    %dma_wait3A_244 = tpu.memref_squeeze %dma_wait3A_243 : memref<1x1024xf32, #tpu.memory_space<vmem>> -> memref<1024xf32, #tpu.memory_space<vmem>>
    %dma_wait3A_245 = tpu.memref_slice %arg3[%select_n3A_173] : memref<8192xf32, #tpu.memory_space<hbm>> -> memref<1024xf32, #tpu.memory_space<hbm>>
    %dma_wait3A_246 = arith.constant 0 : i32
    %dma_wait3A_247 = tpu.memref_slice %arg6[%dma_wait3A_241, %dma_wait3A_246] : memref<2x1024xf32, #tpu.memory_space<vmem>> -> memref<1x1024xf32, #tpu.memory_space<vmem>>
    %dma_wait3A_248 = tpu.memref_squeeze %dma_wait3A_247 : memref<1x1024xf32, #tpu.memory_space<vmem>> -> memref<1024xf32, #tpu.memory_space<vmem>>
    %dma_wait3A_249 = tpu.memref_slice %arg3[%select_n3A_173] : memref<8192xf32, #tpu.memory_space<hbm>> -> memref<1024xf32, #tpu.memory_space<hbm>>
    tpu.wait_dma2 semaphore(%arg11 : memref<!tpu.dma_semaphore, #tpu.memory_space<semaphore_mem>>) src(%dma_wait3A_249 : memref<1024xf32, #tpu.memory_space<hbm>>) dst(%dma_wait3A_248 : memref<1024xf32, #tpu.memory_space<vmem>>)
    %scan3A_250 = arith.constant 0 : i32
    %scan3A_251 = arith.constant 0 : i32
    %scan3A_252 = arith.constant 32 : i32
    %scan3A_253 = arith.addi %scan3A_251, %scan3A_252 : i32
    %scan3A_254 = arith.constant 1 : i32
    scf.for %scan3A_256 = %scan3A_251 to %scan3A_253 step %scan3A_254  : i32 {
      %mul3A_257 = arith.constant 2 : i32
      %mul3A_258 = arith.muli %mul3A_257, %scan3A_256 : i32
      %mul3A_259 = arith.constant 16 : i32
      %mul3A_260 = arith.muli %mul3A_258, %mul3A_259 : i32
      %get3A = arith.constant 1 : i32
      %get3A_261 = arith.constant 0 : i32
      %get3A_262 = arith.index_cast %get3A : i32 to index
      %get3A_263 = arith.index_cast %get3A_261 : i32 to index
      %get3A_264 = arith.index_cast %mul3A_260 : i32 to index
      %get3A_265 = tpu.vector_load %arg5[%get3A_262, %get3A_263, %get3A_264] {strides = array<i32>} : memref<2x8x1024xf32, #tpu.memory_space<vmem>>, vector<16xf32>,
      %mul3A_266 = arith.constant 16 : i32
      %mul3A_267 = arith.muli %mul3A_258, %mul3A_266 : i32
      %get3A_268 = arith.constant 1 : i32
      %get3A_269 = arith.constant 1 : i32
      %get3A_270 = arith.index_cast %get3A_268 : i32 to index
      %get3A_271 = arith.index_cast %get3A_269 : i32 to index
      %get3A_272 = arith.index_cast %mul3A_267 : i32 to index
      %get3A_273 = tpu.vector_load %arg5[%get3A_270, %get3A_271, %get3A_272] {strides = array<i32>} : memref<2x8x1024xf32, #tpu.memory_space<vmem>>, vector<16xf32>,
      %mul3A_274 = arith.constant 16 : i32
      %mul3A_275 = arith.muli %mul3A_258, %mul3A_274 : i32
      %get3A_276 = arith.constant 1 : i32
      %get3A_277 = arith.constant 2 : i32
      %get3A_278 = arith.index_cast %get3A_276 : i32 to index
      %get3A_279 = arith.index_cast %get3A_277 : i32 to index
      %get3A_280 = arith.index_cast %mul3A_275 : i32 to index
      %get3A_281 = tpu.vector_load %arg5[%get3A_278, %get3A_279, %get3A_280] {strides = array<i32>} : memref<2x8x1024xf32, #tpu.memory_space<vmem>>, vector<16xf32>,
      %mul3A_282 = arith.constant 16 : i32
      %mul3A_283 = arith.muli %mul3A_258, %mul3A_282 : i32
      %get3A_284 = arith.constant 1 : i32
      %get3A_285 = arith.constant 3 : i32
      %get3A_286 = arith.index_cast %get3A_284 : i32 to index
      %get3A_287 = arith.index_cast %get3A_285 : i32 to index
      %get3A_288 = arith.index_cast %mul3A_283 : i32 to index
      %get3A_289 = tpu.vector_load %arg5[%get3A_286, %get3A_287, %get3A_288] {strides = array<i32>} : memref<2x8x1024xf32, #tpu.memory_space<vmem>>, vector<16xf32>,
      %mul3A_290 = arith.constant 16 : i32
      %mul3A_291 = arith.muli %mul3A_258, %mul3A_290 : i32
      %get3A_292 = arith.constant 1 : i32
      %get3A_293 = arith.constant 4 : i32
      %get3A_294 = arith.index_cast %get3A_292 : i32 to index
      %get3A_295 = arith.index_cast %get3A_293 : i32 to index
      %get3A_296 = arith.index_cast %mul3A_291 : i32 to index
      %get3A_297 = tpu.vector_load %arg5[%get3A_294, %get3A_295, %get3A_296] {strides = array<i32>} : memref<2x8x1024xf32, #tpu.memory_space<vmem>>, vector<16xf32>,
      %mul3A_298 = arith.constant 16 : i32
      %mul3A_299 = arith.muli %mul3A_258, %mul3A_298 : i32
      %get3A_300 = arith.constant 1 : i32
      %get3A_301 = arith.constant 5 : i32
      %get3A_302 = arith.index_cast %get3A_300 : i32 to index
      %get3A_303 = arith.index_cast %get3A_301 : i32 to index
      %get3A_304 = arith.index_cast %mul3A_299 : i32 to index
      %get3A_305 = tpu.vector_load %arg5[%get3A_302, %get3A_303, %get3A_304] {strides = array<i32>} : memref<2x8x1024xf32, #tpu.memory_space<vmem>>, vector<16xf32>,
      %mul3A_306 = arith.constant 16 : i32
      %mul3A_307 = arith.muli %mul3A_258, %mul3A_306 : i32
      %get3A_308 = arith.constant 1 : i32
      %get3A_309 = arith.constant 6 : i32
      %get3A_310 = arith.index_cast %get3A_308 : i32 to index
      %get3A_311 = arith.index_cast %get3A_309 : i32 to index
      %get3A_312 = arith.index_cast %mul3A_307 : i32 to index
      %get3A_313 = tpu.vector_load %arg5[%get3A_310, %get3A_311, %get3A_312] {strides = array<i32>} : memref<2x8x1024xf32, #tpu.memory_space<vmem>>, vector<16xf32>,
      %mul3A_314 = arith.constant 16 : i32
      %mul3A_315 = arith.muli %mul3A_258, %mul3A_314 : i32
      %get3A_316 = arith.constant 1 : i32
      %get3A_317 = arith.constant 7 : i32
      %get3A_318 = arith.index_cast %get3A_316 : i32 to index
      %get3A_319 = arith.index_cast %get3A_317 : i32 to index
      %get3A_320 = arith.index_cast %mul3A_315 : i32 to index
      %get3A_321 = tpu.vector_load %arg5[%get3A_318, %get3A_319, %get3A_320] {strides = array<i32>} : memref<2x8x1024xf32, #tpu.memory_space<vmem>>, vector<16xf32>,
      %mul3A_322 = arith.constant 16 : i32
      %mul3A_323 = arith.muli %mul3A_258, %mul3A_322 : i32
      %get3A_324 = arith.constant 1 : i32
      %get3A_325 = arith.index_cast %get3A_324 : i32 to index
      %get3A_326 = arith.index_cast %mul3A_323 : i32 to index
      %get3A_327 = tpu.vector_load %arg6[%get3A_325, %get3A_326] {strides = array<i32>} : memref<2x1024xf32, #tpu.memory_space<vmem>>, vector<16xf32>,
      %exp3A = math.exp %get3A_265 : vector<16xf32>
      %exp3A_328 = math.exp %get3A_273 : vector<16xf32>
      %exp3A_329 = math.exp %get3A_281 : vector<16xf32>
      %exp3A_330 = math.exp %get3A_289 : vector<16xf32>
      %exp3A_331 = math.exp %get3A_297 : vector<16xf32>
      %exp3A_332 = math.exp %get3A_305 : vector<16xf32>
      %exp3A_333 = math.exp %get3A_313 : vector<16xf32>
      %exp3A_334 = math.exp %get3A_321 : vector<16xf32>
      %add3A_335 = arith.addf %exp3A, %exp3A_328 : vector<16xf32>
      %add3A_336 = arith.addf %exp3A_329, %exp3A_330 : vector<16xf32>
      %add3A_337 = arith.addf %add3A_335, %add3A_336 : vector<16xf32>
      %add3A_338 = arith.addf %exp3A_331, %exp3A_332 : vector<16xf32>
      %add3A_339 = arith.addf %exp3A_333, %exp3A_334 : vector<16xf32>
      %add3A_340 = arith.addf %add3A_338, %add3A_339 : vector<16xf32>
      %add3A_341 = arith.addf %add3A_337, %add3A_340 : vector<16xf32>
      %div3A_342 = arith.constant 1.000000e+00 : f32
      %div3A_343 = vector.broadcast %div3A_342 : f32 to vector<16xf32>
      %div3A_344 = arith.divf %div3A_343, %add3A_341 : vector<16xf32>
      %mul3A_345 = arith.mulf %exp3A, %div3A_344 : vector<16xf32>
      %mul3A_346 = arith.mulf %exp3A_328, %div3A_344 : vector<16xf32>
      %mul3A_347 = arith.mulf %exp3A_329, %div3A_344 : vector<16xf32>
      %mul3A_348 = arith.mulf %exp3A_330, %div3A_344 : vector<16xf32>
      %mul3A_349 = arith.mulf %exp3A_331, %div3A_344 : vector<16xf32>
      %mul3A_350 = arith.mulf %exp3A_332, %div3A_344 : vector<16xf32>
      %mul3A_351 = arith.mulf %exp3A_333, %div3A_344 : vector<16xf32>
      %mul3A_352 = arith.mulf %exp3A_334, %div3A_344 : vector<16xf32>
      %mul3A_353 = arith.mulf %mul3A_345, %get3A_265 : vector<16xf32>
      %mul3A_354 = arith.mulf %mul3A_346, %get3A_273 : vector<16xf32>
      %add3A_355 = arith.addf %mul3A_353, %mul3A_354 : vector<16xf32>
      %mul3A_356 = arith.mulf %mul3A_347, %get3A_281 : vector<16xf32>
      %mul3A_357 = arith.mulf %mul3A_348, %get3A_289 : vector<16xf32>
      %add3A_358 = arith.addf %mul3A_356, %mul3A_357 : vector<16xf32>
      %add3A_359 = arith.addf %add3A_355, %add3A_358 : vector<16xf32>
      %mul3A_360 = arith.mulf %mul3A_349, %get3A_297 : vector<16xf32>
      %mul3A_361 = arith.mulf %mul3A_350, %get3A_305 : vector<16xf32>
      %add3A_362 = arith.addf %mul3A_360, %mul3A_361 : vector<16xf32>
      %mul3A_363 = arith.mulf %mul3A_351, %get3A_313 : vector<16xf32>
      %mul3A_364 = arith.mulf %mul3A_352, %get3A_321 : vector<16xf32>
      %add3A_365 = arith.addf %mul3A_363, %mul3A_364 : vector<16xf32>
      %add3A_366 = arith.addf %add3A_362, %add3A_365 : vector<16xf32>
      %add3A_367 = arith.addf %add3A_359, %add3A_366 : vector<16xf32>
      %bitcast_convert_type3A = tpu.bitcast %add3A_341 : vector<16xf32> -> vector<16xi32>
      %shift_right_arithmetic3A = arith.constant 23 : i32
      %shift_right_arithmetic3A_368 = vector.broadcast %shift_right_arithmetic3A : i32 to vector<16xi32>
      %shift_right_arithmetic3A_369 = arith.shrsi %bitcast_convert_type3A, %shift_right_arithmetic3A_368 : vector<16xi32>
      %and3A_370 = arith.constant 255 : i32
      %and3A_371 = vector.broadcast %and3A_370 : i32 to vector<16xi32>
      %and3A_372 = arith.andi %shift_right_arithmetic3A_369, %and3A_371 : vector<16xi32>
      %and3A_373 = arith.constant 8388607 : i32
      %and3A_374 = vector.broadcast %and3A_373 : i32 to vector<16xi32>
      %and3A_375 = arith.andi %bitcast_convert_type3A, %and3A_374 : vector<16xi32>
      %or3A = arith.constant 1065353216 : i32
      %or3A_376 = vector.broadcast %or3A : i32 to vector<16xi32>
      %or3A_377 = arith.ori %and3A_375, %or3A_376 : vector<16xi32>
      %bitcast_convert_type3A_378 = tpu.bitcast %or3A_377 : vector<16xi32> -> vector<16xf32>
      %sub3A_379 = arith.constant 127 : i32
      %sub3A_380 = vector.broadcast %sub3A_379 : i32 to vector<16xi32>
      %sub3A_381 = arith.subi %and3A_372, %sub3A_380 : vector<16xi32>
      %convert_element_type3A = arith.sitofp %sub3A_381 : vector<16xi32> to vector<16xf32>
      %sub3A_382 = arith.constant 1.000000e+00 : f32
      %sub3A_383 = vector.broadcast %sub3A_382 : f32 to vector<16xf32>
      %sub3A_384 = arith.subf %bitcast_convert_type3A_378, %sub3A_383 : vector<16xf32>
      %add3A_385 = arith.constant 1.000000e+00 : f32
      %add3A_386 = vector.broadcast %add3A_385 : f32 to vector<16xf32>
      %add3A_387 = arith.addf %bitcast_convert_type3A_378, %add3A_386 : vector<16xf32>
      %div3A_388 = arith.divf %sub3A_384, %add3A_387 : vector<16xf32>
      %mul3A_389 = arith.mulf %div3A_388, %div3A_388 : vector<16xf32>
      %mul3A_390 = arith.constant 0.142857149 : f32
      %mul3A_391 = vector.broadcast %mul3A_390 : f32 to vector<16xf32>
      %mul3A_392 = arith.mulf %mul3A_389, %mul3A_391 : vector<16xf32>
      %add3A_393 = arith.constant 2.000000e-01 : f32
      %add3A_394 = vector.broadcast %add3A_393 : f32 to vector<16xf32>
      %add3A_395 = arith.addf %add3A_394, %mul3A_392 : vector<16xf32>
      %mul3A_396 = arith.mulf %mul3A_389, %add3A_395 : vector<16xf32>
      %add3A_397 = arith.constant 0.333333343 : f32
      %add3A_398 = vector.broadcast %add3A_397 : f32 to vector<16xf32>
      %add3A_399 = arith.addf %add3A_398, %mul3A_396 : vector<16xf32>
      %mul3A_400 = arith.mulf %mul3A_389, %add3A_399 : vector<16xf32>
      %add3A_401 = arith.constant 1.000000e+00 : f32
      %add3A_402 = vector.broadcast %add3A_401 : f32 to vector<16xf32>
      %add3A_403 = arith.addf %add3A_402, %mul3A_400 : vector<16xf32>
      %mul3A_404 = arith.constant 0.693147182 : f32
      %mul3A_405 = vector.broadcast %mul3A_404 : f32 to vector<16xf32>
      %mul3A_406 = arith.mulf %convert_element_type3A, %mul3A_405 : vector<16xf32>
      %mul3A_407 = arith.constant 2.000000e+00 : f32
      %mul3A_408 = vector.broadcast %mul3A_407 : f32 to vector<16xf32>
      %mul3A_409 = arith.mulf %mul3A_408, %div3A_388 : vector<16xf32>
      %mul3A_410 = arith.mulf %mul3A_409, %add3A_403 : vector<16xf32>
      %add3A_411 = arith.addf %mul3A_406, %mul3A_410 : vector<16xf32>
      %sub3A_412 = arith.subf %add3A_411, %add3A_367 : vector<16xf32>
      %ge3A = arith.constant 2.000000e+00 : f32
      %ge3A_413 = vector.broadcast %ge3A : f32 to vector<16xf32>
      %ge3A_414 = arith.cmpf oge, %sub3A_412, %ge3A_413 : vector<16xf32>
      %jit3A_415 = arith.constant 2.000000e+00 : f32
      %jit3A_416 = arith.constant 7.500000e-01 : f32
      %broadcast_in_dim3A_417 = vector.broadcast %jit3A_415 : f32 to vector<16xf32>
      %broadcast_in_dim3A_418 = vector.broadcast %jit3A_416 : f32 to vector<16xf32>
      %select_n3A_419 = arith.select %ge3A_414, %broadcast_in_dim3A_417, %broadcast_in_dim3A_418 : vector<16xi1>, vector<16xf32>
      %max3A = arith.maximumf %mul3A_345, %mul3A_346 : vector<16xf32>
      %min3A = arith.minimumf %mul3A_345, %mul3A_346 : vector<16xf32>
      %max3A_420 = arith.maximumf %mul3A_347, %mul3A_348 : vector<16xf32>
      %min3A_421 = arith.minimumf %mul3A_347, %mul3A_348 : vector<16xf32>
      %max3A_422 = arith.maximumf %mul3A_349, %mul3A_350 : vector<16xf32>
      %min3A_423 = arith.minimumf %mul3A_349, %mul3A_350 : vector<16xf32>
      %max3A_424 = arith.maximumf %mul3A_351, %mul3A_352 : vector<16xf32>
      %min3A_425 = arith.minimumf %mul3A_351, %mul3A_352 : vector<16xf32>
      %max3A_426 = arith.maximumf %max3A, %max3A_420 : vector<16xf32>
      %min3A_427 = arith.minimumf %max3A, %max3A_420 : vector<16xf32>
      %max3A_428 = arith.maximumf %min3A, %min3A_421 : vector<16xf32>
      %min3A_429 = arith.minimumf %min3A, %min3A_421 : vector<16xf32>
      %max3A_430 = arith.maximumf %max3A_422, %max3A_424 : vector<16xf32>
      %min3A_431 = arith.minimumf %max3A_422, %max3A_424 : vector<16xf32>
      %max3A_432 = arith.maximumf %min3A_423, %min3A_425 : vector<16xf32>
      %min3A_433 = arith.minimumf %min3A_423, %min3A_425 : vector<16xf32>
      %max3A_434 = arith.maximumf %max3A_428, %min3A_427 : vector<16xf32>
      %min3A_435 = arith.minimumf %max3A_428, %min3A_427 : vector<16xf32>
      %max3A_436 = arith.maximumf %max3A_432, %min3A_431 : vector<16xf32>
      %min3A_437 = arith.minimumf %max3A_432, %min3A_431 : vector<16xf32>
      %max3A_438 = arith.maximumf %max3A_426, %max3A_430 : vector<16xf32>
      %min3A_439 = arith.minimumf %max3A_426, %max3A_430 : vector<16xf32>
      %max3A_440 = arith.maximumf %max3A_434, %max3A_436 : vector<16xf32>
      %min3A_441 = arith.minimumf %max3A_434, %max3A_436 : vector<16xf32>
      %max3A_442 = arith.maximumf %min3A_435, %min3A_437 : vector<16xf32>
      %min3A_443 = arith.minimumf %min3A_435, %min3A_437 : vector<16xf32>
      %max3A_444 = arith.maximumf %min3A_429, %min3A_433 : vector<16xf32>
      %min3A_445 = arith.minimumf %min3A_429, %min3A_433 : vector<16xf32>
      %max3A_446 = arith.maximumf %max3A_442, %min3A_439 : vector<16xf32>
      %min3A_447 = arith.minimumf %max3A_442, %min3A_439 : vector<16xf32>
      %max3A_448 = arith.maximumf %max3A_444, %min3A_441 : vector<16xf32>
      %min3A_449 = arith.minimumf %max3A_444, %min3A_441 : vector<16xf32>
      %max3A_450 = arith.maximumf %max3A_440, %max3A_446 : vector<16xf32>
      %min3A_451 = arith.minimumf %max3A_440, %max3A_446 : vector<16xf32>
      %max3A_452 = arith.maximumf %max3A_448, %min3A_447 : vector<16xf32>
      %min3A_453 = arith.minimumf %max3A_448, %min3A_447 : vector<16xf32>
      %max3A_454 = arith.maximumf %min3A_449, %min3A_443 : vector<16xf32>
      %min3A_455 = arith.minimumf %min3A_449, %min3A_443 : vector<16xf32>
      %mul3A_456 = arith.mulf %get3A_327, %max3A_438 : vector<16xf32>
      %swap3A_457 = arith.constant 8 : i32
      %swap3A_458 = arith.index_cast %swap3A_457 : i32 to index
      %swap3A_459 = arith.constant 0 : index
      %swap3A_460 = tpu.vector_load %arg7[%swap3A_458, %swap3A_459] {strides = array<i32>} : memref<18x16xf32, #tpu.memory_space<vmem>>, vector<16xf32>,
      tpu.vector_store %arg7[%swap3A_458, %swap3A_459], %mul3A_456 {add = true, strides = array<i32>} : memref<18x16xf32, #tpu.memory_space<vmem>>, vector<16xf32>,
      %le3A = arith.cmpf ole, %max3A_438, %select_n3A_419 : vector<16xf32>
      %jit3A_461 = arith.constant 0.000000e+00 : f32
      %broadcast_in_dim3A_462 = vector.broadcast %jit3A_461 : f32 to vector<16xf32>
      %select_n3A_463 = arith.select %le3A, %get3A_327, %broadcast_in_dim3A_462 : vector<16xi1>, vector<16xf32>
      %swap3A_464 = arith.constant 1 : i32
      %swap3A_465 = arith.index_cast %swap3A_464 : i32 to index
      %swap3A_466 = arith.constant 0 : index
      %swap3A_467 = tpu.vector_load %arg7[%swap3A_465, %swap3A_466] {strides = array<i32>} : memref<18x16xf32, #tpu.memory_space<vmem>>, vector<16xf32>,
      tpu.vector_store %arg7[%swap3A_465, %swap3A_466], %select_n3A_463 {add = true, strides = array<i32>} : memref<18x16xf32, #tpu.memory_space<vmem>>, vector<16xf32>,
      %mul3A_468 = arith.mulf %select_n3A_463, %max3A_450 : vector<16xf32>
      %swap3A_469 = arith.constant 9 : i32
      %swap3A_470 = arith.index_cast %swap3A_469 : i32 to index
      %swap3A_471 = arith.constant 0 : index
      %swap3A_472 = tpu.vector_load %arg7[%swap3A_470, %swap3A_471] {strides = array<i32>} : memref<18x16xf32, #tpu.memory_space<vmem>>, vector<16xf32>,
      tpu.vector_store %arg7[%swap3A_470, %swap3A_471], %mul3A_468 {add = true, strides = array<i32>} : memref<18x16xf32, #tpu.memory_space<vmem>>, vector<16xf32>,
      %add3A_473 = arith.addf %max3A_438, %max3A_450 : vector<16xf32>
      %le3A_474 = arith.cmpf ole, %add3A_473, %select_n3A_419 : vector<16xf32>
      %jit3A_475 = arith.constant 0.000000e+00 : f32
      %broadcast_in_dim3A_476 = vector.broadcast %jit3A_475 : f32 to vector<16xf32>
      %select_n3A_477 = arith.select %le3A_474, %get3A_327, %broadcast_in_dim3A_476 : vector<16xi1>, vector<16xf32>
      %swap3A_478 = arith.constant 2 : i32
      %swap3A_479 = arith.index_cast %swap3A_478 : i32 to index
      %swap3A_480 = arith.constant 0 : index
      %swap3A_481 = tpu.vector_load %arg7[%swap3A_479, %swap3A_480] {strides = array<i32>} : memref<18x16xf32, #tpu.memory_space<vmem>>, vector<16xf32>,
      tpu.vector_store %arg7[%swap3A_479, %swap3A_480], %select_n3A_477 {add = true, strides = array<i32>} : memref<18x16xf32, #tpu.memory_space<vmem>>, vector<16xf32>,
      %mul3A_482 = arith.mulf %select_n3A_477, %min3A_451 : vector<16xf32>
      %swap3A_483 = arith.constant 10 : i32
      %swap3A_484 = arith.index_cast %swap3A_483 : i32 to index
      %swap3A_485 = arith.constant 0 : index
      %swap3A_486 = tpu.vector_load %arg7[%swap3A_484, %swap3A_485] {strides = array<i32>} : memref<18x16xf32, #tpu.memory_space<vmem>>, vector<16xf32>,
      tpu.vector_store %arg7[%swap3A_484, %swap3A_485], %mul3A_482 {add = true, strides = array<i32>} : memref<18x16xf32, #tpu.memory_space<vmem>>, vector<16xf32>,
      %add3A_487 = arith.addf %add3A_473, %min3A_451 : vector<16xf32>
      %le3A_488 = arith.cmpf ole, %add3A_487, %select_n3A_419 : vector<16xf32>
      %jit3A_489 = arith.constant 0.000000e+00 : f32
      %broadcast_in_dim3A_490 = vector.broadcast %jit3A_489 : f32 to vector<16xf32>
      %select_n3A_491 = arith.select %le3A_488, %get3A_327, %broadcast_in_dim3A_490 : vector<16xi1>, vector<16xf32>
      %swap3A_492 = arith.constant 3 : i32
      %swap3A_493 = arith.index_cast %swap3A_492 : i32 to index
      %swap3A_494 = arith.constant 0 : index
      %swap3A_495 = tpu.vector_load %arg7[%swap3A_493, %swap3A_494] {strides = array<i32>} : memref<18x16xf32, #tpu.memory_space<vmem>>, vector<16xf32>,
      tpu.vector_store %arg7[%swap3A_493, %swap3A_494], %select_n3A_491 {add = true, strides = array<i32>} : memref<18x16xf32, #tpu.memory_space<vmem>>, vector<16xf32>,
      %mul3A_496 = arith.mulf %select_n3A_491, %max3A_452 : vector<16xf32>
      %swap3A_497 = arith.constant 11 : i32
      %swap3A_498 = arith.index_cast %swap3A_497 : i32 to index
      %swap3A_499 = arith.constant 0 : index
      %swap3A_500 = tpu.vector_load %arg7[%swap3A_498, %swap3A_499] {strides = array<i32>} : memref<18x16xf32, #tpu.memory_space<vmem>>, vector<16xf32>,
      tpu.vector_store %arg7[%swap3A_498, %swap3A_499], %mul3A_496 {add = true, strides = array<i32>} : memref<18x16xf32, #tpu.memory_space<vmem>>, vector<16xf32>,
      %add3A_501 = arith.addf %add3A_487, %max3A_452 : vector<16xf32>
      %le3A_502 = arith.cmpf ole, %add3A_501, %select_n3A_419 : vector<16xf32>
      %jit3A_503 = arith.constant 0.000000e+00 : f32
      %broadcast_in_dim3A_504 = vector.broadcast %jit3A_503 : f32 to vector<16xf32>
      %select_n3A_505 = arith.select %le3A_502, %get3A_327, %broadcast_in_dim3A_504 : vector<16xi1>, vector<16xf32>
      %swap3A_506 = arith.constant 4 : i32
      %swap3A_507 = arith.index_cast %swap3A_506 : i32 to index
      %swap3A_508 = arith.constant 0 : index
      %swap3A_509 = tpu.vector_load %arg7[%swap3A_507, %swap3A_508] {strides = array<i32>} : memref<18x16xf32, #tpu.memory_space<vmem>>, vector<16xf32>,
      tpu.vector_store %arg7[%swap3A_507, %swap3A_508], %select_n3A_505 {add = true, strides = array<i32>} : memref<18x16xf32, #tpu.memory_space<vmem>>, vector<16xf32>,
      %mul3A_510 = arith.mulf %select_n3A_505, %min3A_453 : vector<16xf32>
      %swap3A_511 = arith.constant 12 : i32
      %swap3A_512 = arith.index_cast %swap3A_511 : i32 to index
      %swap3A_513 = arith.constant 0 : index
      %swap3A_514 = tpu.vector_load %arg7[%swap3A_512, %swap3A_513] {strides = array<i32>} : memref<18x16xf32, #tpu.memory_space<vmem>>, vector<16xf32>,
      tpu.vector_store %arg7[%swap3A_512, %swap3A_513], %mul3A_510 {add = true, strides = array<i32>} : memref<18x16xf32, #tpu.memory_space<vmem>>, vector<16xf32>,
      %add3A_515 = arith.addf %add3A_501, %min3A_453 : vector<16xf32>
      %le3A_516 = arith.cmpf ole, %add3A_515, %select_n3A_419 : vector<16xf32>
      %jit3A_517 = arith.constant 0.000000e+00 : f32
      %broadcast_in_dim3A_518 = vector.broadcast %jit3A_517 : f32 to vector<16xf32>
      %select_n3A_519 = arith.select %le3A_516, %get3A_327, %broadcast_in_dim3A_518 : vector<16xi1>, vector<16xf32>
      %swap3A_520 = arith.constant 5 : i32
      %swap3A_521 = arith.index_cast %swap3A_520 : i32 to index
      %swap3A_522 = arith.constant 0 : index
      %swap3A_523 = tpu.vector_load %arg7[%swap3A_521, %swap3A_522] {strides = array<i32>} : memref<18x16xf32, #tpu.memory_space<vmem>>, vector<16xf32>,
      tpu.vector_store %arg7[%swap3A_521, %swap3A_522], %select_n3A_519 {add = true, strides = array<i32>} : memref<18x16xf32, #tpu.memory_space<vmem>>, vector<16xf32>,
      %mul3A_524 = arith.mulf %select_n3A_519, %max3A_454 : vector<16xf32>
      %swap3A_525 = arith.constant 13 : i32
      %swap3A_526 = arith.index_cast %swap3A_525 : i32 to index
      %swap3A_527 = arith.constant 0 : index
      %swap3A_528 = tpu.vector_load %arg7[%swap3A_526, %swap3A_527] {strides = array<i32>} : memref<18x16xf32, #tpu.memory_space<vmem>>, vector<16xf32>,
      tpu.vector_store %arg7[%swap3A_526, %swap3A_527], %mul3A_524 {add = true, strides = array<i32>} : memref<18x16xf32, #tpu.memory_space<vmem>>, vector<16xf32>,
      %add3A_529 = arith.addf %add3A_515, %max3A_454 : vector<16xf32>
      %le3A_530 = arith.cmpf ole, %add3A_529, %select_n3A_419 : vector<16xf32>
      %jit3A_531 = arith.constant 0.000000e+00 : f32
      %broadcast_in_dim3A_532 = vector.broadcast %jit3A_531 : f32 to vector<16xf32>
      %select_n3A_533 = arith.select %le3A_530, %get3A_327, %broadcast_in_dim3A_532 : vector<16xi1>, vector<16xf32>
      %swap3A_534 = arith.constant 6 : i32
      %swap3A_535 = arith.index_cast %swap3A_534 : i32 to index
      %swap3A_536 = arith.constant 0 : index
      %swap3A_537 = tpu.vector_load %arg7[%swap3A_535, %swap3A_536] {strides = array<i32>} : memref<18x16xf32, #tpu.memory_space<vmem>>, vector<16xf32>,
      tpu.vector_store %arg7[%swap3A_535, %swap3A_536], %select_n3A_533 {add = true, strides = array<i32>} : memref<18x16xf32, #tpu.memory_space<vmem>>, vector<16xf32>,
      %mul3A_538 = arith.mulf %select_n3A_533, %min3A_455 : vector<16xf32>
      %swap3A_539 = arith.constant 14 : i32
      %swap3A_540 = arith.index_cast %swap3A_539 : i32 to index
      %swap3A_541 = arith.constant 0 : index
      %swap3A_542 = tpu.vector_load %arg7[%swap3A_540, %swap3A_541] {strides = array<i32>} : memref<18x16xf32, #tpu.memory_space<vmem>>, vector<16xf32>,
      tpu.vector_store %arg7[%swap3A_540, %swap3A_541], %mul3A_538 {add = true, strides = array<i32>} : memref<18x16xf32, #tpu.memory_space<vmem>>, vector<16xf32>,
      %add3A_543 = arith.addf %add3A_529, %min3A_455 : vector<16xf32>
      %le3A_544 = arith.cmpf ole, %add3A_543, %select_n3A_419 : vector<16xf32>
      %jit3A_545 = arith.constant 0.000000e+00 : f32
      %broadcast_in_dim3A_546 = vector.broadcast %jit3A_545 : f32 to vector<16xf32>
      %select_n3A_547 = arith.select %le3A_544, %get3A_327, %broadcast_in_dim3A_546 : vector<16xi1>, vector<16xf32>
      %swap3A_548 = arith.constant 7 : i32
      %swap3A_549 = arith.index_cast %swap3A_548 : i32 to index
      %swap3A_550 = arith.constant 0 : index
      %swap3A_551 = tpu.vector_load %arg7[%swap3A_549, %swap3A_550] {strides = array<i32>} : memref<18x16xf32, #tpu.memory_space<vmem>>, vector<16xf32>,
      tpu.vector_store %arg7[%swap3A_549, %swap3A_550], %select_n3A_547 {add = true, strides = array<i32>} : memref<18x16xf32, #tpu.memory_space<vmem>>, vector<16xf32>,
      %mul3A_552 = arith.mulf %select_n3A_547, %min3A_445 : vector<16xf32>
      %swap3A_553 = arith.constant 15 : i32
      %swap3A_554 = arith.index_cast %swap3A_553 : i32 to index
      %swap3A_555 = arith.constant 0 : index
      %swap3A_556 = tpu.vector_load %arg7[%swap3A_554, %swap3A_555] {strides = array<i32>} : memref<18x16xf32, #tpu.memory_space<vmem>>, vector<16xf32>,
      tpu.vector_store %arg7[%swap3A_554, %swap3A_555], %mul3A_552 {add = true, strides = array<i32>} : memref<18x16xf32, #tpu.memory_space<vmem>>, vector<16xf32>,
      %swap3A_557 = arith.constant 16 : i32
      %swap3A_558 = arith.index_cast %swap3A_557 : i32 to index
      %swap3A_559 = arith.constant 0 : index
      %swap3A_560 = tpu.vector_load %arg7[%swap3A_558, %swap3A_559] {strides = array<i32>} : memref<18x16xf32, #tpu.memory_space<vmem>>, vector<16xf32>,
      tpu.vector_store %arg7[%swap3A_558, %swap3A_559], %sub3A_412 {add = true, strides = array<i32>} : memref<18x16xf32, #tpu.memory_space<vmem>>, vector<16xf32>,
      %swap3A_561 = arith.constant 17 : i32
      %swap3A_562 = arith.index_cast %swap3A_561 : i32 to index
      %swap3A_563 = arith.constant 0 : index
      %swap3A_564 = tpu.vector_load %arg7[%swap3A_562, %swap3A_563] {strides = array<i32>} : memref<18x16xf32, #tpu.memory_space<vmem>>, vector<16xf32>,
      tpu.vector_store %arg7[%swap3A_562, %swap3A_563], %get3A_327 {add = true, strides = array<i32>} : memref<18x16xf32, #tpu.memory_space<vmem>>, vector<16xf32>,
      %mul3A_565 = arith.constant 2 : i32
      %mul3A_566 = arith.muli %mul3A_565, %scan3A_256 : i32
      %add3A_567 = arith.constant 1 : i32
      %add3A_568 = arith.addi %mul3A_566, %add3A_567 : i32
      %mul3A_569 = arith.constant 16 : i32
      %mul3A_570 = arith.muli %add3A_568, %mul3A_569 : i32
      %get3A_571 = arith.constant 1 : i32
      %get3A_572 = arith.constant 0 : i32
      %get3A_573 = arith.index_cast %get3A_571 : i32 to index
      %get3A_574 = arith.index_cast %get3A_572 : i32 to index
      %get3A_575 = arith.index_cast %mul3A_570 : i32 to index
      %get3A_576 = tpu.vector_load %arg5[%get3A_573, %get3A_574, %get3A_575] {strides = array<i32>} : memref<2x8x1024xf32, #tpu.memory_space<vmem>>, vector<16xf32>,
      %mul3A_577 = arith.constant 16 : i32
      %mul3A_578 = arith.muli %add3A_568, %mul3A_577 : i32
      %get3A_579 = arith.constant 1 : i32
      %get3A_580 = arith.constant 1 : i32
      %get3A_581 = arith.index_cast %get3A_579 : i32 to index
      %get3A_582 = arith.index_cast %get3A_580 : i32 to index
      %get3A_583 = arith.index_cast %mul3A_578 : i32 to index
      %get3A_584 = tpu.vector_load %arg5[%get3A_581, %get3A_582, %get3A_583] {strides = array<i32>} : memref<2x8x1024xf32, #tpu.memory_space<vmem>>, vector<16xf32>,
      %mul3A_585 = arith.constant 16 : i32
      %mul3A_586 = arith.muli %add3A_568, %mul3A_585 : i32
      %get3A_587 = arith.constant 1 : i32
      %get3A_588 = arith.constant 2 : i32
      %get3A_589 = arith.index_cast %get3A_587 : i32 to index
      %get3A_590 = arith.index_cast %get3A_588 : i32 to index
      %get3A_591 = arith.index_cast %mul3A_586 : i32 to index
      %get3A_592 = tpu.vector_load %arg5[%get3A_589, %get3A_590, %get3A_591] {strides = array<i32>} : memref<2x8x1024xf32, #tpu.memory_space<vmem>>, vector<16xf32>,
      %mul3A_593 = arith.constant 16 : i32
      %mul3A_594 = arith.muli %add3A_568, %mul3A_593 : i32
      %get3A_595 = arith.constant 1 : i32
      %get3A_596 = arith.constant 3 : i32
      %get3A_597 = arith.index_cast %get3A_595 : i32 to index
      %get3A_598 = arith.index_cast %get3A_596 : i32 to index
      %get3A_599 = arith.index_cast %mul3A_594 : i32 to index
      %get3A_600 = tpu.vector_load %arg5[%get3A_597, %get3A_598, %get3A_599] {strides = array<i32>} : memref<2x8x1024xf32, #tpu.memory_space<vmem>>, vector<16xf32>,
      %mul3A_601 = arith.constant 16 : i32
      %mul3A_602 = arith.muli %add3A_568, %mul3A_601 : i32
      %get3A_603 = arith.constant 1 : i32
      %get3A_604 = arith.constant 4 : i32
      %get3A_605 = arith.index_cast %get3A_603 : i32 to index
      %get3A_606 = arith.index_cast %get3A_604 : i32 to index
      %get3A_607 = arith.index_cast %mul3A_602 : i32 to index
      %get3A_608 = tpu.vector_load %arg5[%get3A_605, %get3A_606, %get3A_607] {strides = array<i32>} : memref<2x8x1024xf32, #tpu.memory_space<vmem>>, vector<16xf32>,
      %mul3A_609 = arith.constant 16 : i32
      %mul3A_610 = arith.muli %add3A_568, %mul3A_609 : i32
      %get3A_611 = arith.constant 1 : i32
      %get3A_612 = arith.constant 5 : i32
      %get3A_613 = arith.index_cast %get3A_611 : i32 to index
      %get3A_614 = arith.index_cast %get3A_612 : i32 to index
      %get3A_615 = arith.index_cast %mul3A_610 : i32 to index
      %get3A_616 = tpu.vector_load %arg5[%get3A_613, %get3A_614, %get3A_615] {strides = array<i32>} : memref<2x8x1024xf32, #tpu.memory_space<vmem>>, vector<16xf32>,
      %mul3A_617 = arith.constant 16 : i32
      %mul3A_618 = arith.muli %add3A_568, %mul3A_617 : i32
      %get3A_619 = arith.constant 1 : i32
      %get3A_620 = arith.constant 6 : i32
      %get3A_621 = arith.index_cast %get3A_619 : i32 to index
      %get3A_622 = arith.index_cast %get3A_620 : i32 to index
      %get3A_623 = arith.index_cast %mul3A_618 : i32 to index
      %get3A_624 = tpu.vector_load %arg5[%get3A_621, %get3A_622, %get3A_623] {strides = array<i32>} : memref<2x8x1024xf32, #tpu.memory_space<vmem>>, vector<16xf32>,
      %mul3A_625 = arith.constant 16 : i32
      %mul3A_626 = arith.muli %add3A_568, %mul3A_625 : i32
      %get3A_627 = arith.constant 1 : i32
      %get3A_628 = arith.constant 7 : i32
      %get3A_629 = arith.index_cast %get3A_627 : i32 to index
      %get3A_630 = arith.index_cast %get3A_628 : i32 to index
      %get3A_631 = arith.index_cast %mul3A_626 : i32 to index
      %get3A_632 = tpu.vector_load %arg5[%get3A_629, %get3A_630, %get3A_631] {strides = array<i32>} : memref<2x8x1024xf32, #tpu.memory_space<vmem>>, vector<16xf32>,
      %mul3A_633 = arith.constant 16 : i32
      %mul3A_634 = arith.muli %add3A_568, %mul3A_633 : i32
      %get3A_635 = arith.constant 1 : i32
      %get3A_636 = arith.index_cast %get3A_635 : i32 to index
      %get3A_637 = arith.index_cast %mul3A_634 : i32 to index
      %get3A_638 = tpu.vector_load %arg6[%get3A_636, %get3A_637] {strides = array<i32>} : memref<2x1024xf32, #tpu.memory_space<vmem>>, vector<16xf32>,
      %exp3A_639 = math.exp %get3A_576 : vector<16xf32>
      %exp3A_640 = math.exp %get3A_584 : vector<16xf32>
      %exp3A_641 = math.exp %get3A_592 : vector<16xf32>
      %exp3A_642 = math.exp %get3A_600 : vector<16xf32>
      %exp3A_643 = math.exp %get3A_608 : vector<16xf32>
      %exp3A_644 = math.exp %get3A_616 : vector<16xf32>
      %exp3A_645 = math.exp %get3A_624 : vector<16xf32>
      %exp3A_646 = math.exp %get3A_632 : vector<16xf32>
      %add3A_647 = arith.addf %exp3A_639, %exp3A_640 : vector<16xf32>
      %add3A_648 = arith.addf %exp3A_641, %exp3A_642 : vector<16xf32>
      %add3A_649 = arith.addf %add3A_647, %add3A_648 : vector<16xf32>
      %add3A_650 = arith.addf %exp3A_643, %exp3A_644 : vector<16xf32>
      %add3A_651 = arith.addf %exp3A_645, %exp3A_646 : vector<16xf32>
      %add3A_652 = arith.addf %add3A_650, %add3A_651 : vector<16xf32>
      %add3A_653 = arith.addf %add3A_649, %add3A_652 : vector<16xf32>
      %div3A_654 = arith.constant 1.000000e+00 : f32
      %div3A_655 = vector.broadcast %div3A_654 : f32 to vector<16xf32>
      %div3A_656 = arith.divf %div3A_655, %add3A_653 : vector<16xf32>
      %mul3A_657 = arith.mulf %exp3A_639, %div3A_656 : vector<16xf32>
      %mul3A_658 = arith.mulf %exp3A_640, %div3A_656 : vector<16xf32>
      %mul3A_659 = arith.mulf %exp3A_641, %div3A_656 : vector<16xf32>
      %mul3A_660 = arith.mulf %exp3A_642, %div3A_656 : vector<16xf32>
      %mul3A_661 = arith.mulf %exp3A_643, %div3A_656 : vector<16xf32>
      %mul3A_662 = arith.mulf %exp3A_644, %div3A_656 : vector<16xf32>
      %mul3A_663 = arith.mulf %exp3A_645, %div3A_656 : vector<16xf32>
      %mul3A_664 = arith.mulf %exp3A_646, %div3A_656 : vector<16xf32>
      %mul3A_665 = arith.mulf %mul3A_657, %get3A_576 : vector<16xf32>
      %mul3A_666 = arith.mulf %mul3A_658, %get3A_584 : vector<16xf32>
      %add3A_667 = arith.addf %mul3A_665, %mul3A_666 : vector<16xf32>
      %mul3A_668 = arith.mulf %mul3A_659, %get3A_592 : vector<16xf32>
      %mul3A_669 = arith.mulf %mul3A_660, %get3A_600 : vector<16xf32>
      %add3A_670 = arith.addf %mul3A_668, %mul3A_669 : vector<16xf32>
      %add3A_671 = arith.addf %add3A_667, %add3A_670 : vector<16xf32>
      %mul3A_672 = arith.mulf %mul3A_661, %get3A_608 : vector<16xf32>
      %mul3A_673 = arith.mulf %mul3A_662, %get3A_616 : vector<16xf32>
      %add3A_674 = arith.addf %mul3A_672, %mul3A_673 : vector<16xf32>
      %mul3A_675 = arith.mulf %mul3A_663, %get3A_624 : vector<16xf32>
      %mul3A_676 = arith.mulf %mul3A_664, %get3A_632 : vector<16xf32>
      %add3A_677 = arith.addf %mul3A_675, %mul3A_676 : vector<16xf32>
      %add3A_678 = arith.addf %add3A_674, %add3A_677 : vector<16xf32>
      %add3A_679 = arith.addf %add3A_671, %add3A_678 : vector<16xf32>
      %bitcast_convert_type3A_680 = tpu.bitcast %add3A_653 : vector<16xf32> -> vector<16xi32>
      %shift_right_arithmetic3A_681 = arith.constant 23 : i32
      %shift_right_arithmetic3A_682 = vector.broadcast %shift_right_arithmetic3A_681 : i32 to vector<16xi32>
      %shift_right_arithmetic3A_683 = arith.shrsi %bitcast_convert_type3A_680, %shift_right_arithmetic3A_682 : vector<16xi32>
      %and3A_684 = arith.constant 255 : i32
      %and3A_685 = vector.broadcast %and3A_684 : i32 to vector<16xi32>
      %and3A_686 = arith.andi %shift_right_arithmetic3A_683, %and3A_685 : vector<16xi32>
      %and3A_687 = arith.constant 8388607 : i32
      %and3A_688 = vector.broadcast %and3A_687 : i32 to vector<16xi32>
      %and3A_689 = arith.andi %bitcast_convert_type3A_680, %and3A_688 : vector<16xi32>
      %or3A_690 = arith.constant 1065353216 : i32
      %or3A_691 = vector.broadcast %or3A_690 : i32 to vector<16xi32>
      %or3A_692 = arith.ori %and3A_689, %or3A_691 : vector<16xi32>
      %bitcast_convert_type3A_693 = tpu.bitcast %or3A_692 : vector<16xi32> -> vector<16xf32>
      %sub3A_694 = arith.constant 127 : i32
      %sub3A_695 = vector.broadcast %sub3A_694 : i32 to vector<16xi32>
      %sub3A_696 = arith.subi %and3A_686, %sub3A_695 : vector<16xi32>
      %convert_element_type3A_697 = arith.sitofp %sub3A_696 : vector<16xi32> to vector<16xf32>
      %sub3A_698 = arith.constant 1.000000e+00 : f32
      %sub3A_699 = vector.broadcast %sub3A_698 : f32 to vector<16xf32>
      %sub3A_700 = arith.subf %bitcast_convert_type3A_693, %sub3A_699 : vector<16xf32>
      %add3A_701 = arith.constant 1.000000e+00 : f32
      %add3A_702 = vector.broadcast %add3A_701 : f32 to vector<16xf32>
      %add3A_703 = arith.addf %bitcast_convert_type3A_693, %add3A_702 : vector<16xf32>
      %div3A_704 = arith.divf %sub3A_700, %add3A_703 : vector<16xf32>
      %mul3A_705 = arith.mulf %div3A_704, %div3A_704 : vector<16xf32>
      %mul3A_706 = arith.constant 0.142857149 : f32
      %mul3A_707 = vector.broadcast %mul3A_706 : f32 to vector<16xf32>
      %mul3A_708 = arith.mulf %mul3A_705, %mul3A_707 : vector<16xf32>
      %add3A_709 = arith.constant 2.000000e-01 : f32
      %add3A_710 = vector.broadcast %add3A_709 : f32 to vector<16xf32>
      %add3A_711 = arith.addf %add3A_710, %mul3A_708 : vector<16xf32>
      %mul3A_712 = arith.mulf %mul3A_705, %add3A_711 : vector<16xf32>
      %add3A_713 = arith.constant 0.333333343 : f32
      %add3A_714 = vector.broadcast %add3A_713 : f32 to vector<16xf32>
      %add3A_715 = arith.addf %add3A_714, %mul3A_712 : vector<16xf32>
      %mul3A_716 = arith.mulf %mul3A_705, %add3A_715 : vector<16xf32>
      %add3A_717 = arith.constant 1.000000e+00 : f32
      %add3A_718 = vector.broadcast %add3A_717 : f32 to vector<16xf32>
      %add3A_719 = arith.addf %add3A_718, %mul3A_716 : vector<16xf32>
      %mul3A_720 = arith.constant 0.693147182 : f32
      %mul3A_721 = vector.broadcast %mul3A_720 : f32 to vector<16xf32>
      %mul3A_722 = arith.mulf %convert_element_type3A_697, %mul3A_721 : vector<16xf32>
      %mul3A_723 = arith.constant 2.000000e+00 : f32
      %mul3A_724 = vector.broadcast %mul3A_723 : f32 to vector<16xf32>
      %mul3A_725 = arith.mulf %mul3A_724, %div3A_704 : vector<16xf32>
      %mul3A_726 = arith.mulf %mul3A_725, %add3A_719 : vector<16xf32>
      %add3A_727 = arith.addf %mul3A_722, %mul3A_726 : vector<16xf32>
      %sub3A_728 = arith.subf %add3A_727, %add3A_679 : vector<16xf32>
      %ge3A_729 = arith.constant 2.000000e+00 : f32
      %ge3A_730 = vector.broadcast %ge3A_729 : f32 to vector<16xf32>
      %ge3A_731 = arith.cmpf oge, %sub3A_728, %ge3A_730 : vector<16xf32>
      %jit3A_732 = arith.constant 2.000000e+00 : f32
      %jit3A_733 = arith.constant 7.500000e-01 : f32
      %broadcast_in_dim3A_734 = vector.broadcast %jit3A_732 : f32 to vector<16xf32>
      %broadcast_in_dim3A_735 = vector.broadcast %jit3A_733 : f32 to vector<16xf32>
      %select_n3A_736 = arith.select %ge3A_731, %broadcast_in_dim3A_734, %broadcast_in_dim3A_735 : vector<16xi1>, vector<16xf32>
      %max3A_737 = arith.maximumf %mul3A_657, %mul3A_658 : vector<16xf32>
      %min3A_738 = arith.minimumf %mul3A_657, %mul3A_658 : vector<16xf32>
      %max3A_739 = arith.maximumf %mul3A_659, %mul3A_660 : vector<16xf32>
      %min3A_740 = arith.minimumf %mul3A_659, %mul3A_660 : vector<16xf32>
      %max3A_741 = arith.maximumf %mul3A_661, %mul3A_662 : vector<16xf32>
      %min3A_742 = arith.minimumf %mul3A_661, %mul3A_662 : vector<16xf32>
      %max3A_743 = arith.maximumf %mul3A_663, %mul3A_664 : vector<16xf32>
      %min3A_744 = arith.minimumf %mul3A_663, %mul3A_664 : vector<16xf32>
      %max3A_745 = arith.maximumf %max3A_737, %max3A_739 : vector<16xf32>
      %min3A_746 = arith.minimumf %max3A_737, %max3A_739 : vector<16xf32>
      %max3A_747 = arith.maximumf %min3A_738, %min3A_740 : vector<16xf32>
      %min3A_748 = arith.minimumf %min3A_738, %min3A_740 : vector<16xf32>
      %max3A_749 = arith.maximumf %max3A_741, %max3A_743 : vector<16xf32>
      %min3A_750 = arith.minimumf %max3A_741, %max3A_743 : vector<16xf32>
      %max3A_751 = arith.maximumf %min3A_742, %min3A_744 : vector<16xf32>
      %min3A_752 = arith.minimumf %min3A_742, %min3A_744 : vector<16xf32>
      %max3A_753 = arith.maximumf %max3A_747, %min3A_746 : vector<16xf32>
      %min3A_754 = arith.minimumf %max3A_747, %min3A_746 : vector<16xf32>
      %max3A_755 = arith.maximumf %max3A_751, %min3A_750 : vector<16xf32>
      %min3A_756 = arith.minimumf %max3A_751, %min3A_750 : vector<16xf32>
      %max3A_757 = arith.maximumf %max3A_745, %max3A_749 : vector<16xf32>
      %min3A_758 = arith.minimumf %max3A_745, %max3A_749 : vector<16xf32>
      %max3A_759 = arith.maximumf %max3A_753, %max3A_755 : vector<16xf32>
      %min3A_760 = arith.minimumf %max3A_753, %max3A_755 : vector<16xf32>
      %max3A_761 = arith.maximumf %min3A_754, %min3A_756 : vector<16xf32>
      %min3A_762 = arith.minimumf %min3A_754, %min3A_756 : vector<16xf32>
      %max3A_763 = arith.maximumf %min3A_748, %min3A_752 : vector<16xf32>
      %min3A_764 = arith.minimumf %min3A_748, %min3A_752 : vector<16xf32>
      %max3A_765 = arith.maximumf %max3A_761, %min3A_758 : vector<16xf32>
      %min3A_766 = arith.minimumf %max3A_761, %min3A_758 : vector<16xf32>
      %max3A_767 = arith.maximumf %max3A_763, %min3A_760 : vector<16xf32>
      %min3A_768 = arith.minimumf %max3A_763, %min3A_760 : vector<16xf32>
      %max3A_769 = arith.maximumf %max3A_759, %max3A_765 : vector<16xf32>
      %min3A_770 = arith.minimumf %max3A_759, %max3A_765 : vector<16xf32>
      %max3A_771 = arith.maximumf %max3A_767, %min3A_766 : vector<16xf32>
      %min3A_772 = arith.minimumf %max3A_767, %min3A_766 : vector<16xf32>
      %max3A_773 = arith.maximumf %min3A_768, %min3A_762 : vector<16xf32>
      %min3A_774 = arith.minimumf %min3A_768, %min3A_762 : vector<16xf32>
      %mul3A_775 = arith.mulf %get3A_638, %max3A_757 : vector<16xf32>
      %swap3A_776 = arith.constant 8 : i32
      %swap3A_777 = arith.index_cast %swap3A_776 : i32 to index
      %swap3A_778 = arith.constant 0 : index
      %swap3A_779 = tpu.vector_load %arg7[%swap3A_777, %swap3A_778] {strides = array<i32>} : memref<18x16xf32, #tpu.memory_space<vmem>>, vector<16xf32>,
      tpu.vector_store %arg7[%swap3A_777, %swap3A_778], %mul3A_775 {add = true, strides = array<i32>} : memref<18x16xf32, #tpu.memory_space<vmem>>, vector<16xf32>,
      %le3A_780 = arith.cmpf ole, %max3A_757, %select_n3A_736 : vector<16xf32>
      %jit3A_781 = arith.constant 0.000000e+00 : f32
      %broadcast_in_dim3A_782 = vector.broadcast %jit3A_781 : f32 to vector<16xf32>
      %select_n3A_783 = arith.select %le3A_780, %get3A_638, %broadcast_in_dim3A_782 : vector<16xi1>, vector<16xf32>
      %swap3A_784 = arith.constant 1 : i32
      %swap3A_785 = arith.index_cast %swap3A_784 : i32 to index
      %swap3A_786 = arith.constant 0 : index
      %swap3A_787 = tpu.vector_load %arg7[%swap3A_785, %swap3A_786] {strides = array<i32>} : memref<18x16xf32, #tpu.memory_space<vmem>>, vector<16xf32>,
      tpu.vector_store %arg7[%swap3A_785, %swap3A_786], %select_n3A_783 {add = true, strides = array<i32>} : memref<18x16xf32, #tpu.memory_space<vmem>>, vector<16xf32>,
      %mul3A_788 = arith.mulf %select_n3A_783, %max3A_769 : vector<16xf32>
      %swap3A_789 = arith.constant 9 : i32
      %swap3A_790 = arith.index_cast %swap3A_789 : i32 to index
      %swap3A_791 = arith.constant 0 : index
      %swap3A_792 = tpu.vector_load %arg7[%swap3A_790, %swap3A_791] {strides = array<i32>} : memref<18x16xf32, #tpu.memory_space<vmem>>, vector<16xf32>,
      tpu.vector_store %arg7[%swap3A_790, %swap3A_791], %mul3A_788 {add = true, strides = array<i32>} : memref<18x16xf32, #tpu.memory_space<vmem>>, vector<16xf32>,
      %add3A_793 = arith.addf %max3A_757, %max3A_769 : vector<16xf32>
      %le3A_794 = arith.cmpf ole, %add3A_793, %select_n3A_736 : vector<16xf32>
      %jit3A_795 = arith.constant 0.000000e+00 : f32
      %broadcast_in_dim3A_796 = vector.broadcast %jit3A_795 : f32 to vector<16xf32>
      %select_n3A_797 = arith.select %le3A_794, %get3A_638, %broadcast_in_dim3A_796 : vector<16xi1>, vector<16xf32>
      %swap3A_798 = arith.constant 2 : i32
      %swap3A_799 = arith.index_cast %swap3A_798 : i32 to index
      %swap3A_800 = arith.constant 0 : index
      %swap3A_801 = tpu.vector_load %arg7[%swap3A_799, %swap3A_800] {strides = array<i32>} : memref<18x16xf32, #tpu.memory_space<vmem>>, vector<16xf32>,
      tpu.vector_store %arg7[%swap3A_799, %swap3A_800], %select_n3A_797 {add = true, strides = array<i32>} : memref<18x16xf32, #tpu.memory_space<vmem>>, vector<16xf32>,
      %mul3A_802 = arith.mulf %select_n3A_797, %min3A_770 : vector<16xf32>
      %swap3A_803 = arith.constant 10 : i32
      %swap3A_804 = arith.index_cast %swap3A_803 : i32 to index
      %swap3A_805 = arith.constant 0 : index
      %swap3A_806 = tpu.vector_load %arg7[%swap3A_804, %swap3A_805] {strides = array<i32>} : memref<18x16xf32, #tpu.memory_space<vmem>>, vector<16xf32>,
      tpu.vector_store %arg7[%swap3A_804, %swap3A_805], %mul3A_802 {add = true, strides = array<i32>} : memref<18x16xf32, #tpu.memory_space<vmem>>, vector<16xf32>,
      %add3A_807 = arith.addf %add3A_793, %min3A_770 : vector<16xf32>
      %le3A_808 = arith.cmpf ole, %add3A_807, %select_n3A_736 : vector<16xf32>
      %jit3A_809 = arith.constant 0.000000e+00 : f32
      %broadcast_in_dim3A_810 = vector.broadcast %jit3A_809 : f32 to vector<16xf32>
      %select_n3A_811 = arith.select %le3A_808, %get3A_638, %broadcast_in_dim3A_810 : vector<16xi1>, vector<16xf32>
      %swap3A_812 = arith.constant 3 : i32
      %swap3A_813 = arith.index_cast %swap3A_812 : i32 to index
      %swap3A_814 = arith.constant 0 : index
      %swap3A_815 = tpu.vector_load %arg7[%swap3A_813, %swap3A_814] {strides = array<i32>} : memref<18x16xf32, #tpu.memory_space<vmem>>, vector<16xf32>,
      tpu.vector_store %arg7[%swap3A_813, %swap3A_814], %select_n3A_811 {add = true, strides = array<i32>} : memref<18x16xf32, #tpu.memory_space<vmem>>, vector<16xf32>,
      %mul3A_816 = arith.mulf %select_n3A_811, %max3A_771 : vector<16xf32>
      %swap3A_817 = arith.constant 11 : i32
      %swap3A_818 = arith.index_cast %swap3A_817 : i32 to index
      %swap3A_819 = arith.constant 0 : index
      %swap3A_820 = tpu.vector_load %arg7[%swap3A_818, %swap3A_819] {strides = array<i32>} : memref<18x16xf32, #tpu.memory_space<vmem>>, vector<16xf32>,
      tpu.vector_store %arg7[%swap3A_818, %swap3A_819], %mul3A_816 {add = true, strides = array<i32>} : memref<18x16xf32, #tpu.memory_space<vmem>>, vector<16xf32>,
      %add3A_821 = arith.addf %add3A_807, %max3A_771 : vector<16xf32>
      %le3A_822 = arith.cmpf ole, %add3A_821, %select_n3A_736 : vector<16xf32>
      %jit3A_823 = arith.constant 0.000000e+00 : f32
      %broadcast_in_dim3A_824 = vector.broadcast %jit3A_823 : f32 to vector<16xf32>
      %select_n3A_825 = arith.select %le3A_822, %get3A_638, %broadcast_in_dim3A_824 : vector<16xi1>, vector<16xf32>
      %swap3A_826 = arith.constant 4 : i32
      %swap3A_827 = arith.index_cast %swap3A_826 : i32 to index
      %swap3A_828 = arith.constant 0 : index
      %swap3A_829 = tpu.vector_load %arg7[%swap3A_827, %swap3A_828] {strides = array<i32>} : memref<18x16xf32, #tpu.memory_space<vmem>>, vector<16xf32>,
      tpu.vector_store %arg7[%swap3A_827, %swap3A_828], %select_n3A_825 {add = true, strides = array<i32>} : memref<18x16xf32, #tpu.memory_space<vmem>>, vector<16xf32>,
      %mul3A_830 = arith.mulf %select_n3A_825, %min3A_772 : vector<16xf32>
      %swap3A_831 = arith.constant 12 : i32
      %swap3A_832 = arith.index_cast %swap3A_831 : i32 to index
      %swap3A_833 = arith.constant 0 : index
      %swap3A_834 = tpu.vector_load %arg7[%swap3A_832, %swap3A_833] {strides = array<i32>} : memref<18x16xf32, #tpu.memory_space<vmem>>, vector<16xf32>,
      tpu.vector_store %arg7[%swap3A_832, %swap3A_833], %mul3A_830 {add = true, strides = array<i32>} : memref<18x16xf32, #tpu.memory_space<vmem>>, vector<16xf32>,
      %add3A_835 = arith.addf %add3A_821, %min3A_772 : vector<16xf32>
      %le3A_836 = arith.cmpf ole, %add3A_835, %select_n3A_736 : vector<16xf32>
      %jit3A_837 = arith.constant 0.000000e+00 : f32
      %broadcast_in_dim3A_838 = vector.broadcast %jit3A_837 : f32 to vector<16xf32>
      %select_n3A_839 = arith.select %le3A_836, %get3A_638, %broadcast_in_dim3A_838 : vector<16xi1>, vector<16xf32>
      %swap3A_840 = arith.constant 5 : i32
      %swap3A_841 = arith.index_cast %swap3A_840 : i32 to index
      %swap3A_842 = arith.constant 0 : index
      %swap3A_843 = tpu.vector_load %arg7[%swap3A_841, %swap3A_842] {strides = array<i32>} : memref<18x16xf32, #tpu.memory_space<vmem>>, vector<16xf32>,
      tpu.vector_store %arg7[%swap3A_841, %swap3A_842], %select_n3A_839 {add = true, strides = array<i32>} : memref<18x16xf32, #tpu.memory_space<vmem>>, vector<16xf32>,
      %mul3A_844 = arith.mulf %select_n3A_839, %max3A_773 : vector<16xf32>
      %swap3A_845 = arith.constant 13 : i32
      %swap3A_846 = arith.index_cast %swap3A_845 : i32 to index
      %swap3A_847 = arith.constant 0 : index
      %swap3A_848 = tpu.vector_load %arg7[%swap3A_846, %swap3A_847] {strides = array<i32>} : memref<18x16xf32, #tpu.memory_space<vmem>>, vector<16xf32>,
      tpu.vector_store %arg7[%swap3A_846, %swap3A_847], %mul3A_844 {add = true, strides = array<i32>} : memref<18x16xf32, #tpu.memory_space<vmem>>, vector<16xf32>,
      %add3A_849 = arith.addf %add3A_835, %max3A_773 : vector<16xf32>
      %le3A_850 = arith.cmpf ole, %add3A_849, %select_n3A_736 : vector<16xf32>
      %jit3A_851 = arith.constant 0.000000e+00 : f32
      %broadcast_in_dim3A_852 = vector.broadcast %jit3A_851 : f32 to vector<16xf32>
      %select_n3A_853 = arith.select %le3A_850, %get3A_638, %broadcast_in_dim3A_852 : vector<16xi1>, vector<16xf32>
      %swap3A_854 = arith.constant 6 : i32
      %swap3A_855 = arith.index_cast %swap3A_854 : i32 to index
      %swap3A_856 = arith.constant 0 : index
      %swap3A_857 = tpu.vector_load %arg7[%swap3A_855, %swap3A_856] {strides = array<i32>} : memref<18x16xf32, #tpu.memory_space<vmem>>, vector<16xf32>,
      tpu.vector_store %arg7[%swap3A_855, %swap3A_856], %select_n3A_853 {add = true, strides = array<i32>} : memref<18x16xf32, #tpu.memory_space<vmem>>, vector<16xf32>,
      %mul3A_858 = arith.mulf %select_n3A_853, %min3A_774 : vector<16xf32>
      %swap3A_859 = arith.constant 14 : i32
      %swap3A_860 = arith.index_cast %swap3A_859 : i32 to index
      %swap3A_861 = arith.constant 0 : index
      %swap3A_862 = tpu.vector_load %arg7[%swap3A_860, %swap3A_861] {strides = array<i32>} : memref<18x16xf32, #tpu.memory_space<vmem>>, vector<16xf32>,
      tpu.vector_store %arg7[%swap3A_860, %swap3A_861], %mul3A_858 {add = true, strides = array<i32>} : memref<18x16xf32, #tpu.memory_space<vmem>>, vector<16xf32>,
      %add3A_863 = arith.addf %add3A_849, %min3A_774 : vector<16xf32>
      %le3A_864 = arith.cmpf ole, %add3A_863, %select_n3A_736 : vector<16xf32>
      %jit3A_865 = arith.constant 0.000000e+00 : f32
      %broadcast_in_dim3A_866 = vector.broadcast %jit3A_865 : f32 to vector<16xf32>
      %select_n3A_867 = arith.select %le3A_864, %get3A_638, %broadcast_in_dim3A_866 : vector<16xi1>, vector<16xf32>
      %swap3A_868 = arith.constant 7 : i32
      %swap3A_869 = arith.index_cast %swap3A_868 : i32 to index
      %swap3A_870 = arith.constant 0 : index
      %swap3A_871 = tpu.vector_load %arg7[%swap3A_869, %swap3A_870] {strides = array<i32>} : memref<18x16xf32, #tpu.memory_space<vmem>>, vector<16xf32>,
      tpu.vector_store %arg7[%swap3A_869, %swap3A_870], %select_n3A_867 {add = true, strides = array<i32>} : memref<18x16xf32, #tpu.memory_space<vmem>>, vector<16xf32>,
      %mul3A_872 = arith.mulf %select_n3A_867, %min3A_764 : vector<16xf32>
      %swap3A_873 = arith.constant 15 : i32
      %swap3A_874 = arith.index_cast %swap3A_873 : i32 to index
      %swap3A_875 = arith.constant 0 : index
      %swap3A_876 = tpu.vector_load %arg7[%swap3A_874, %swap3A_875] {strides = array<i32>} : memref<18x16xf32, #tpu.memory_space<vmem>>, vector<16xf32>,
      tpu.vector_store %arg7[%swap3A_874, %swap3A_875], %mul3A_872 {add = true, strides = array<i32>} : memref<18x16xf32, #tpu.memory_space<vmem>>, vector<16xf32>,
      %swap3A_877 = arith.constant 16 : i32
      %swap3A_878 = arith.index_cast %swap3A_877 : i32 to index
      %swap3A_879 = arith.constant 0 : index
      %swap3A_880 = tpu.vector_load %arg7[%swap3A_878, %swap3A_879] {strides = array<i32>} : memref<18x16xf32, #tpu.memory_space<vmem>>, vector<16xf32>,
      tpu.vector_store %arg7[%swap3A_878, %swap3A_879], %sub3A_728 {add = true, strides = array<i32>} : memref<18x16xf32, #tpu.memory_space<vmem>>, vector<16xf32>,
      %swap3A_881 = arith.constant 17 : i32
      %swap3A_882 = arith.index_cast %swap3A_881 : i32 to index
      %swap3A_883 = arith.constant 0 : index
      %swap3A_884 = tpu.vector_load %arg7[%swap3A_882, %swap3A_883] {strides = array<i32>} : memref<18x16xf32, #tpu.memory_space<vmem>>, vector<16xf32>,
      tpu.vector_store %arg7[%swap3A_882, %swap3A_883], %get3A_638 {add = true, strides = array<i32>} : memref<18x16xf32, #tpu.memory_space<vmem>>, vector<16xf32>,
    }
    %scan3A_255 = arith.constant 32 : i32
    "tpu.region"() ({
      %run_scoped3A = tpu.sem_alloc : memref<!tpu.dma_semaphore, #tpu.memory_space<semaphore_mem>>
      %dma_start3A_256 = arith.constant 0 : i32
      %dma_start3A_257 = arith.constant 0 : i32
      %dma_start3A_258 = tpu.memref_slice %arg4[%add3A, %dma_start3A_256, %dma_start3A_257] : memref<32x18x16xf32, #tpu.memory_space<hbm>> -> memref<1x18x16xf32, #tpu.memory_space<hbm>>
      %dma_start3A_259 = tpu.memref_squeeze %dma_start3A_258 : memref<1x18x16xf32, #tpu.memory_space<hbm>> -> memref<18x16xf32, #tpu.memory_space<hbm>>
      %dma_start3A_260 = arith.constant 0 : i32
      %dma_start3A_261 = arith.constant 0 : i32
      %dma_start3A_262 = tpu.memref_slice %arg4[%add3A, %dma_start3A_260, %dma_start3A_261] : memref<32x18x16xf32, #tpu.memory_space<hbm>> -> memref<1x18x16xf32, #tpu.memory_space<hbm>>
      %dma_start3A_263 = tpu.memref_squeeze %dma_start3A_262 : memref<1x18x16xf32, #tpu.memory_space<hbm>> -> memref<18x16xf32, #tpu.memory_space<hbm>>
      tpu.enqueue_dma source(%arg7 : memref<18x16xf32, #tpu.memory_space<vmem>>) target(%dma_start3A_263 : memref<18x16xf32, #tpu.memory_space<hbm>>) target_semaphore(%run_scoped3A : memref<!tpu.dma_semaphore, #tpu.memory_space<semaphore_mem>>)
      %dma_wait3A_264 = arith.constant 0 : i32
      %dma_wait3A_265 = arith.constant 0 : i32
      %dma_wait3A_266 = tpu.memref_slice %arg4[%add3A, %dma_wait3A_264, %dma_wait3A_265] : memref<32x18x16xf32, #tpu.memory_space<hbm>> -> memref<1x18x16xf32, #tpu.memory_space<hbm>>
      %dma_wait3A_267 = tpu.memref_squeeze %dma_wait3A_266 : memref<1x18x16xf32, #tpu.memory_space<hbm>> -> memref<18x16xf32, #tpu.memory_space<hbm>>
      %dma_wait3A_268 = arith.constant 0 : i32
      %dma_wait3A_269 = arith.constant 0 : i32
      %dma_wait3A_270 = tpu.memref_slice %arg4[%add3A, %dma_wait3A_268, %dma_wait3A_269] : memref<32x18x16xf32, #tpu.memory_space<hbm>> -> memref<1x18x16xf32, #tpu.memory_space<hbm>>
      %dma_wait3A_271 = tpu.memref_squeeze %dma_wait3A_270 : memref<1x18x16xf32, #tpu.memory_space<hbm>> -> memref<18x16xf32, #tpu.memory_space<hbm>>
      tpu.wait_dma2 semaphore(%run_scoped3A : memref<!tpu.dma_semaphore, #tpu.memory_space<semaphore_mem>>) src(%arg7 : memref<18x16xf32, #tpu.memory_space<vmem>>) dst(%dma_wait3A_271 : memref<18x16xf32, #tpu.memory_space<hbm>>)
      tpu.yield
    }) : () -> ()
    return
  }
}

module attributes {stable_mosaic.version = 14 : i64} {
  func.func @_ep_body(%arg0: memref<32x18x16xf32, #tpu.memory_space<vmem>>, %arg1: memref<17x8x1024xf32, #tpu.memory_space<vmem>>, %arg2: memref<8192xf32, #tpu.memory_space<vmem>>, %arg3: memref<1x1xf32, #tpu.memory_space<vmem>>) attributes {dimension_semantics = [], scalar_prefetch = 0 : i64, scratch_operands = 0 : i64, tpu.core_type = #tpu.core_type<tc>} {
    %get3A = arith.constant 0 : index
    %get3A_0 = vector.load %arg2[%get3A] : memref<8192xf32, #tpu.memory_space<vmem>>, vector<8192xf32>
    %reshape3A = vector.shape_cast %get3A_0 : vector<8192xf32> to vector<8x1024xf32>
    %reduce_sum3A = vector.shape_cast %reshape3A : vector<8x1024xf32> to vector<1x8x1024xf32>
    %reduce_sum3A_1 = arith.constant dense<0.000000e+00> : vector<1xf32>
    %reduce_sum3A_2 = vector.multi_reduction <add>, %reduce_sum3A, %reduce_sum3A_1 [1, 2] : vector<1x8x1024xf32> to vector<1xf32>
    %reduce_sum3A_3 = vector.shape_cast %reduce_sum3A_2 : vector<1xf32> to vector<1x1x1xf32>
    %reduce_sum3A_4 = vector.extract %reduce_sum3A_3[0, 0, 0] : f32 from vector<1x1x1xf32>
    %get3A_5 = arith.constant 0 : index
    %get3A_6 = arith.constant 0 : index
    %get3A_7 = arith.constant 0 : index
    %get3A_8 = vector.load %arg0[%get3A_5, %get3A_6, %get3A_7] : memref<32x18x16xf32, #tpu.memory_space<vmem>>, vector<32x18x16xf32>
    %reduce_sum3A_9 = arith.constant dense<0.000000e+00> : vector<18x16xf32>
    %reduce_sum3A_10 = vector.multi_reduction <add>, %get3A_8, %reduce_sum3A_9 [0] : vector<32x18x16xf32> to vector<18x16xf32>
    %slice3A = vector.extract_strided_slice %reduce_sum3A_10 {offsets = [17, 0], sizes = [1, 16], strides = [1, 1]} : vector<18x16xf32> to vector<1x16xf32>
    %squeeze3A = vector.shape_cast %slice3A : vector<1x16xf32> to vector<16xf32>
    %reduce_sum3A_11 = vector.shape_cast %squeeze3A : vector<16xf32> to vector<1x16xf32>
    %reduce_sum3A_12 = arith.constant dense<0.000000e+00> : vector<1xf32>
    %reduce_sum3A_13 = vector.multi_reduction <add>, %reduce_sum3A_11, %reduce_sum3A_12 [1] : vector<1x16xf32> to vector<1xf32>
    %reduce_sum3A_14 = vector.shape_cast %reduce_sum3A_13 : vector<1xf32> to vector<1x1xf32>
    %reduce_sum3A_15 = vector.extract %reduce_sum3A_14[0, 0] : f32 from vector<1x1xf32>
    %mul3A = arith.constant 1.600000e+01 : f32
    %mul3A_16 = arith.mulf %mul3A, %reduce_sum3A_4 : f32
    %add3A = arith.addf %reduce_sum3A_15, %mul3A_16 : f32
    %slice3A_17 = vector.extract_strided_slice %reduce_sum3A_10 {offsets = [16, 0], sizes = [1, 16], strides = [1, 1]} : vector<18x16xf32> to vector<1x16xf32>
    %squeeze3A_18 = vector.shape_cast %slice3A_17 : vector<1x16xf32> to vector<16xf32>
    %reduce_sum3A_19 = vector.shape_cast %squeeze3A_18 : vector<16xf32> to vector<1x16xf32>
    %reduce_sum3A_20 = arith.constant dense<0.000000e+00> : vector<1xf32>
    %reduce_sum3A_21 = vector.multi_reduction <add>, %reduce_sum3A_19, %reduce_sum3A_20 [1] : vector<1x16xf32> to vector<1xf32>
    %reduce_sum3A_22 = vector.shape_cast %reduce_sum3A_21 : vector<1xf32> to vector<1x1xf32>
    %reduce_sum3A_23 = vector.extract %reduce_sum3A_22[0, 0] : f32 from vector<1x1xf32>
    %get3A_24 = arith.constant 16 : index
    %get3A_25 = arith.constant 0 : index
    %get3A_26 = arith.constant 0 : index
    %get3A_27 = vector.load %arg1[%get3A_24, %get3A_25, %get3A_26] : memref<17x8x1024xf32, #tpu.memory_space<vmem>>, vector<1x8x1024xf32>
    %get3A_28 = vector.shape_cast %get3A_27 : vector<1x8x1024xf32> to vector<8x1024xf32>
    %reduce_sum3A_29 = vector.shape_cast %get3A_28 : vector<8x1024xf32> to vector<1x8x1024xf32>
    %reduce_sum3A_30 = arith.constant dense<0.000000e+00> : vector<1xf32>
    %reduce_sum3A_31 = vector.multi_reduction <add>, %reduce_sum3A_29, %reduce_sum3A_30 [1, 2] : vector<1x8x1024xf32> to vector<1xf32>
    %reduce_sum3A_32 = vector.shape_cast %reduce_sum3A_31 : vector<1xf32> to vector<1x1x1xf32>
    %reduce_sum3A_33 = vector.extract %reduce_sum3A_32[0, 0, 0] : f32 from vector<1x1x1xf32>
    %add3A_34 = arith.addf %reduce_sum3A_23, %reduce_sum3A_33 : f32
    %slice3A_35 = vector.extract_strided_slice %reduce_sum3A_10 {offsets = [8, 0], sizes = [1, 16], strides = [1, 1]} : vector<18x16xf32> to vector<1x16xf32>
    %squeeze3A_36 = vector.shape_cast %slice3A_35 : vector<1x16xf32> to vector<16xf32>
    %reduce_sum3A_37 = vector.shape_cast %squeeze3A_36 : vector<16xf32> to vector<1x16xf32>
    %reduce_sum3A_38 = arith.constant dense<0.000000e+00> : vector<1xf32>
    %reduce_sum3A_39 = vector.multi_reduction <add>, %reduce_sum3A_37, %reduce_sum3A_38 [1] : vector<1x16xf32> to vector<1xf32>
    %reduce_sum3A_40 = vector.shape_cast %reduce_sum3A_39 : vector<1xf32> to vector<1x1xf32>
    %reduce_sum3A_41 = vector.extract %reduce_sum3A_40[0, 0] : f32 from vector<1x1xf32>
    %get3A_42 = arith.constant 8 : index
    %get3A_43 = arith.constant 0 : index
    %get3A_44 = arith.constant 0 : index
    %get3A_45 = vector.load %arg1[%get3A_42, %get3A_43, %get3A_44] : memref<17x8x1024xf32, #tpu.memory_space<vmem>>, vector<1x8x1024xf32>
    %get3A_46 = vector.shape_cast %get3A_45 : vector<1x8x1024xf32> to vector<8x1024xf32>
    %mul3A_47 = arith.mulf %get3A_46, %reshape3A : vector<8x1024xf32>
    %reduce_sum3A_48 = vector.shape_cast %mul3A_47 : vector<8x1024xf32> to vector<1x8x1024xf32>
    %reduce_sum3A_49 = arith.constant dense<0.000000e+00> : vector<1xf32>
    %reduce_sum3A_50 = vector.multi_reduction <add>, %reduce_sum3A_48, %reduce_sum3A_49 [1, 2] : vector<1x8x1024xf32> to vector<1xf32>
    %reduce_sum3A_51 = vector.shape_cast %reduce_sum3A_50 : vector<1xf32> to vector<1x1x1xf32>
    %reduce_sum3A_52 = vector.extract %reduce_sum3A_51[0, 0, 0] : f32 from vector<1x1x1xf32>
    %add3A_53 = arith.addf %reduce_sum3A_41, %reduce_sum3A_52 : f32
    %mul3A_54 = arith.mulf %add3A, %add3A_53 : f32
    %slice3A_55 = vector.extract_strided_slice %reduce_sum3A_10 {offsets = [1, 0], sizes = [1, 16], strides = [1, 1]} : vector<18x16xf32> to vector<1x16xf32>
    %squeeze3A_56 = vector.shape_cast %slice3A_55 : vector<1x16xf32> to vector<16xf32>
    %reduce_sum3A_57 = vector.shape_cast %squeeze3A_56 : vector<16xf32> to vector<1x16xf32>
    %reduce_sum3A_58 = arith.constant dense<0.000000e+00> : vector<1xf32>
    %reduce_sum3A_59 = vector.multi_reduction <add>, %reduce_sum3A_57, %reduce_sum3A_58 [1] : vector<1x16xf32> to vector<1xf32>
    %reduce_sum3A_60 = vector.shape_cast %reduce_sum3A_59 : vector<1xf32> to vector<1x1xf32>
    %reduce_sum3A_61 = vector.extract %reduce_sum3A_60[0, 0] : f32 from vector<1x1xf32>
    %get3A_62 = arith.constant 1 : index
    %get3A_63 = arith.constant 0 : index
    %get3A_64 = arith.constant 0 : index
    %get3A_65 = vector.load %arg1[%get3A_62, %get3A_63, %get3A_64] : memref<17x8x1024xf32, #tpu.memory_space<vmem>>, vector<1x8x1024xf32>
    %get3A_66 = vector.shape_cast %get3A_65 : vector<1x8x1024xf32> to vector<8x1024xf32>
    %mul3A_67 = arith.mulf %get3A_66, %reshape3A : vector<8x1024xf32>
    %reduce_sum3A_68 = vector.shape_cast %mul3A_67 : vector<8x1024xf32> to vector<1x8x1024xf32>
    %reduce_sum3A_69 = arith.constant dense<0.000000e+00> : vector<1xf32>
    %reduce_sum3A_70 = vector.multi_reduction <add>, %reduce_sum3A_68, %reduce_sum3A_69 [1, 2] : vector<1x8x1024xf32> to vector<1xf32>
    %reduce_sum3A_71 = vector.shape_cast %reduce_sum3A_70 : vector<1xf32> to vector<1x1x1xf32>
    %reduce_sum3A_72 = vector.extract %reduce_sum3A_71[0, 0, 0] : f32 from vector<1x1x1xf32>
    %add3A_73 = arith.addf %reduce_sum3A_61, %reduce_sum3A_72 : f32
    %slice3A_74 = vector.extract_strided_slice %reduce_sum3A_10 {offsets = [9, 0], sizes = [1, 16], strides = [1, 1]} : vector<18x16xf32> to vector<1x16xf32>
    %squeeze3A_75 = vector.shape_cast %slice3A_74 : vector<1x16xf32> to vector<16xf32>
    %reduce_sum3A_76 = vector.shape_cast %squeeze3A_75 : vector<16xf32> to vector<1x16xf32>
    %reduce_sum3A_77 = arith.constant dense<0.000000e+00> : vector<1xf32>
    %reduce_sum3A_78 = vector.multi_reduction <add>, %reduce_sum3A_76, %reduce_sum3A_77 [1] : vector<1x16xf32> to vector<1xf32>
    %reduce_sum3A_79 = vector.shape_cast %reduce_sum3A_78 : vector<1xf32> to vector<1x1xf32>
    %reduce_sum3A_80 = vector.extract %reduce_sum3A_79[0, 0] : f32 from vector<1x1xf32>
    %get3A_81 = arith.constant 9 : index
    %get3A_82 = arith.constant 0 : index
    %get3A_83 = arith.constant 0 : index
    %get3A_84 = vector.load %arg1[%get3A_81, %get3A_82, %get3A_83] : memref<17x8x1024xf32, #tpu.memory_space<vmem>>, vector<1x8x1024xf32>
    %get3A_85 = vector.shape_cast %get3A_84 : vector<1x8x1024xf32> to vector<8x1024xf32>
    %mul3A_86 = arith.mulf %get3A_85, %reshape3A : vector<8x1024xf32>
    %reduce_sum3A_87 = vector.shape_cast %mul3A_86 : vector<8x1024xf32> to vector<1x8x1024xf32>
    %reduce_sum3A_88 = arith.constant dense<0.000000e+00> : vector<1xf32>
    %reduce_sum3A_89 = vector.multi_reduction <add>, %reduce_sum3A_87, %reduce_sum3A_88 [1, 2] : vector<1x8x1024xf32> to vector<1xf32>
    %reduce_sum3A_90 = vector.shape_cast %reduce_sum3A_89 : vector<1xf32> to vector<1x1x1xf32>
    %reduce_sum3A_91 = vector.extract %reduce_sum3A_90[0, 0, 0] : f32 from vector<1x1x1xf32>
    %add3A_92 = arith.addf %reduce_sum3A_80, %reduce_sum3A_91 : f32
    %mul3A_93 = arith.mulf %add3A_73, %add3A_92 : f32
    %add3A_94 = arith.addf %mul3A_54, %mul3A_93 : f32
    %slice3A_95 = vector.extract_strided_slice %reduce_sum3A_10 {offsets = [2, 0], sizes = [1, 16], strides = [1, 1]} : vector<18x16xf32> to vector<1x16xf32>
    %squeeze3A_96 = vector.shape_cast %slice3A_95 : vector<1x16xf32> to vector<16xf32>
    %reduce_sum3A_97 = vector.shape_cast %squeeze3A_96 : vector<16xf32> to vector<1x16xf32>
    %reduce_sum3A_98 = arith.constant dense<0.000000e+00> : vector<1xf32>
    %reduce_sum3A_99 = vector.multi_reduction <add>, %reduce_sum3A_97, %reduce_sum3A_98 [1] : vector<1x16xf32> to vector<1xf32>
    %reduce_sum3A_100 = vector.shape_cast %reduce_sum3A_99 : vector<1xf32> to vector<1x1xf32>
    %reduce_sum3A_101 = vector.extract %reduce_sum3A_100[0, 0] : f32 from vector<1x1xf32>
    %get3A_102 = arith.constant 2 : index
    %get3A_103 = arith.constant 0 : index
    %get3A_104 = arith.constant 0 : index
    %get3A_105 = vector.load %arg1[%get3A_102, %get3A_103, %get3A_104] : memref<17x8x1024xf32, #tpu.memory_space<vmem>>, vector<1x8x1024xf32>
    %get3A_106 = vector.shape_cast %get3A_105 : vector<1x8x1024xf32> to vector<8x1024xf32>
    %mul3A_107 = arith.mulf %get3A_106, %reshape3A : vector<8x1024xf32>
    %reduce_sum3A_108 = vector.shape_cast %mul3A_107 : vector<8x1024xf32> to vector<1x8x1024xf32>
    %reduce_sum3A_109 = arith.constant dense<0.000000e+00> : vector<1xf32>
    %reduce_sum3A_110 = vector.multi_reduction <add>, %reduce_sum3A_108, %reduce_sum3A_109 [1, 2] : vector<1x8x1024xf32> to vector<1xf32>
    %reduce_sum3A_111 = vector.shape_cast %reduce_sum3A_110 : vector<1xf32> to vector<1x1x1xf32>
    %reduce_sum3A_112 = vector.extract %reduce_sum3A_111[0, 0, 0] : f32 from vector<1x1x1xf32>
    %add3A_113 = arith.addf %reduce_sum3A_101, %reduce_sum3A_112 : f32
    %slice3A_114 = vector.extract_strided_slice %reduce_sum3A_10 {offsets = [10, 0], sizes = [1, 16], strides = [1, 1]} : vector<18x16xf32> to vector<1x16xf32>
    %squeeze3A_115 = vector.shape_cast %slice3A_114 : vector<1x16xf32> to vector<16xf32>
    %reduce_sum3A_116 = vector.shape_cast %squeeze3A_115 : vector<16xf32> to vector<1x16xf32>
    %reduce_sum3A_117 = arith.constant dense<0.000000e+00> : vector<1xf32>
    %reduce_sum3A_118 = vector.multi_reduction <add>, %reduce_sum3A_116, %reduce_sum3A_117 [1] : vector<1x16xf32> to vector<1xf32>
    %reduce_sum3A_119 = vector.shape_cast %reduce_sum3A_118 : vector<1xf32> to vector<1x1xf32>
    %reduce_sum3A_120 = vector.extract %reduce_sum3A_119[0, 0] : f32 from vector<1x1xf32>
    %get3A_121 = arith.constant 10 : index
    %get3A_122 = arith.constant 0 : index
    %get3A_123 = arith.constant 0 : index
    %get3A_124 = vector.load %arg1[%get3A_121, %get3A_122, %get3A_123] : memref<17x8x1024xf32, #tpu.memory_space<vmem>>, vector<1x8x1024xf32>
    %get3A_125 = vector.shape_cast %get3A_124 : vector<1x8x1024xf32> to vector<8x1024xf32>
    %mul3A_126 = arith.mulf %get3A_125, %reshape3A : vector<8x1024xf32>
    %reduce_sum3A_127 = vector.shape_cast %mul3A_126 : vector<8x1024xf32> to vector<1x8x1024xf32>
    %reduce_sum3A_128 = arith.constant dense<0.000000e+00> : vector<1xf32>
    %reduce_sum3A_129 = vector.multi_reduction <add>, %reduce_sum3A_127, %reduce_sum3A_128 [1, 2] : vector<1x8x1024xf32> to vector<1xf32>
    %reduce_sum3A_130 = vector.shape_cast %reduce_sum3A_129 : vector<1xf32> to vector<1x1x1xf32>
    %reduce_sum3A_131 = vector.extract %reduce_sum3A_130[0, 0, 0] : f32 from vector<1x1x1xf32>
    %add3A_132 = arith.addf %reduce_sum3A_120, %reduce_sum3A_131 : f32
    %mul3A_133 = arith.mulf %add3A_113, %add3A_132 : f32
    %add3A_134 = arith.addf %add3A_94, %mul3A_133 : f32
    %slice3A_135 = vector.extract_strided_slice %reduce_sum3A_10 {offsets = [3, 0], sizes = [1, 16], strides = [1, 1]} : vector<18x16xf32> to vector<1x16xf32>
    %squeeze3A_136 = vector.shape_cast %slice3A_135 : vector<1x16xf32> to vector<16xf32>
    %reduce_sum3A_137 = vector.shape_cast %squeeze3A_136 : vector<16xf32> to vector<1x16xf32>
    %reduce_sum3A_138 = arith.constant dense<0.000000e+00> : vector<1xf32>
    %reduce_sum3A_139 = vector.multi_reduction <add>, %reduce_sum3A_137, %reduce_sum3A_138 [1] : vector<1x16xf32> to vector<1xf32>
    %reduce_sum3A_140 = vector.shape_cast %reduce_sum3A_139 : vector<1xf32> to vector<1x1xf32>
    %reduce_sum3A_141 = vector.extract %reduce_sum3A_140[0, 0] : f32 from vector<1x1xf32>
    %get3A_142 = arith.constant 3 : index
    %get3A_143 = arith.constant 0 : index
    %get3A_144 = arith.constant 0 : index
    %get3A_145 = vector.load %arg1[%get3A_142, %get3A_143, %get3A_144] : memref<17x8x1024xf32, #tpu.memory_space<vmem>>, vector<1x8x1024xf32>
    %get3A_146 = vector.shape_cast %get3A_145 : vector<1x8x1024xf32> to vector<8x1024xf32>
    %mul3A_147 = arith.mulf %get3A_146, %reshape3A : vector<8x1024xf32>
    %reduce_sum3A_148 = vector.shape_cast %mul3A_147 : vector<8x1024xf32> to vector<1x8x1024xf32>
    %reduce_sum3A_149 = arith.constant dense<0.000000e+00> : vector<1xf32>
    %reduce_sum3A_150 = vector.multi_reduction <add>, %reduce_sum3A_148, %reduce_sum3A_149 [1, 2] : vector<1x8x1024xf32> to vector<1xf32>
    %reduce_sum3A_151 = vector.shape_cast %reduce_sum3A_150 : vector<1xf32> to vector<1x1x1xf32>
    %reduce_sum3A_152 = vector.extract %reduce_sum3A_151[0, 0, 0] : f32 from vector<1x1x1xf32>
    %add3A_153 = arith.addf %reduce_sum3A_141, %reduce_sum3A_152 : f32
    %slice3A_154 = vector.extract_strided_slice %reduce_sum3A_10 {offsets = [11, 0], sizes = [1, 16], strides = [1, 1]} : vector<18x16xf32> to vector<1x16xf32>
    %squeeze3A_155 = vector.shape_cast %slice3A_154 : vector<1x16xf32> to vector<16xf32>
    %reduce_sum3A_156 = vector.shape_cast %squeeze3A_155 : vector<16xf32> to vector<1x16xf32>
    %reduce_sum3A_157 = arith.constant dense<0.000000e+00> : vector<1xf32>
    %reduce_sum3A_158 = vector.multi_reduction <add>, %reduce_sum3A_156, %reduce_sum3A_157 [1] : vector<1x16xf32> to vector<1xf32>
    %reduce_sum3A_159 = vector.shape_cast %reduce_sum3A_158 : vector<1xf32> to vector<1x1xf32>
    %reduce_sum3A_160 = vector.extract %reduce_sum3A_159[0, 0] : f32 from vector<1x1xf32>
    %get3A_161 = arith.constant 11 : index
    %get3A_162 = arith.constant 0 : index
    %get3A_163 = arith.constant 0 : index
    %get3A_164 = vector.load %arg1[%get3A_161, %get3A_162, %get3A_163] : memref<17x8x1024xf32, #tpu.memory_space<vmem>>, vector<1x8x1024xf32>
    %get3A_165 = vector.shape_cast %get3A_164 : vector<1x8x1024xf32> to vector<8x1024xf32>
    %mul3A_166 = arith.mulf %get3A_165, %reshape3A : vector<8x1024xf32>
    %reduce_sum3A_167 = vector.shape_cast %mul3A_166 : vector<8x1024xf32> to vector<1x8x1024xf32>
    %reduce_sum3A_168 = arith.constant dense<0.000000e+00> : vector<1xf32>
    %reduce_sum3A_169 = vector.multi_reduction <add>, %reduce_sum3A_167, %reduce_sum3A_168 [1, 2] : vector<1x8x1024xf32> to vector<1xf32>
    %reduce_sum3A_170 = vector.shape_cast %reduce_sum3A_169 : vector<1xf32> to vector<1x1x1xf32>
    %reduce_sum3A_171 = vector.extract %reduce_sum3A_170[0, 0, 0] : f32 from vector<1x1x1xf32>
    %add3A_172 = arith.addf %reduce_sum3A_160, %reduce_sum3A_171 : f32
    %mul3A_173 = arith.mulf %add3A_153, %add3A_172 : f32
    %add3A_174 = arith.addf %add3A_134, %mul3A_173 : f32
    %slice3A_175 = vector.extract_strided_slice %reduce_sum3A_10 {offsets = [4, 0], sizes = [1, 16], strides = [1, 1]} : vector<18x16xf32> to vector<1x16xf32>
    %squeeze3A_176 = vector.shape_cast %slice3A_175 : vector<1x16xf32> to vector<16xf32>
    %reduce_sum3A_177 = vector.shape_cast %squeeze3A_176 : vector<16xf32> to vector<1x16xf32>
    %reduce_sum3A_178 = arith.constant dense<0.000000e+00> : vector<1xf32>
    %reduce_sum3A_179 = vector.multi_reduction <add>, %reduce_sum3A_177, %reduce_sum3A_178 [1] : vector<1x16xf32> to vector<1xf32>
    %reduce_sum3A_180 = vector.shape_cast %reduce_sum3A_179 : vector<1xf32> to vector<1x1xf32>
    %reduce_sum3A_181 = vector.extract %reduce_sum3A_180[0, 0] : f32 from vector<1x1xf32>
    %get3A_182 = arith.constant 4 : index
    %get3A_183 = arith.constant 0 : index
    %get3A_184 = arith.constant 0 : index
    %get3A_185 = vector.load %arg1[%get3A_182, %get3A_183, %get3A_184] : memref<17x8x1024xf32, #tpu.memory_space<vmem>>, vector<1x8x1024xf32>
    %get3A_186 = vector.shape_cast %get3A_185 : vector<1x8x1024xf32> to vector<8x1024xf32>
    %mul3A_187 = arith.mulf %get3A_186, %reshape3A : vector<8x1024xf32>
    %reduce_sum3A_188 = vector.shape_cast %mul3A_187 : vector<8x1024xf32> to vector<1x8x1024xf32>
    %reduce_sum3A_189 = arith.constant dense<0.000000e+00> : vector<1xf32>
    %reduce_sum3A_190 = vector.multi_reduction <add>, %reduce_sum3A_188, %reduce_sum3A_189 [1, 2] : vector<1x8x1024xf32> to vector<1xf32>
    %reduce_sum3A_191 = vector.shape_cast %reduce_sum3A_190 : vector<1xf32> to vector<1x1x1xf32>
    %reduce_sum3A_192 = vector.extract %reduce_sum3A_191[0, 0, 0] : f32 from vector<1x1x1xf32>
    %add3A_193 = arith.addf %reduce_sum3A_181, %reduce_sum3A_192 : f32
    %slice3A_194 = vector.extract_strided_slice %reduce_sum3A_10 {offsets = [12, 0], sizes = [1, 16], strides = [1, 1]} : vector<18x16xf32> to vector<1x16xf32>
    %squeeze3A_195 = vector.shape_cast %slice3A_194 : vector<1x16xf32> to vector<16xf32>
    %reduce_sum3A_196 = vector.shape_cast %squeeze3A_195 : vector<16xf32> to vector<1x16xf32>
    %reduce_sum3A_197 = arith.constant dense<0.000000e+00> : vector<1xf32>
    %reduce_sum3A_198 = vector.multi_reduction <add>, %reduce_sum3A_196, %reduce_sum3A_197 [1] : vector<1x16xf32> to vector<1xf32>
    %reduce_sum3A_199 = vector.shape_cast %reduce_sum3A_198 : vector<1xf32> to vector<1x1xf32>
    %reduce_sum3A_200 = vector.extract %reduce_sum3A_199[0, 0] : f32 from vector<1x1xf32>
    %get3A_201 = arith.constant 12 : index
    %get3A_202 = arith.constant 0 : index
    %get3A_203 = arith.constant 0 : index
    %get3A_204 = vector.load %arg1[%get3A_201, %get3A_202, %get3A_203] : memref<17x8x1024xf32, #tpu.memory_space<vmem>>, vector<1x8x1024xf32>
    %get3A_205 = vector.shape_cast %get3A_204 : vector<1x8x1024xf32> to vector<8x1024xf32>
    %mul3A_206 = arith.mulf %get3A_205, %reshape3A : vector<8x1024xf32>
    %reduce_sum3A_207 = vector.shape_cast %mul3A_206 : vector<8x1024xf32> to vector<1x8x1024xf32>
    %reduce_sum3A_208 = arith.constant dense<0.000000e+00> : vector<1xf32>
    %reduce_sum3A_209 = vector.multi_reduction <add>, %reduce_sum3A_207, %reduce_sum3A_208 [1, 2] : vector<1x8x1024xf32> to vector<1xf32>
    %reduce_sum3A_210 = vector.shape_cast %reduce_sum3A_209 : vector<1xf32> to vector<1x1x1xf32>
    %reduce_sum3A_211 = vector.extract %reduce_sum3A_210[0, 0, 0] : f32 from vector<1x1x1xf32>
    %add3A_212 = arith.addf %reduce_sum3A_200, %reduce_sum3A_211 : f32
    %mul3A_213 = arith.mulf %add3A_193, %add3A_212 : f32
    %add3A_214 = arith.addf %add3A_174, %mul3A_213 : f32
    %slice3A_215 = vector.extract_strided_slice %reduce_sum3A_10 {offsets = [5, 0], sizes = [1, 16], strides = [1, 1]} : vector<18x16xf32> to vector<1x16xf32>
    %squeeze3A_216 = vector.shape_cast %slice3A_215 : vector<1x16xf32> to vector<16xf32>
    %reduce_sum3A_217 = vector.shape_cast %squeeze3A_216 : vector<16xf32> to vector<1x16xf32>
    %reduce_sum3A_218 = arith.constant dense<0.000000e+00> : vector<1xf32>
    %reduce_sum3A_219 = vector.multi_reduction <add>, %reduce_sum3A_217, %reduce_sum3A_218 [1] : vector<1x16xf32> to vector<1xf32>
    %reduce_sum3A_220 = vector.shape_cast %reduce_sum3A_219 : vector<1xf32> to vector<1x1xf32>
    %reduce_sum3A_221 = vector.extract %reduce_sum3A_220[0, 0] : f32 from vector<1x1xf32>
    %get3A_222 = arith.constant 5 : index
    %get3A_223 = arith.constant 0 : index
    %get3A_224 = arith.constant 0 : index
    %get3A_225 = vector.load %arg1[%get3A_222, %get3A_223, %get3A_224] : memref<17x8x1024xf32, #tpu.memory_space<vmem>>, vector<1x8x1024xf32>
    %get3A_226 = vector.shape_cast %get3A_225 : vector<1x8x1024xf32> to vector<8x1024xf32>
    %mul3A_227 = arith.mulf %get3A_226, %reshape3A : vector<8x1024xf32>
    %reduce_sum3A_228 = vector.shape_cast %mul3A_227 : vector<8x1024xf32> to vector<1x8x1024xf32>
    %reduce_sum3A_229 = arith.constant dense<0.000000e+00> : vector<1xf32>
    %reduce_sum3A_230 = vector.multi_reduction <add>, %reduce_sum3A_228, %reduce_sum3A_229 [1, 2] : vector<1x8x1024xf32> to vector<1xf32>
    %reduce_sum3A_231 = vector.shape_cast %reduce_sum3A_230 : vector<1xf32> to vector<1x1x1xf32>
    %reduce_sum3A_232 = vector.extract %reduce_sum3A_231[0, 0, 0] : f32 from vector<1x1x1xf32>
    %add3A_233 = arith.addf %reduce_sum3A_221, %reduce_sum3A_232 : f32
    %slice3A_234 = vector.extract_strided_slice %reduce_sum3A_10 {offsets = [13, 0], sizes = [1, 16], strides = [1, 1]} : vector<18x16xf32> to vector<1x16xf32>
    %squeeze3A_235 = vector.shape_cast %slice3A_234 : vector<1x16xf32> to vector<16xf32>
    %reduce_sum3A_236 = vector.shape_cast %squeeze3A_235 : vector<16xf32> to vector<1x16xf32>
    %reduce_sum3A_237 = arith.constant dense<0.000000e+00> : vector<1xf32>
    %reduce_sum3A_238 = vector.multi_reduction <add>, %reduce_sum3A_236, %reduce_sum3A_237 [1] : vector<1x16xf32> to vector<1xf32>
    %reduce_sum3A_239 = vector.shape_cast %reduce_sum3A_238 : vector<1xf32> to vector<1x1xf32>
    %reduce_sum3A_240 = vector.extract %reduce_sum3A_239[0, 0] : f32 from vector<1x1xf32>
    %get3A_241 = arith.constant 13 : index
    %get3A_242 = arith.constant 0 : index
    %get3A_243 = arith.constant 0 : index
    %get3A_244 = vector.load %arg1[%get3A_241, %get3A_242, %get3A_243] : memref<17x8x1024xf32, #tpu.memory_space<vmem>>, vector<1x8x1024xf32>
    %get3A_245 = vector.shape_cast %get3A_244 : vector<1x8x1024xf32> to vector<8x1024xf32>
    %mul3A_246 = arith.mulf %get3A_245, %reshape3A : vector<8x1024xf32>
    %reduce_sum3A_247 = vector.shape_cast %mul3A_246 : vector<8x1024xf32> to vector<1x8x1024xf32>
    %reduce_sum3A_248 = arith.constant dense<0.000000e+00> : vector<1xf32>
    %reduce_sum3A_249 = vector.multi_reduction <add>, %reduce_sum3A_247, %reduce_sum3A_248 [1, 2] : vector<1x8x1024xf32> to vector<1xf32>
    %reduce_sum3A_250 = vector.shape_cast %reduce_sum3A_249 : vector<1xf32> to vector<1x1x1xf32>
    %reduce_sum3A_251 = vector.extract %reduce_sum3A_250[0, 0, 0] : f32 from vector<1x1x1xf32>
    %add3A_252 = arith.addf %reduce_sum3A_240, %reduce_sum3A_251 : f32
    %mul3A_253 = arith.mulf %add3A_233, %add3A_252 : f32
    %add3A_254 = arith.addf %add3A_214, %mul3A_253 : f32
    %slice3A_255 = vector.extract_strided_slice %reduce_sum3A_10 {offsets = [6, 0], sizes = [1, 16], strides = [1, 1]} : vector<18x16xf32> to vector<1x16xf32>
    %squeeze3A_256 = vector.shape_cast %slice3A_255 : vector<1x16xf32> to vector<16xf32>
    %reduce_sum3A_257 = vector.shape_cast %squeeze3A_256 : vector<16xf32> to vector<1x16xf32>
    %reduce_sum3A_258 = arith.constant dense<0.000000e+00> : vector<1xf32>
    %reduce_sum3A_259 = vector.multi_reduction <add>, %reduce_sum3A_257, %reduce_sum3A_258 [1] : vector<1x16xf32> to vector<1xf32>
    %reduce_sum3A_260 = vector.shape_cast %reduce_sum3A_259 : vector<1xf32> to vector<1x1xf32>
    %reduce_sum3A_261 = vector.extract %reduce_sum3A_260[0, 0] : f32 from vector<1x1xf32>
    %get3A_262 = arith.constant 6 : index
    %get3A_263 = arith.constant 0 : index
    %get3A_264 = arith.constant 0 : index
    %get3A_265 = vector.load %arg1[%get3A_262, %get3A_263, %get3A_264] : memref<17x8x1024xf32, #tpu.memory_space<vmem>>, vector<1x8x1024xf32>
    %get3A_266 = vector.shape_cast %get3A_265 : vector<1x8x1024xf32> to vector<8x1024xf32>
    %mul3A_267 = arith.mulf %get3A_266, %reshape3A : vector<8x1024xf32>
    %reduce_sum3A_268 = vector.shape_cast %mul3A_267 : vector<8x1024xf32> to vector<1x8x1024xf32>
    %reduce_sum3A_269 = arith.constant dense<0.000000e+00> : vector<1xf32>
    %reduce_sum3A_270 = vector.multi_reduction <add>, %reduce_sum3A_268, %reduce_sum3A_269 [1, 2] : vector<1x8x1024xf32> to vector<1xf32>
    %reduce_sum3A_271 = vector.shape_cast %reduce_sum3A_270 : vector<1xf32> to vector<1x1x1xf32>
    %reduce_sum3A_272 = vector.extract %reduce_sum3A_271[0, 0, 0] : f32 from vector<1x1x1xf32>
    %add3A_273 = arith.addf %reduce_sum3A_261, %reduce_sum3A_272 : f32
    %slice3A_274 = vector.extract_strided_slice %reduce_sum3A_10 {offsets = [14, 0], sizes = [1, 16], strides = [1, 1]} : vector<18x16xf32> to vector<1x16xf32>
    %squeeze3A_275 = vector.shape_cast %slice3A_274 : vector<1x16xf32> to vector<16xf32>
    %reduce_sum3A_276 = vector.shape_cast %squeeze3A_275 : vector<16xf32> to vector<1x16xf32>
    %reduce_sum3A_277 = arith.constant dense<0.000000e+00> : vector<1xf32>
    %reduce_sum3A_278 = vector.multi_reduction <add>, %reduce_sum3A_276, %reduce_sum3A_277 [1] : vector<1x16xf32> to vector<1xf32>
    %reduce_sum3A_279 = vector.shape_cast %reduce_sum3A_278 : vector<1xf32> to vector<1x1xf32>
    %reduce_sum3A_280 = vector.extract %reduce_sum3A_279[0, 0] : f32 from vector<1x1xf32>
    %get3A_281 = arith.constant 14 : index
    %get3A_282 = arith.constant 0 : index
    %get3A_283 = arith.constant 0 : index
    %get3A_284 = vector.load %arg1[%get3A_281, %get3A_282, %get3A_283] : memref<17x8x1024xf32, #tpu.memory_space<vmem>>, vector<1x8x1024xf32>
    %get3A_285 = vector.shape_cast %get3A_284 : vector<1x8x1024xf32> to vector<8x1024xf32>
    %mul3A_286 = arith.mulf %get3A_285, %reshape3A : vector<8x1024xf32>
    %reduce_sum3A_287 = vector.shape_cast %mul3A_286 : vector<8x1024xf32> to vector<1x8x1024xf32>
    %reduce_sum3A_288 = arith.constant dense<0.000000e+00> : vector<1xf32>
    %reduce_sum3A_289 = vector.multi_reduction <add>, %reduce_sum3A_287, %reduce_sum3A_288 [1, 2] : vector<1x8x1024xf32> to vector<1xf32>
    %reduce_sum3A_290 = vector.shape_cast %reduce_sum3A_289 : vector<1xf32> to vector<1x1x1xf32>
    %reduce_sum3A_291 = vector.extract %reduce_sum3A_290[0, 0, 0] : f32 from vector<1x1x1xf32>
    %add3A_292 = arith.addf %reduce_sum3A_280, %reduce_sum3A_291 : f32
    %mul3A_293 = arith.mulf %add3A_273, %add3A_292 : f32
    %add3A_294 = arith.addf %add3A_254, %mul3A_293 : f32
    %slice3A_295 = vector.extract_strided_slice %reduce_sum3A_10 {offsets = [7, 0], sizes = [1, 16], strides = [1, 1]} : vector<18x16xf32> to vector<1x16xf32>
    %squeeze3A_296 = vector.shape_cast %slice3A_295 : vector<1x16xf32> to vector<16xf32>
    %reduce_sum3A_297 = vector.shape_cast %squeeze3A_296 : vector<16xf32> to vector<1x16xf32>
    %reduce_sum3A_298 = arith.constant dense<0.000000e+00> : vector<1xf32>
    %reduce_sum3A_299 = vector.multi_reduction <add>, %reduce_sum3A_297, %reduce_sum3A_298 [1] : vector<1x16xf32> to vector<1xf32>
    %reduce_sum3A_300 = vector.shape_cast %reduce_sum3A_299 : vector<1xf32> to vector<1x1xf32>
    %reduce_sum3A_301 = vector.extract %reduce_sum3A_300[0, 0] : f32 from vector<1x1xf32>
    %get3A_302 = arith.constant 7 : index
    %get3A_303 = arith.constant 0 : index
    %get3A_304 = arith.constant 0 : index
    %get3A_305 = vector.load %arg1[%get3A_302, %get3A_303, %get3A_304] : memref<17x8x1024xf32, #tpu.memory_space<vmem>>, vector<1x8x1024xf32>
    %get3A_306 = vector.shape_cast %get3A_305 : vector<1x8x1024xf32> to vector<8x1024xf32>
    %mul3A_307 = arith.mulf %get3A_306, %reshape3A : vector<8x1024xf32>
    %reduce_sum3A_308 = vector.shape_cast %mul3A_307 : vector<8x1024xf32> to vector<1x8x1024xf32>
    %reduce_sum3A_309 = arith.constant dense<0.000000e+00> : vector<1xf32>
    %reduce_sum3A_310 = vector.multi_reduction <add>, %reduce_sum3A_308, %reduce_sum3A_309 [1, 2] : vector<1x8x1024xf32> to vector<1xf32>
    %reduce_sum3A_311 = vector.shape_cast %reduce_sum3A_310 : vector<1xf32> to vector<1x1x1xf32>
    %reduce_sum3A_312 = vector.extract %reduce_sum3A_311[0, 0, 0] : f32 from vector<1x1x1xf32>
    %add3A_313 = arith.addf %reduce_sum3A_301, %reduce_sum3A_312 : f32
    %slice3A_314 = vector.extract_strided_slice %reduce_sum3A_10 {offsets = [15, 0], sizes = [1, 16], strides = [1, 1]} : vector<18x16xf32> to vector<1x16xf32>
    %squeeze3A_315 = vector.shape_cast %slice3A_314 : vector<1x16xf32> to vector<16xf32>
    %reduce_sum3A_316 = vector.shape_cast %squeeze3A_315 : vector<16xf32> to vector<1x16xf32>
    %reduce_sum3A_317 = arith.constant dense<0.000000e+00> : vector<1xf32>
    %reduce_sum3A_318 = vector.multi_reduction <add>, %reduce_sum3A_316, %reduce_sum3A_317 [1] : vector<1x16xf32> to vector<1xf32>
    %reduce_sum3A_319 = vector.shape_cast %reduce_sum3A_318 : vector<1xf32> to vector<1x1xf32>
    %reduce_sum3A_320 = vector.extract %reduce_sum3A_319[0, 0] : f32 from vector<1x1xf32>
    %get3A_321 = arith.constant 15 : index
    %get3A_322 = arith.constant 0 : index
    %get3A_323 = arith.constant 0 : index
    %get3A_324 = vector.load %arg1[%get3A_321, %get3A_322, %get3A_323] : memref<17x8x1024xf32, #tpu.memory_space<vmem>>, vector<1x8x1024xf32>
    %get3A_325 = vector.shape_cast %get3A_324 : vector<1x8x1024xf32> to vector<8x1024xf32>
    %mul3A_326 = arith.mulf %get3A_325, %reshape3A : vector<8x1024xf32>
    %reduce_sum3A_327 = vector.shape_cast %mul3A_326 : vector<8x1024xf32> to vector<1x8x1024xf32>
    %reduce_sum3A_328 = arith.constant dense<0.000000e+00> : vector<1xf32>
    %reduce_sum3A_329 = vector.multi_reduction <add>, %reduce_sum3A_327, %reduce_sum3A_328 [1, 2] : vector<1x8x1024xf32> to vector<1xf32>
    %reduce_sum3A_330 = vector.shape_cast %reduce_sum3A_329 : vector<1xf32> to vector<1x1x1xf32>
    %reduce_sum3A_331 = vector.extract %reduce_sum3A_330[0, 0, 0] : f32 from vector<1x1x1xf32>
    %add3A_332 = arith.addf %reduce_sum3A_320, %reduce_sum3A_331 : f32
    %mul3A_333 = arith.mulf %add3A_313, %add3A_332 : f32
    %add3A_334 = arith.addf %add3A_294, %mul3A_333 : f32
    %mul3A_335 = arith.mulf %add3A, %add3A : f32
    %div3A = arith.divf %add3A_334, %mul3A_335 : f32
    %div3A_336 = arith.constant 1.966080e+05 : f32
    %div3A_337 = arith.divf %add3A_34, %div3A_336 : f32
    %mul3A_338 = arith.constant 1.000000e-03 : f32
    %mul3A_339 = arith.mulf %div3A_337, %mul3A_338 : f32
    %mul3A_340 = arith.constant 8.000000e-03 : f32
    %mul3A_341 = arith.mulf %div3A, %mul3A_340 : f32
    %add3A_342 = arith.addf %mul3A_339, %mul3A_341 : f32
    %broadcast_in_dim3A = arith.constant 1.000000e+00 : f32
    %broadcast_in_dim3A_343 = vector.broadcast %broadcast_in_dim3A : f32 to vector<1x1xf32>
    %mul3A_344 = vector.broadcast %add3A_342 : f32 to vector<1x1xf32>
    %mul3A_345 = arith.mulf %mul3A_344, %broadcast_in_dim3A_343 : vector<1x1xf32>
    %swap3A = arith.constant 0 : index
    %swap3A_346 = arith.constant 0 : index
    %swap3A_347 = vector.load %arg3[%swap3A, %swap3A_346] : memref<1x1xf32, #tpu.memory_space<vmem>>, vector<1x1xf32>
    tpu.vector_store %arg3[%swap3A, %swap3A_346], %mul3A_345 {strides = array<i32>} : memref<1x1xf32, #tpu.memory_space<vmem>>, vector<1x1xf32>,
    return
  }
}

module attributes {stable_mosaic.version = 14 : i64} {
  func.func @_tc_body(%arg0: i32, %arg1: memref<1x8x8192xf32, #tpu.memory_space<vmem>>, %arg2: memref<17x8x1024xf32, #tpu.memory_space<vmem>>) attributes {dimension_semantics = [#tpu.dimension_semantics<arbitrary>], iteration_bounds = array<i64: 16>, scalar_prefetch = 0 : i64, scratch_operands = 0 : i64, tpu.core_type = #tpu.core_type<tc>, window_params = [{transform_indices = @transform_0, window_bounds = array<i64: 1, 8, 8192>}, {pipeline_mode = #tpu.pipeline_mode<synchronous>, transform_indices = @transform_1, window_bounds = array<i64: 17, 8, 1024>}]} {
    %eq3A = arith.constant 0 : i32
    %eq3A_0 = arith.cmpi eq, %arg0, %eq3A : i32
    %convert_element_type3A = arith.extui %eq3A_0 : i1 to i32
    %cond3A = arith.constant 0 : i32
    %cond3A_1 = arith.cmpi ne, %convert_element_type3A, %cond3A : i32
    scf.if %cond3A_1 {
      %broadcast_in_dim3A_330 = arith.constant 0.000000e+00 : f32
      %broadcast_in_dim3A_331 = vector.broadcast %broadcast_in_dim3A_330 : f32 to vector<17x8x1024xf32>
      %swap3A_332 = arith.constant 0 : index
      %swap3A_333 = arith.constant 0 : index
      %swap3A_334 = arith.constant 0 : index
      %swap3A_335 = vector.load %arg2[%swap3A_332, %swap3A_333, %swap3A_334] : memref<17x8x1024xf32, #tpu.memory_space<vmem>>, vector<17x8x1024xf32>
      tpu.vector_store %arg2[%swap3A_332, %swap3A_333, %swap3A_334], %broadcast_in_dim3A_331 {strides = array<i32>} : memref<17x8x1024xf32, #tpu.memory_space<vmem>>, vector<17x8x1024xf32>,
    } else {
    }
    %get3A = arith.constant 0 : index
    %get3A_2 = arith.constant 0 : index
    %get3A_3 = arith.constant 0 : index
    %get3A_4 = vector.load %arg1[%get3A, %get3A_2, %get3A_3] : memref<1x8x8192xf32, #tpu.memory_space<vmem>>, vector<1x8x8192xf32>
    %get3A_5 = vector.shape_cast %get3A_4 : vector<1x8x8192xf32> to vector<8x8192xf32>
    %reshape3A = vector.shape_cast %get3A_5 : vector<8x8192xf32> to vector<8x8x1024xf32>
    %slice3A = vector.extract_strided_slice %reshape3A {offsets = [0, 0, 0], sizes = [1, 8, 1024], strides = [1, 1, 1]} : vector<8x8x1024xf32> to vector<1x8x1024xf32>
    %squeeze3A = vector.shape_cast %slice3A : vector<1x8x1024xf32> to vector<8x1024xf32>
    %slice3A_6 = vector.extract_strided_slice %reshape3A {offsets = [1, 0, 0], sizes = [1, 8, 1024], strides = [1, 1, 1]} : vector<8x8x1024xf32> to vector<1x8x1024xf32>
    %squeeze3A_7 = vector.shape_cast %slice3A_6 : vector<1x8x1024xf32> to vector<8x1024xf32>
    %slice3A_8 = vector.extract_strided_slice %reshape3A {offsets = [2, 0, 0], sizes = [1, 8, 1024], strides = [1, 1, 1]} : vector<8x8x1024xf32> to vector<1x8x1024xf32>
    %squeeze3A_9 = vector.shape_cast %slice3A_8 : vector<1x8x1024xf32> to vector<8x1024xf32>
    %slice3A_10 = vector.extract_strided_slice %reshape3A {offsets = [3, 0, 0], sizes = [1, 8, 1024], strides = [1, 1, 1]} : vector<8x8x1024xf32> to vector<1x8x1024xf32>
    %squeeze3A_11 = vector.shape_cast %slice3A_10 : vector<1x8x1024xf32> to vector<8x1024xf32>
    %slice3A_12 = vector.extract_strided_slice %reshape3A {offsets = [4, 0, 0], sizes = [1, 8, 1024], strides = [1, 1, 1]} : vector<8x8x1024xf32> to vector<1x8x1024xf32>
    %squeeze3A_13 = vector.shape_cast %slice3A_12 : vector<1x8x1024xf32> to vector<8x1024xf32>
    %slice3A_14 = vector.extract_strided_slice %reshape3A {offsets = [5, 0, 0], sizes = [1, 8, 1024], strides = [1, 1, 1]} : vector<8x8x1024xf32> to vector<1x8x1024xf32>
    %squeeze3A_15 = vector.shape_cast %slice3A_14 : vector<1x8x1024xf32> to vector<8x1024xf32>
    %slice3A_16 = vector.extract_strided_slice %reshape3A {offsets = [6, 0, 0], sizes = [1, 8, 1024], strides = [1, 1, 1]} : vector<8x8x1024xf32> to vector<1x8x1024xf32>
    %squeeze3A_17 = vector.shape_cast %slice3A_16 : vector<1x8x1024xf32> to vector<8x1024xf32>
    %slice3A_18 = vector.extract_strided_slice %reshape3A {offsets = [7, 0, 0], sizes = [1, 8, 1024], strides = [1, 1, 1]} : vector<8x8x1024xf32> to vector<1x8x1024xf32>
    %squeeze3A_19 = vector.shape_cast %slice3A_18 : vector<1x8x1024xf32> to vector<8x1024xf32>
    %exp3A = math.exp %squeeze3A : vector<8x1024xf32>
    %exp3A_20 = math.exp %squeeze3A_7 : vector<8x1024xf32>
    %exp3A_21 = math.exp %squeeze3A_9 : vector<8x1024xf32>
    %exp3A_22 = math.exp %squeeze3A_11 : vector<8x1024xf32>
    %exp3A_23 = math.exp %squeeze3A_13 : vector<8x1024xf32>
    %exp3A_24 = math.exp %squeeze3A_15 : vector<8x1024xf32>
    %exp3A_25 = math.exp %squeeze3A_17 : vector<8x1024xf32>
    %exp3A_26 = math.exp %squeeze3A_19 : vector<8x1024xf32>
    %add3A = arith.addf %exp3A, %exp3A_20 : vector<8x1024xf32>
    %add3A_27 = arith.addf %exp3A_21, %exp3A_22 : vector<8x1024xf32>
    %add3A_28 = arith.addf %add3A, %add3A_27 : vector<8x1024xf32>
    %add3A_29 = arith.addf %exp3A_23, %exp3A_24 : vector<8x1024xf32>
    %add3A_30 = arith.addf %exp3A_25, %exp3A_26 : vector<8x1024xf32>
    %add3A_31 = arith.addf %add3A_29, %add3A_30 : vector<8x1024xf32>
    %add3A_32 = arith.addf %add3A_28, %add3A_31 : vector<8x1024xf32>
    %div3A = arith.constant 1.000000e+00 : f32
    %div3A_33 = vector.broadcast %div3A : f32 to vector<8x1024xf32>
    %div3A_34 = arith.divf %div3A_33, %add3A_32 : vector<8x1024xf32>
    %mul3A = arith.mulf %exp3A, %div3A_34 : vector<8x1024xf32>
    %mul3A_35 = arith.mulf %exp3A_20, %div3A_34 : vector<8x1024xf32>
    %mul3A_36 = arith.mulf %exp3A_21, %div3A_34 : vector<8x1024xf32>
    %mul3A_37 = arith.mulf %exp3A_22, %div3A_34 : vector<8x1024xf32>
    %mul3A_38 = arith.mulf %exp3A_23, %div3A_34 : vector<8x1024xf32>
    %mul3A_39 = arith.mulf %exp3A_24, %div3A_34 : vector<8x1024xf32>
    %mul3A_40 = arith.mulf %exp3A_25, %div3A_34 : vector<8x1024xf32>
    %mul3A_41 = arith.mulf %exp3A_26, %div3A_34 : vector<8x1024xf32>
    %mul3A_42 = arith.mulf %mul3A, %squeeze3A : vector<8x1024xf32>
    %mul3A_43 = arith.mulf %mul3A_35, %squeeze3A_7 : vector<8x1024xf32>
    %add3A_44 = arith.addf %mul3A_42, %mul3A_43 : vector<8x1024xf32>
    %mul3A_45 = arith.mulf %mul3A_36, %squeeze3A_9 : vector<8x1024xf32>
    %mul3A_46 = arith.mulf %mul3A_37, %squeeze3A_11 : vector<8x1024xf32>
    %add3A_47 = arith.addf %mul3A_45, %mul3A_46 : vector<8x1024xf32>
    %add3A_48 = arith.addf %add3A_44, %add3A_47 : vector<8x1024xf32>
    %mul3A_49 = arith.mulf %mul3A_38, %squeeze3A_13 : vector<8x1024xf32>
    %mul3A_50 = arith.mulf %mul3A_39, %squeeze3A_15 : vector<8x1024xf32>
    %add3A_51 = arith.addf %mul3A_49, %mul3A_50 : vector<8x1024xf32>
    %mul3A_52 = arith.mulf %mul3A_40, %squeeze3A_17 : vector<8x1024xf32>
    %mul3A_53 = arith.mulf %mul3A_41, %squeeze3A_19 : vector<8x1024xf32>
    %add3A_54 = arith.addf %mul3A_52, %mul3A_53 : vector<8x1024xf32>
    %add3A_55 = arith.addf %add3A_51, %add3A_54 : vector<8x1024xf32>
    %add3A_56 = arith.addf %add3A_48, %add3A_55 : vector<8x1024xf32>
    %log3A = math.log %add3A_32 : vector<8x1024xf32>
    %sub3A = arith.subf %log3A, %add3A_56 : vector<8x1024xf32>
    %ge3A = arith.constant 2.000000e+00 : f32
    %ge3A_57 = vector.broadcast %ge3A : f32 to vector<8x1024xf32>
    %ge3A_58 = arith.cmpf oge, %sub3A, %ge3A_57 : vector<8x1024xf32>
    %jit3A = arith.constant 2.000000e+00 : f32
    %jit3A_59 = arith.constant 7.500000e-01 : f32
    %broadcast_in_dim3A = vector.broadcast %jit3A : f32 to vector<8x1024xf32>
    %broadcast_in_dim3A_60 = vector.broadcast %jit3A_59 : f32 to vector<8x1024xf32>
    %select_n3A = arith.select %ge3A_58, %broadcast_in_dim3A, %broadcast_in_dim3A_60 : vector<8x1024xi1>, vector<8x1024xf32>
    %max3A = arith.maximumf %mul3A, %mul3A_35 : vector<8x1024xf32>
    %min3A = arith.minimumf %mul3A, %mul3A_35 : vector<8x1024xf32>
    %max3A_61 = arith.maximumf %mul3A_36, %mul3A_37 : vector<8x1024xf32>
    %min3A_62 = arith.minimumf %mul3A_36, %mul3A_37 : vector<8x1024xf32>
    %max3A_63 = arith.maximumf %mul3A_38, %mul3A_39 : vector<8x1024xf32>
    %min3A_64 = arith.minimumf %mul3A_38, %mul3A_39 : vector<8x1024xf32>
    %max3A_65 = arith.maximumf %mul3A_40, %mul3A_41 : vector<8x1024xf32>
    %min3A_66 = arith.minimumf %mul3A_40, %mul3A_41 : vector<8x1024xf32>
    %max3A_67 = arith.maximumf %max3A, %max3A_61 : vector<8x1024xf32>
    %min3A_68 = arith.minimumf %max3A, %max3A_61 : vector<8x1024xf32>
    %max3A_69 = arith.maximumf %min3A, %min3A_62 : vector<8x1024xf32>
    %min3A_70 = arith.minimumf %min3A, %min3A_62 : vector<8x1024xf32>
    %max3A_71 = arith.maximumf %max3A_63, %max3A_65 : vector<8x1024xf32>
    %min3A_72 = arith.minimumf %max3A_63, %max3A_65 : vector<8x1024xf32>
    %max3A_73 = arith.maximumf %min3A_64, %min3A_66 : vector<8x1024xf32>
    %min3A_74 = arith.minimumf %min3A_64, %min3A_66 : vector<8x1024xf32>
    %max3A_75 = arith.maximumf %max3A_69, %min3A_68 : vector<8x1024xf32>
    %min3A_76 = arith.minimumf %max3A_69, %min3A_68 : vector<8x1024xf32>
    %max3A_77 = arith.maximumf %max3A_73, %min3A_72 : vector<8x1024xf32>
    %min3A_78 = arith.minimumf %max3A_73, %min3A_72 : vector<8x1024xf32>
    %max3A_79 = arith.maximumf %max3A_67, %max3A_71 : vector<8x1024xf32>
    %min3A_80 = arith.minimumf %max3A_67, %max3A_71 : vector<8x1024xf32>
    %max3A_81 = arith.maximumf %max3A_75, %max3A_77 : vector<8x1024xf32>
    %min3A_82 = arith.minimumf %max3A_75, %max3A_77 : vector<8x1024xf32>
    %max3A_83 = arith.maximumf %min3A_76, %min3A_78 : vector<8x1024xf32>
    %min3A_84 = arith.minimumf %min3A_76, %min3A_78 : vector<8x1024xf32>
    %max3A_85 = arith.maximumf %min3A_70, %min3A_74 : vector<8x1024xf32>
    %min3A_86 = arith.minimumf %min3A_70, %min3A_74 : vector<8x1024xf32>
    %max3A_87 = arith.maximumf %max3A_83, %min3A_80 : vector<8x1024xf32>
    %min3A_88 = arith.minimumf %max3A_83, %min3A_80 : vector<8x1024xf32>
    %max3A_89 = arith.maximumf %max3A_85, %min3A_82 : vector<8x1024xf32>
    %min3A_90 = arith.minimumf %max3A_85, %min3A_82 : vector<8x1024xf32>
    %max3A_91 = arith.maximumf %max3A_81, %max3A_87 : vector<8x1024xf32>
    %min3A_92 = arith.minimumf %max3A_81, %max3A_87 : vector<8x1024xf32>
    %max3A_93 = arith.maximumf %max3A_89, %min3A_88 : vector<8x1024xf32>
    %min3A_94 = arith.minimumf %max3A_89, %min3A_88 : vector<8x1024xf32>
    %max3A_95 = arith.maximumf %min3A_90, %min3A_84 : vector<8x1024xf32>
    %min3A_96 = arith.minimumf %min3A_90, %min3A_84 : vector<8x1024xf32>
    %get3A_97 = arith.constant 8 : index
    %get3A_98 = arith.constant 0 : index
    %get3A_99 = arith.constant 0 : index
    %get3A_100 = vector.load %arg2[%get3A_97, %get3A_98, %get3A_99] : memref<17x8x1024xf32, #tpu.memory_space<vmem>>, vector<1x8x1024xf32>
    %get3A_101 = vector.shape_cast %get3A_100 : vector<1x8x1024xf32> to vector<8x1024xf32>
    %add3A_102 = arith.addf %get3A_101, %max3A_79 : vector<8x1024xf32>
    %swap3A = arith.constant 8 : index
    %swap3A_103 = arith.constant 0 : index
    %swap3A_104 = arith.constant 0 : index
    %swap3A_105 = vector.load %arg2[%swap3A, %swap3A_103, %swap3A_104] : memref<17x8x1024xf32, #tpu.memory_space<vmem>>, vector<1x8x1024xf32>
    %swap3A_106 = vector.shape_cast %swap3A_105 : vector<1x8x1024xf32> to vector<8x1024xf32>
    %swap3A_107 = vector.shape_cast %add3A_102 : vector<8x1024xf32> to vector<1x8x1024xf32>
    tpu.vector_store %arg2[%swap3A, %swap3A_103, %swap3A_104], %swap3A_107 {strides = array<i32>} : memref<17x8x1024xf32, #tpu.memory_space<vmem>>, vector<1x8x1024xf32>,
    %broadcast_in_dim3A_108 = arith.constant 1.000000e+00 : f32
    %broadcast_in_dim3A_109 = vector.broadcast %broadcast_in_dim3A_108 : f32 to vector<8x1024xf32>
    %le3A = arith.cmpf ole, %max3A_79, %select_n3A : vector<8x1024xf32>
    %jit3A_110 = arith.constant 0.000000e+00 : f32
    %broadcast_in_dim3A_111 = vector.broadcast %jit3A_110 : f32 to vector<8x1024xf32>
    %select_n3A_112 = arith.select %le3A, %broadcast_in_dim3A_109, %broadcast_in_dim3A_111 : vector<8x1024xi1>, vector<8x1024xf32>
    %get3A_113 = arith.constant 1 : index
    %get3A_114 = arith.constant 0 : index
    %get3A_115 = arith.constant 0 : index
    %get3A_116 = vector.load %arg2[%get3A_113, %get3A_114, %get3A_115] : memref<17x8x1024xf32, #tpu.memory_space<vmem>>, vector<1x8x1024xf32>
    %get3A_117 = vector.shape_cast %get3A_116 : vector<1x8x1024xf32> to vector<8x1024xf32>
    %add3A_118 = arith.addf %get3A_117, %select_n3A_112 : vector<8x1024xf32>
    %swap3A_119 = arith.constant 1 : index
    %swap3A_120 = arith.constant 0 : index
    %swap3A_121 = arith.constant 0 : index
    %swap3A_122 = vector.load %arg2[%swap3A_119, %swap3A_120, %swap3A_121] : memref<17x8x1024xf32, #tpu.memory_space<vmem>>, vector<1x8x1024xf32>
    %swap3A_123 = vector.shape_cast %swap3A_122 : vector<1x8x1024xf32> to vector<8x1024xf32>
    %swap3A_124 = vector.shape_cast %add3A_118 : vector<8x1024xf32> to vector<1x8x1024xf32>
    tpu.vector_store %arg2[%swap3A_119, %swap3A_120, %swap3A_121], %swap3A_124 {strides = array<i32>} : memref<17x8x1024xf32, #tpu.memory_space<vmem>>, vector<1x8x1024xf32>,
    %get3A_125 = arith.constant 9 : index
    %get3A_126 = arith.constant 0 : index
    %get3A_127 = arith.constant 0 : index
    %get3A_128 = vector.load %arg2[%get3A_125, %get3A_126, %get3A_127] : memref<17x8x1024xf32, #tpu.memory_space<vmem>>, vector<1x8x1024xf32>
    %get3A_129 = vector.shape_cast %get3A_128 : vector<1x8x1024xf32> to vector<8x1024xf32>
    %mul3A_130 = arith.mulf %select_n3A_112, %max3A_91 : vector<8x1024xf32>
    %add3A_131 = arith.addf %get3A_129, %mul3A_130 : vector<8x1024xf32>
    %swap3A_132 = arith.constant 9 : index
    %swap3A_133 = arith.constant 0 : index
    %swap3A_134 = arith.constant 0 : index
    %swap3A_135 = vector.load %arg2[%swap3A_132, %swap3A_133, %swap3A_134] : memref<17x8x1024xf32, #tpu.memory_space<vmem>>, vector<1x8x1024xf32>
    %swap3A_136 = vector.shape_cast %swap3A_135 : vector<1x8x1024xf32> to vector<8x1024xf32>
    %swap3A_137 = vector.shape_cast %add3A_131 : vector<8x1024xf32> to vector<1x8x1024xf32>
    tpu.vector_store %arg2[%swap3A_132, %swap3A_133, %swap3A_134], %swap3A_137 {strides = array<i32>} : memref<17x8x1024xf32, #tpu.memory_space<vmem>>, vector<1x8x1024xf32>,
    %add3A_138 = arith.addf %max3A_79, %max3A_91 : vector<8x1024xf32>
    %le3A_139 = arith.cmpf ole, %add3A_138, %select_n3A : vector<8x1024xf32>
    %jit3A_140 = arith.constant 0.000000e+00 : f32
    %broadcast_in_dim3A_141 = vector.broadcast %jit3A_140 : f32 to vector<8x1024xf32>
    %select_n3A_142 = arith.select %le3A_139, %broadcast_in_dim3A_109, %broadcast_in_dim3A_141 : vector<8x1024xi1>, vector<8x1024xf32>
    %get3A_143 = arith.constant 2 : index
    %get3A_144 = arith.constant 0 : index
    %get3A_145 = arith.constant 0 : index
    %get3A_146 = vector.load %arg2[%get3A_143, %get3A_144, %get3A_145] : memref<17x8x1024xf32, #tpu.memory_space<vmem>>, vector<1x8x1024xf32>
    %get3A_147 = vector.shape_cast %get3A_146 : vector<1x8x1024xf32> to vector<8x1024xf32>
    %add3A_148 = arith.addf %get3A_147, %select_n3A_142 : vector<8x1024xf32>
    %swap3A_149 = arith.constant 2 : index
    %swap3A_150 = arith.constant 0 : index
    %swap3A_151 = arith.constant 0 : index
    %swap3A_152 = vector.load %arg2[%swap3A_149, %swap3A_150, %swap3A_151] : memref<17x8x1024xf32, #tpu.memory_space<vmem>>, vector<1x8x1024xf32>
    %swap3A_153 = vector.shape_cast %swap3A_152 : vector<1x8x1024xf32> to vector<8x1024xf32>
    %swap3A_154 = vector.shape_cast %add3A_148 : vector<8x1024xf32> to vector<1x8x1024xf32>
    tpu.vector_store %arg2[%swap3A_149, %swap3A_150, %swap3A_151], %swap3A_154 {strides = array<i32>} : memref<17x8x1024xf32, #tpu.memory_space<vmem>>, vector<1x8x1024xf32>,
    %get3A_155 = arith.constant 10 : index
    %get3A_156 = arith.constant 0 : index
    %get3A_157 = arith.constant 0 : index
    %get3A_158 = vector.load %arg2[%get3A_155, %get3A_156, %get3A_157] : memref<17x8x1024xf32, #tpu.memory_space<vmem>>, vector<1x8x1024xf32>
    %get3A_159 = vector.shape_cast %get3A_158 : vector<1x8x1024xf32> to vector<8x1024xf32>
    %mul3A_160 = arith.mulf %select_n3A_142, %min3A_92 : vector<8x1024xf32>
    %add3A_161 = arith.addf %get3A_159, %mul3A_160 : vector<8x1024xf32>
    %swap3A_162 = arith.constant 10 : index
    %swap3A_163 = arith.constant 0 : index
    %swap3A_164 = arith.constant 0 : index
    %swap3A_165 = vector.load %arg2[%swap3A_162, %swap3A_163, %swap3A_164] : memref<17x8x1024xf32, #tpu.memory_space<vmem>>, vector<1x8x1024xf32>
    %swap3A_166 = vector.shape_cast %swap3A_165 : vector<1x8x1024xf32> to vector<8x1024xf32>
    %swap3A_167 = vector.shape_cast %add3A_161 : vector<8x1024xf32> to vector<1x8x1024xf32>
    tpu.vector_store %arg2[%swap3A_162, %swap3A_163, %swap3A_164], %swap3A_167 {strides = array<i32>} : memref<17x8x1024xf32, #tpu.memory_space<vmem>>, vector<1x8x1024xf32>,
    %add3A_168 = arith.addf %add3A_138, %min3A_92 : vector<8x1024xf32>
    %le3A_169 = arith.cmpf ole, %add3A_168, %select_n3A : vector<8x1024xf32>
    %jit3A_170 = arith.constant 0.000000e+00 : f32
    %broadcast_in_dim3A_171 = vector.broadcast %jit3A_170 : f32 to vector<8x1024xf32>
    %select_n3A_172 = arith.select %le3A_169, %broadcast_in_dim3A_109, %broadcast_in_dim3A_171 : vector<8x1024xi1>, vector<8x1024xf32>
    %get3A_173 = arith.constant 3 : index
    %get3A_174 = arith.constant 0 : index
    %get3A_175 = arith.constant 0 : index
    %get3A_176 = vector.load %arg2[%get3A_173, %get3A_174, %get3A_175] : memref<17x8x1024xf32, #tpu.memory_space<vmem>>, vector<1x8x1024xf32>
    %get3A_177 = vector.shape_cast %get3A_176 : vector<1x8x1024xf32> to vector<8x1024xf32>
    %add3A_178 = arith.addf %get3A_177, %select_n3A_172 : vector<8x1024xf32>
    %swap3A_179 = arith.constant 3 : index
    %swap3A_180 = arith.constant 0 : index
    %swap3A_181 = arith.constant 0 : index
    %swap3A_182 = vector.load %arg2[%swap3A_179, %swap3A_180, %swap3A_181] : memref<17x8x1024xf32, #tpu.memory_space<vmem>>, vector<1x8x1024xf32>
    %swap3A_183 = vector.shape_cast %swap3A_182 : vector<1x8x1024xf32> to vector<8x1024xf32>
    %swap3A_184 = vector.shape_cast %add3A_178 : vector<8x1024xf32> to vector<1x8x1024xf32>
    tpu.vector_store %arg2[%swap3A_179, %swap3A_180, %swap3A_181], %swap3A_184 {strides = array<i32>} : memref<17x8x1024xf32, #tpu.memory_space<vmem>>, vector<1x8x1024xf32>,
    %get3A_185 = arith.constant 11 : index
    %get3A_186 = arith.constant 0 : index
    %get3A_187 = arith.constant 0 : index
    %get3A_188 = vector.load %arg2[%get3A_185, %get3A_186, %get3A_187] : memref<17x8x1024xf32, #tpu.memory_space<vmem>>, vector<1x8x1024xf32>
    %get3A_189 = vector.shape_cast %get3A_188 : vector<1x8x1024xf32> to vector<8x1024xf32>
    %mul3A_190 = arith.mulf %select_n3A_172, %max3A_93 : vector<8x1024xf32>
    %add3A_191 = arith.addf %get3A_189, %mul3A_190 : vector<8x1024xf32>
    %swap3A_192 = arith.constant 11 : index
    %swap3A_193 = arith.constant 0 : index
    %swap3A_194 = arith.constant 0 : index
    %swap3A_195 = vector.load %arg2[%swap3A_192, %swap3A_193, %swap3A_194] : memref<17x8x1024xf32, #tpu.memory_space<vmem>>, vector<1x8x1024xf32>
    %swap3A_196 = vector.shape_cast %swap3A_195 : vector<1x8x1024xf32> to vector<8x1024xf32>
    %swap3A_197 = vector.shape_cast %add3A_191 : vector<8x1024xf32> to vector<1x8x1024xf32>
    tpu.vector_store %arg2[%swap3A_192, %swap3A_193, %swap3A_194], %swap3A_197 {strides = array<i32>} : memref<17x8x1024xf32, #tpu.memory_space<vmem>>, vector<1x8x1024xf32>,
    %add3A_198 = arith.addf %add3A_168, %max3A_93 : vector<8x1024xf32>
    %le3A_199 = arith.cmpf ole, %add3A_198, %select_n3A : vector<8x1024xf32>
    %jit3A_200 = arith.constant 0.000000e+00 : f32
    %broadcast_in_dim3A_201 = vector.broadcast %jit3A_200 : f32 to vector<8x1024xf32>
    %select_n3A_202 = arith.select %le3A_199, %broadcast_in_dim3A_109, %broadcast_in_dim3A_201 : vector<8x1024xi1>, vector<8x1024xf32>
    %get3A_203 = arith.constant 4 : index
    %get3A_204 = arith.constant 0 : index
    %get3A_205 = arith.constant 0 : index
    %get3A_206 = vector.load %arg2[%get3A_203, %get3A_204, %get3A_205] : memref<17x8x1024xf32, #tpu.memory_space<vmem>>, vector<1x8x1024xf32>
    %get3A_207 = vector.shape_cast %get3A_206 : vector<1x8x1024xf32> to vector<8x1024xf32>
    %add3A_208 = arith.addf %get3A_207, %select_n3A_202 : vector<8x1024xf32>
    %swap3A_209 = arith.constant 4 : index
    %swap3A_210 = arith.constant 0 : index
    %swap3A_211 = arith.constant 0 : index
    %swap3A_212 = vector.load %arg2[%swap3A_209, %swap3A_210, %swap3A_211] : memref<17x8x1024xf32, #tpu.memory_space<vmem>>, vector<1x8x1024xf32>
    %swap3A_213 = vector.shape_cast %swap3A_212 : vector<1x8x1024xf32> to vector<8x1024xf32>
    %swap3A_214 = vector.shape_cast %add3A_208 : vector<8x1024xf32> to vector<1x8x1024xf32>
    tpu.vector_store %arg2[%swap3A_209, %swap3A_210, %swap3A_211], %swap3A_214 {strides = array<i32>} : memref<17x8x1024xf32, #tpu.memory_space<vmem>>, vector<1x8x1024xf32>,
    %get3A_215 = arith.constant 12 : index
    %get3A_216 = arith.constant 0 : index
    %get3A_217 = arith.constant 0 : index
    %get3A_218 = vector.load %arg2[%get3A_215, %get3A_216, %get3A_217] : memref<17x8x1024xf32, #tpu.memory_space<vmem>>, vector<1x8x1024xf32>
    %get3A_219 = vector.shape_cast %get3A_218 : vector<1x8x1024xf32> to vector<8x1024xf32>
    %mul3A_220 = arith.mulf %select_n3A_202, %min3A_94 : vector<8x1024xf32>
    %add3A_221 = arith.addf %get3A_219, %mul3A_220 : vector<8x1024xf32>
    %swap3A_222 = arith.constant 12 : index
    %swap3A_223 = arith.constant 0 : index
    %swap3A_224 = arith.constant 0 : index
    %swap3A_225 = vector.load %arg2[%swap3A_222, %swap3A_223, %swap3A_224] : memref<17x8x1024xf32, #tpu.memory_space<vmem>>, vector<1x8x1024xf32>
    %swap3A_226 = vector.shape_cast %swap3A_225 : vector<1x8x1024xf32> to vector<8x1024xf32>
    %swap3A_227 = vector.shape_cast %add3A_221 : vector<8x1024xf32> to vector<1x8x1024xf32>
    tpu.vector_store %arg2[%swap3A_222, %swap3A_223, %swap3A_224], %swap3A_227 {strides = array<i32>} : memref<17x8x1024xf32, #tpu.memory_space<vmem>>, vector<1x8x1024xf32>,
    %add3A_228 = arith.addf %add3A_198, %min3A_94 : vector<8x1024xf32>
    %le3A_229 = arith.cmpf ole, %add3A_228, %select_n3A : vector<8x1024xf32>
    %jit3A_230 = arith.constant 0.000000e+00 : f32
    %broadcast_in_dim3A_231 = vector.broadcast %jit3A_230 : f32 to vector<8x1024xf32>
    %select_n3A_232 = arith.select %le3A_229, %broadcast_in_dim3A_109, %broadcast_in_dim3A_231 : vector<8x1024xi1>, vector<8x1024xf32>
    %get3A_233 = arith.constant 5 : index
    %get3A_234 = arith.constant 0 : index
    %get3A_235 = arith.constant 0 : index
    %get3A_236 = vector.load %arg2[%get3A_233, %get3A_234, %get3A_235] : memref<17x8x1024xf32, #tpu.memory_space<vmem>>, vector<1x8x1024xf32>
    %get3A_237 = vector.shape_cast %get3A_236 : vector<1x8x1024xf32> to vector<8x1024xf32>
    %add3A_238 = arith.addf %get3A_237, %select_n3A_232 : vector<8x1024xf32>
    %swap3A_239 = arith.constant 5 : index
    %swap3A_240 = arith.constant 0 : index
    %swap3A_241 = arith.constant 0 : index
    %swap3A_242 = vector.load %arg2[%swap3A_239, %swap3A_240, %swap3A_241] : memref<17x8x1024xf32, #tpu.memory_space<vmem>>, vector<1x8x1024xf32>
    %swap3A_243 = vector.shape_cast %swap3A_242 : vector<1x8x1024xf32> to vector<8x1024xf32>
    %swap3A_244 = vector.shape_cast %add3A_238 : vector<8x1024xf32> to vector<1x8x1024xf32>
    tpu.vector_store %arg2[%swap3A_239, %swap3A_240, %swap3A_241], %swap3A_244 {strides = array<i32>} : memref<17x8x1024xf32, #tpu.memory_space<vmem>>, vector<1x8x1024xf32>,
    %get3A_245 = arith.constant 13 : index
    %get3A_246 = arith.constant 0 : index
    %get3A_247 = arith.constant 0 : index
    %get3A_248 = vector.load %arg2[%get3A_245, %get3A_246, %get3A_247] : memref<17x8x1024xf32, #tpu.memory_space<vmem>>, vector<1x8x1024xf32>
    %get3A_249 = vector.shape_cast %get3A_248 : vector<1x8x1024xf32> to vector<8x1024xf32>
    %mul3A_250 = arith.mulf %select_n3A_232, %max3A_95 : vector<8x1024xf32>
    %add3A_251 = arith.addf %get3A_249, %mul3A_250 : vector<8x1024xf32>
    %swap3A_252 = arith.constant 13 : index
    %swap3A_253 = arith.constant 0 : index
    %swap3A_254 = arith.constant 0 : index
    %swap3A_255 = vector.load %arg2[%swap3A_252, %swap3A_253, %swap3A_254] : memref<17x8x1024xf32, #tpu.memory_space<vmem>>, vector<1x8x1024xf32>
    %swap3A_256 = vector.shape_cast %swap3A_255 : vector<1x8x1024xf32> to vector<8x1024xf32>
    %swap3A_257 = vector.shape_cast %add3A_251 : vector<8x1024xf32> to vector<1x8x1024xf32>
    tpu.vector_store %arg2[%swap3A_252, %swap3A_253, %swap3A_254], %swap3A_257 {strides = array<i32>} : memref<17x8x1024xf32, #tpu.memory_space<vmem>>, vector<1x8x1024xf32>,
    %add3A_258 = arith.addf %add3A_228, %max3A_95 : vector<8x1024xf32>
    %le3A_259 = arith.cmpf ole, %add3A_258, %select_n3A : vector<8x1024xf32>
    %jit3A_260 = arith.constant 0.000000e+00 : f32
    %broadcast_in_dim3A_261 = vector.broadcast %jit3A_260 : f32 to vector<8x1024xf32>
    %select_n3A_262 = arith.select %le3A_259, %broadcast_in_dim3A_109, %broadcast_in_dim3A_261 : vector<8x1024xi1>, vector<8x1024xf32>
    %get3A_263 = arith.constant 6 : index
    %get3A_264 = arith.constant 0 : index
    %get3A_265 = arith.constant 0 : index
    %get3A_266 = vector.load %arg2[%get3A_263, %get3A_264, %get3A_265] : memref<17x8x1024xf32, #tpu.memory_space<vmem>>, vector<1x8x1024xf32>
    %get3A_267 = vector.shape_cast %get3A_266 : vector<1x8x1024xf32> to vector<8x1024xf32>
    %add3A_268 = arith.addf %get3A_267, %select_n3A_262 : vector<8x1024xf32>
    %swap3A_269 = arith.constant 6 : index
    %swap3A_270 = arith.constant 0 : index
    %swap3A_271 = arith.constant 0 : index
    %swap3A_272 = vector.load %arg2[%swap3A_269, %swap3A_270, %swap3A_271] : memref<17x8x1024xf32, #tpu.memory_space<vmem>>, vector<1x8x1024xf32>
    %swap3A_273 = vector.shape_cast %swap3A_272 : vector<1x8x1024xf32> to vector<8x1024xf32>
    %swap3A_274 = vector.shape_cast %add3A_268 : vector<8x1024xf32> to vector<1x8x1024xf32>
    tpu.vector_store %arg2[%swap3A_269, %swap3A_270, %swap3A_271], %swap3A_274 {strides = array<i32>} : memref<17x8x1024xf32, #tpu.memory_space<vmem>>, vector<1x8x1024xf32>,
    %get3A_275 = arith.constant 14 : index
    %get3A_276 = arith.constant 0 : index
    %get3A_277 = arith.constant 0 : index
    %get3A_278 = vector.load %arg2[%get3A_275, %get3A_276, %get3A_277] : memref<17x8x1024xf32, #tpu.memory_space<vmem>>, vector<1x8x1024xf32>
    %get3A_279 = vector.shape_cast %get3A_278 : vector<1x8x1024xf32> to vector<8x1024xf32>
    %mul3A_280 = arith.mulf %select_n3A_262, %min3A_96 : vector<8x1024xf32>
    %add3A_281 = arith.addf %get3A_279, %mul3A_280 : vector<8x1024xf32>
    %swap3A_282 = arith.constant 14 : index
    %swap3A_283 = arith.constant 0 : index
    %swap3A_284 = arith.constant 0 : index
    %swap3A_285 = vector.load %arg2[%swap3A_282, %swap3A_283, %swap3A_284] : memref<17x8x1024xf32, #tpu.memory_space<vmem>>, vector<1x8x1024xf32>
    %swap3A_286 = vector.shape_cast %swap3A_285 : vector<1x8x1024xf32> to vector<8x1024xf32>
    %swap3A_287 = vector.shape_cast %add3A_281 : vector<8x1024xf32> to vector<1x8x1024xf32>
    tpu.vector_store %arg2[%swap3A_282, %swap3A_283, %swap3A_284], %swap3A_287 {strides = array<i32>} : memref<17x8x1024xf32, #tpu.memory_space<vmem>>, vector<1x8x1024xf32>,
    %add3A_288 = arith.addf %add3A_258, %min3A_96 : vector<8x1024xf32>
    %le3A_289 = arith.cmpf ole, %add3A_288, %select_n3A : vector<8x1024xf32>
    %jit3A_290 = arith.constant 0.000000e+00 : f32
    %broadcast_in_dim3A_291 = vector.broadcast %jit3A_290 : f32 to vector<8x1024xf32>
    %select_n3A_292 = arith.select %le3A_289, %broadcast_in_dim3A_109, %broadcast_in_dim3A_291 : vector<8x1024xi1>, vector<8x1024xf32>
    %get3A_293 = arith.constant 7 : index
    %get3A_294 = arith.constant 0 : index
    %get3A_295 = arith.constant 0 : index
    %get3A_296 = vector.load %arg2[%get3A_293, %get3A_294, %get3A_295] : memref<17x8x1024xf32, #tpu.memory_space<vmem>>, vector<1x8x1024xf32>
    %get3A_297 = vector.shape_cast %get3A_296 : vector<1x8x1024xf32> to vector<8x1024xf32>
    %add3A_298 = arith.addf %get3A_297, %select_n3A_292 : vector<8x1024xf32>
    %swap3A_299 = arith.constant 7 : index
    %swap3A_300 = arith.constant 0 : index
    %swap3A_301 = arith.constant 0 : index
    %swap3A_302 = vector.load %arg2[%swap3A_299, %swap3A_300, %swap3A_301] : memref<17x8x1024xf32, #tpu.memory_space<vmem>>, vector<1x8x1024xf32>
    %swap3A_303 = vector.shape_cast %swap3A_302 : vector<1x8x1024xf32> to vector<8x1024xf32>
    %swap3A_304 = vector.shape_cast %add3A_298 : vector<8x1024xf32> to vector<1x8x1024xf32>
    tpu.vector_store %arg2[%swap3A_299, %swap3A_300, %swap3A_301], %swap3A_304 {strides = array<i32>} : memref<17x8x1024xf32, #tpu.memory_space<vmem>>, vector<1x8x1024xf32>,
    %get3A_305 = arith.constant 15 : index
    %get3A_306 = arith.constant 0 : index
    %get3A_307 = arith.constant 0 : index
    %get3A_308 = vector.load %arg2[%get3A_305, %get3A_306, %get3A_307] : memref<17x8x1024xf32, #tpu.memory_space<vmem>>, vector<1x8x1024xf32>
    %get3A_309 = vector.shape_cast %get3A_308 : vector<1x8x1024xf32> to vector<8x1024xf32>
    %mul3A_310 = arith.mulf %select_n3A_292, %min3A_86 : vector<8x1024xf32>
    %add3A_311 = arith.addf %get3A_309, %mul3A_310 : vector<8x1024xf32>
    %swap3A_312 = arith.constant 15 : index
    %swap3A_313 = arith.constant 0 : index
    %swap3A_314 = arith.constant 0 : index
    %swap3A_315 = vector.load %arg2[%swap3A_312, %swap3A_313, %swap3A_314] : memref<17x8x1024xf32, #tpu.memory_space<vmem>>, vector<1x8x1024xf32>
    %swap3A_316 = vector.shape_cast %swap3A_315 : vector<1x8x1024xf32> to vector<8x1024xf32>
    %swap3A_317 = vector.shape_cast %add3A_311 : vector<8x1024xf32> to vector<1x8x1024xf32>
    tpu.vector_store %arg2[%swap3A_312, %swap3A_313, %swap3A_314], %swap3A_317 {strides = array<i32>} : memref<17x8x1024xf32, #tpu.memory_space<vmem>>, vector<1x8x1024xf32>,
    %get3A_318 = arith.constant 16 : index
    %get3A_319 = arith.constant 0 : index
    %get3A_320 = arith.constant 0 : index
    %get3A_321 = vector.load %arg2[%get3A_318, %get3A_319, %get3A_320] : memref<17x8x1024xf32, #tpu.memory_space<vmem>>, vector<1x8x1024xf32>
    %get3A_322 = vector.shape_cast %get3A_321 : vector<1x8x1024xf32> to vector<8x1024xf32>
    %add3A_323 = arith.addf %get3A_322, %sub3A : vector<8x1024xf32>
    %swap3A_324 = arith.constant 16 : index
    %swap3A_325 = arith.constant 0 : index
    %swap3A_326 = arith.constant 0 : index
    %swap3A_327 = vector.load %arg2[%swap3A_324, %swap3A_325, %swap3A_326] : memref<17x8x1024xf32, #tpu.memory_space<vmem>>, vector<1x8x1024xf32>
    %swap3A_328 = vector.shape_cast %swap3A_327 : vector<1x8x1024xf32> to vector<8x1024xf32>
    %swap3A_329 = vector.shape_cast %add3A_323 : vector<8x1024xf32> to vector<1x8x1024xf32>
    tpu.vector_store %arg2[%swap3A_324, %swap3A_325, %swap3A_326], %swap3A_329 {strides = array<i32>} : memref<17x8x1024xf32, #tpu.memory_space<vmem>>, vector<1x8x1024xf32>,
    return
  }
  func.func @transform_0(%arg0: i32) -> (i32, i32, i32) {
    %add3A = arith.constant 8 : i32
    %add3A_0 = arith.addi %arg0, %add3A : i32
    %c0_i32 = arith.constant 0 : i32
    %c0_i32_1 = arith.constant 0 : i32
    %c0_i32_2 = arith.constant 0 : i32
    return %add3A_0, %c0_i32, %c0_i32_1 : i32, i32, i32
  }
  func.func @transform_1(%arg0: i32) -> (i32, i32, i32) {
    %c0_i32 = arith.constant 0 : i32
    %c0_i32_0 = arith.constant 0 : i32
    %c0_i32_1 = arith.constant 0 : i32
    %c0_i32_2 = arith.constant 0 : i32
    return %c0_i32, %c0_i32_0, %c0_i32_1 : i32, i32, i32
  }
}

</mosaic_0001>

<sc_bundles>
// kernel: kernel.5.cloned.1.call-start
scs
__scs_entry_jumppad:
0x0: {  	(pc) =	sbr.rel $0x88, $3  }
0x1: {  	(tag) =	ssettag $0x0;
	lr =	simm.s32 $0x1  }
0x2: {  	[smem:$0x3F9F] =	sst lr;
	_ =	strace $0xD0000000  }
0x3: {  	_ = 	snop  }
0x4: {  	_ = 	snop  }
0x5: {  	_ = 	snop  }
0x6: {  	_ = 	snop  }
0x7: {  	_ = 	snop  }
__scs_overlays_trampoline_lowered:
0x8: {  	[smem:$0x3FAE] =	sst s0  }
0x9: {  	[smem:$0x3FAF] =	sst s1  }
0xa: {  	[smem:$0x3FB0] =	sst s2  }
0xb: {  	[smem:$0x3FB1] =	sst s3  }
0xc: {  	[smem:$0x3FB2] =	sst s4  }
0xd: {  	[smem:$0x3FB3] =	sst s5  }
0xe: {  	[smem:$0x3FB4] =	sst s6  }
0xf: {  	[smem:$0x3FB5] =	sst s7  }
0x10: {  	[smem:$0x3FB6] =	sst s8  }
0x11: {  	[smem:$0x3FB7] =	sst s9;
	s0 =	simm.s32 @!p0 $0x0  }
0x12: {  	s1 =	sld [smem:$0x3F9D];
	s0 =	simm.s32 @p0 $0x1  }
0x13: {  	[smem:$0x3FB8] =	sst s0;
	s0 =	simm.s32 @!p1 $0x0  }
0x14: {  	s2 =	sld [smem:$0x3F9C];
	s0 =	simm.s32 @p1 $0x1  }
0x15: {  	[smem:$0x3FB9] =	sst s0;
	s0 =	simm.s32 @!p2 $0x0  }
0x16: {  	s3 =	sld [smem:$0x3FDB];
	s0 =	simm.s32 @p2 $0x1  }
0x17: {  	s4 =	simm.s32 $0x1BF5;
	[smem:$0x3FBB] =	sst s0  }
0x18: {  	s0 =	sld [smem:$0x3F9E];
	_ =	swait.ge [sflag:s4], $0x0  }
0x19: {  	s7 =	sld [smem:$0x3F9F]  }
0x1a: {  	s8 =	sadd.s32 $0xFFFFE003, lr  }
0x1b: {  	s9 =	sadd.s32 $0xFFFFFEF7, lr;
	s5 =	simm.s32 $0xFFFFFFFF;
	p2 =	slt.u32 s8, $0xFFFFF086  }
0x1c: {  	p1 =	slt.u32 s9, $0xF7A;
	s5 =	simm.s32 @!p2 $0x0  }
0x1d: {  	s5 =	simm.s32 @p1 $0x1;
	p0 =	seq.s32 s7, s2  }
0x1e: {  	s7 =	smul.u32 @!p0 $0xF7A, s2;
	p2 =	seq.s32 @!p0 s5, $0x0  }
0x1f: {  	s9 =	smul.u32 $0xF7A, s1;
	s8 =	simm.s32 @!p0 $0x1BF5;
	p2 =	por !p2, p0  }
0x20: {  	[sflag:s8] =	ssyncset.s32 @!p0 $0xFFFFF086;
	s6 =	sadd.s32 @!p0 s3, s7;
	s7 =	simm.s32 @!p0 $0x108  }
0x21: {  	s3 =	sadd.s32 s3, s9;
	s6 =	sadd.s32 @!p0 $0x88, s6;
	s7 =	simm.s32 @p2 $0x1082  }
0x22: {  	[simem:s7], [sflag:s8] =	dma.local @!p0 [hbm:s6], $0xF7A  }
0x23: {  	s9 =	sor.u32 $0xD0000000, s2;
	s6 =	simm.s32 $0x108;
	_ =	swait.ge @!p0 [sflag:s8], $0x0  }
0x24: {  	s3 =	sadd.s32 $0x88, s3;
	s6 =	simm.s32 @!p1 $0x1082;
	[sflag:s4] =	ssyncset.s32 $0xFFFFF086  }
0x25: {  	[simem:s6], [sflag:s4] =	dma.local [hbm:s3], $0xF7A  }
0x26: {  	[smem:$0x3F9F] =	sst s1;
	(tag) =	ssettag s2;
	_ =	strace s9  }
0x27: {  	s1 =	sld [smem:$0x3FAF]  }
0x28: {  	s2 =	sld [smem:$0x3FB0]  }
0x29: {  	s4 =	sld [smem:$0x3FB2]  }
0x2a: {  	p0 =	seq.s32 s5, $0x0;
	s5 =	sld [smem:$0x3FB3]  }
0x2b: {  	s6 =	sld [smem:$0x3FB4]  }
0x2c: {  	s7 =	sld [smem:$0x3FB5]  }
0x2d: {  	s3 =	simm.s32 $0x108;
	s8 =	sld [smem:$0x3FB6]  }
0x2e: {  	s3 =	simm.s32 @!p0 $0x1082;
	s9 =	sld [smem:$0x3FB7]  }
0x2f: {  	lr =	sadd.s32 s0, s3;
	s0 =	sld [smem:$0x3FAE]  }
0x30: {  	s3 =	sld [smem:$0x3FB1]  }
0x31: {  	[smem:$0x3FBA] =	sst s10  }
0x32: {  	s10 =	sld [smem:$0x3FB8];
	_ =	sdelay $0x3  }
0x33: {  	p0 =	seq.s32 s10, $0x1;
	s10 =	sld [smem:$0x3FBA];
	_ =	sdelay $0x3  }
0x34: {  	[smem:$0x3FBA] =	sst s10  }
0x35: {  	s10 =	sld [smem:$0x3FB9];
	_ =	sdelay $0x3  }
0x36: {  	p1 =	seq.s32 s10, $0x1;
	s10 =	sld [smem:$0x3FBA];
	_ =	sdelay $0x3  }
0x37: {  	[smem:$0x3FBA] =	sst s10  }
0x38: {  	s10 =	sld [smem:$0x3FBB]  }
0x39: {  	_ = 	snop;
	(pc) =	sbr.ind lr, $3  }
0x3a: {  	_ = 	snop  }
0x3b: {  	_ = 	snop  }
0x3c: {  	p2 =	seq.s32 s10, $0x1;
	s10 =	sld [smem:$0x3FBA]  }
0x3d: {  	_ =	shalt  }
0x3e: {  	_ =	shalt  }
0x3f: {  	_ =	shalt  }
0x40: {  	_ =	shalt  }
0x41: {  	_ =	shalt  }
0x42: {  	_ =	shalt  }
0x43: {  	_ =	shalt  }
0x44: {  	_ =	shalt  }
0x45: {  	_ =	shalt  }
0x46: {  	_ =	shalt  }
0x47: {  	_ =	shalt  }
0x48: {  	_ =	shalt  }
0x49: {  	_ =	shalt  }
0x4a: {  	_ =	shalt  }
0x4b: {  	_ =	shalt  }
0x4c: {  	_ =	shalt  }
0x4d: {  	_ =	shalt  }
0x4e: {  	_ =	shalt  }
0x4f: {  	_ =	shalt  }
0x50: {  	_ =	shalt  }
0x51: {  	_ =	shalt  }
0x52: {  	_ =	shalt  }
0x53: {  	_ =	shalt  }
0x54: {  	_ =	shalt  }
0x55: {  	_ =	shalt  }
0x56: {  	_ =	shalt  }
0x57: {  	_ =	shalt  }
0x58: {  	_ =	shalt  }
0x59: {  	_ =	shalt  }
0x5a: {  	_ =	shalt  }
0x5b: {  	_ =	shalt  }
0x5c: {  	_ =	shalt  }
0x5d: {  	_ =	shalt  }
0x5e: {  	_ =	shalt  }
0x5f: {  	_ =	shalt  }
0x60: {  	_ =	shalt  }
0x61: {  	_ =	shalt  }
0x62: {  	_ =	shalt  }
0x63: {  	_ =	shalt  }
0x64: {  	_ =	shalt  }
0x65: {  	_ =	shalt  }
0x66: {  	_ =	shalt  }
0x67: {  	_ =	shalt  }
0x68: {  	_ =	shalt  }
0x69: {  	_ =	shalt  }
0x6a: {  	_ =	shalt  }
0x6b: {  	_ =	shalt  }
0x6c: {  	_ =	shalt  }
0x6d: {  	_ =	shalt  }
0x6e: {  	_ =	shalt  }
0x6f: {  	_ =	shalt  }
0x70: {  	_ =	shalt  }
0x71: {  	_ =	shalt  }
0x72: {  	_ =	shalt  }
0x73: {  	_ =	shalt  }
0x74: {  	_ =	shalt  }
0x75: {  	_ =	shalt  }
0x76: {  	_ =	shalt  }
0x77: {  	_ =	shalt  }
0x78: {  	_ =	shalt  }
0x79: {  	_ =	shalt  }
0x7a: {  	_ =	shalt  }
0x7b: {  	_ =	shalt  }
0x7c: {  	_ =	shalt  }
0x7d: {  	_ =	shalt  }
0x7e: {  	_ =	shalt  }
0x7f: {  	_ =	shalt  }
0x80: {  	_ =	shalt  }
0x81: {  	_ =	shalt  }
0x82: {  	_ =	shalt  }
0x83: {  	_ =	shalt  }
0x84: {  	_ =	shalt  }
0x85: {  	_ =	shalt  }
0x86: {  	_ =	shalt  }
0x87: {  	_ =	shalt  }
.Lfunc_end0:
.L_simem_size_0:
called_computation_lowered:
.L_overlay_start_0:
0x88: {  	s2 =	sld [smem:$0x3FD9]  }
0x89: {  	s3 =	sld [smem:$0x3FFE];
	_ =	sdelay $0x1  }
0x8a: {  	s1 =	srdreg.scid  }
0x8b: {  	s0 =	sand.u32 $0x1, s1  }
0x8c: {  	s17 =	sshll.u32 s0, $0xA;
	s2 =	sadd.s32 s3, s2  }
0x8d: {  	s2 =	sadd.s32 s2, s17  }
0x8e: {  	[smem:$0x3FC6] =	sst s2  }
0x8f: {  	_ = 	snop  }
0x90: {  	s2 =	sld [smem:$0x3FC9];
	(tm) =	ssettm $0x1  }
0x91: {  	s18 =	sld [smem:$0x3FFB];
	_ =	sdelay $0x3  }
0x92: {  	_ =	strace s18  }
0x93: {  	s3 =	sld [smem:$0x3FFC];
	_ =	sdelay $0x3  }
0x94: {  	_ =	strace s3  }
0x95: {  	s3 =	sld [smem:$0x3FFD];
	_ =	sdelay $0x3  }
0x96: {  	_ =	strace s3  }
0x97: {  	_ =	strace $0x8FFFFFFF  }
0x98: {  	s19 =	sld [smem:$0x3FDB];
	_ =	sdelay $0x1  }
0x99: {  	s4 =	simm.s32 $_scs_section_size  }
0x9a: {  	s5 =	simm.s32 $_size__tile_overlayer_lowered;
	s6 =	simm.s32 $_tile_overlayer_lowered  }
0x9b: {  	s22 =	simm.s32 $0x1BFF;
	s21 =	sshll.u32 s6, $0x1;
	s3 =	sadd.s32 s4, s19  }
0x9c: {  	s7 =	simm.s32 $0x0;
	s20 =	sshll.u32 s5, $0x1;
	s5 =	sadd.s32 s21, s3  }
0x9d: {  	[timem:s7], [sflag:s22] =	dma.local [hbm:s5], s20  }
0x9e: {  	_ =	swait.ge [sflag:s22], s20  }
0x9f: {  	s4 =	ssub.s32 $0x0, s20;
	[sflag:s22] =	ssyncset.done $0x0  }
0xa0: {  	[sflag:s22] =	ssyncadd.s32 s4;
	_ =	sdelay $0x1  }
0xa1: {  	s23 =	simm.s32 $0x1B8B  }
0xa2: {  	_ =	swait.ge [sflag:s23], $0x1  }
0xa3: {  	[sflag:s23] =	ssyncset.done $0x0  }
0xa4: {  	s25 =	simm.s32 $0x1B8E;
	s24 =	sld [smem:$0x3FFE];
	[sflag:s23] =	ssyncadd.s32 $0xFFFFFFFF  }
0xa5: {  	s26 =	simm.s32 $execute0_lowered;
	[smem:$0x3FD2] =	sst s25  }
0xa6: {  	s5 =	sshll.u32 s26, $0x1;
	_ =	strace $0x80000046;
	[dreg:$0x1] =	wrdreg $0xFFFFFFFF  }
0xa7: {  	s28 =	simm.s32 $_size_execute0_lowered;
	s3 =	sadd.s32 s3, s5;
	[dreg:$0x0] =	wrdreg $0x0  }
0xa8: {  	s5 =	sshll.u32 s28, $0x1;
	[dreg:$0x2] =	wrdreg s3  }
0xa9: {  	[dreg:$0x3] =	wrdreg s5  }
0xaa: {  	[dreg:$0x4] =	wrdreg $0xC0  }
0xab: {  	_ =	task [dreg:s7], $0x5FFFF  }
0xac: {  	[dreg:$0x1] =	wrdreg $0xFFFFFFFF  }
0xad: {  	[dreg:$0x0] =	wrdreg $0x60  }
0xae: {  	[dreg:$0x2] =	wrdreg s2  }
0xaf: {  	[dreg:$0x3] =	wrdreg s24  }
0xb0: {  	[dreg:$0x4] =	wrdreg $0x9  }
0xb1: {  	_ =	task.clear_ibuf [dreg:s7], $0x5FFFF;
	_ =	strace $0x90000046  }
0xb2: {  	s29 =	simm.s32 $0x9;
	_ =	strace $0x80000048  }
0xb3: {  	_ =	swait.ge [sflag:s29], $0x1  }
0xb4: {  	[sflag:s29] =	ssyncadd.s32 $0xFFFFFFFF  }
0xb5: {  	_ =	strace $0x90000048  }
0xb6: {  	_ =	sfence  }
0xb7: {  	s30 =	sld [smem:$0x0];
	_ =	sdelay $0x2  }
0xb8: {  	s31 =	sshll.u32 s1, $0xD;
	s1 =	sshrl.u32 s1, $0x2  }
0xb9: {  	s3 =	sand.u32 $0x4000, s31;
	s1 =	sadd.s32 s1, s30  }
0xba: {  	s0 =	sor.u32 s3, s0;
	s1 =	sshll.u32 s1, $0x11  }
0xbb: {  	s0 =	sor.u32 s1, s0  }
0xbc: {  	s0 =	sadd.s32 $0x8F2B, s0  }
0xbd: {  	[sflag:s0] =	ssyncadd.remote.s32 $0x1  }
0xbe: {  	_ =	sfence.sel $0xFFFF  }
0xbf: {  	[dreg:$0x0] =	wrdreg $0xFFFFFFFF;
	(pc) =	sbr.abs _section_cstart, $3  }
0xc0: {  	[dreg:$0x1] =	wrdreg $0xFFFFFFFF  }
0xc1: {  	_ =	task.clear_ibuf [dreg:s7], $0x2FFFF;
	_ =	strace $0x9FFFFFFF  }
0xc2: {  	(tm) =	ssettm $0x7FFFFFFF  }
0xc3: {  	_ =	shalt  }
tec
execute0_lowered:
.L_overlay_start_1:
0x0: {  	(tag) =	ssettag $0x1  }
0x1: {  	s0 =	rddreg [dreg:$0x0]  }
0x2: {  	s1 =	rddreg [dreg:$0x1];
	s2 =	srdreg.scid  }
0x3: {  	s6 =	stileid.u32;
	s28 =	simm.s32 $0x4980;
	s29 =	simm.s32 $0x4D80  }
0x4: {  	s30 =	simm.s32 $0x4A00;
	s3 =	sand.u32 $0x1, s2;
	s2 =	simm.s32 $0x0  }
0x5: {  	s7 =	sadd.s32 $0xA00, s1;
	s4 =	sshll.u32 s3, $0x4;
	[smem:$0x7FF] =	sst s2  }
0x6: {  	s3 =	ssub.s32 $0x2, s3;
	s4 =	sor.u32 s6, s4;
	_ =	strace $0x80000047  }
0x7: {  	s6 =	sshll.u32 s6, $0x4;
	s9 =	sshrl.u32 s3, $0x1;
	s5 =	smul.u32 $0x180, s4  }
0x8: {  	s4 =	sshll.u32 s4, $0xE;
	s6 =	sand.u32 $0x30, s6;
	s3 =	ssub.s32 s3, s9  }
0x9: {  	s4 =	sand.u32 $0x70000, s4;
	s10 =	sshll.u32 s6, $0xA;
	s8 =	sor.u32 $0x8, s6  }
0xa: {  	s14 =	smax.u32 s3, $0x1;
	s1 =	sadd.s32 s5, s1;
	s5 =	sor.u32 s10, s4  }
0xb: {  	s12 =	sshll.u32 s8, $0x4;
	[dreg:$0x8] =	wrdreg s14;
	s1 =	sadd.s32 $0xE00, s1  }
0xc: {  	s5 =	sshrl.u32 s5, $0x3;
	s13 =	sadd.s32 s7, s12;
	[dreg:$0x7] =	wrdreg s1  }
0xd: {  	s9 =	simm.s32 $0x4F00;
	s5 =	sadd.s32 s0, s5;
	[dreg:$0x6] =	wrdreg s13  }
0xe: {  	s11 =	sshll.u32 s6, $0x4;
	s22 =	sadd.s32 $0x10, s13;
	[dreg:$0x3] =	wrdreg s5  }
0xf: {  	s3 =	simm.s32 $0x4E00;
	s23 =	sadd.s32 $0x20, s13;
	[dreg:$0x10] =	wrdreg s22  }
0x10: {  	s6 =	simm.s32 $0x0;
	s24 =	sadd.s32 $0x30, s13;
	[dreg:$0x11] =	wrdreg s23  }
0x11: {  	s10 =	sshll.u32 s8, $0xA;
	s25 =	sadd.s32 $0x40, s13;
	[dreg:$0x12] =	wrdreg s24  }
0x12: {  	s4 =	sor.u32 s10, s4;
	s26 =	sadd.s32 $0x50, s13;
	[dreg:$0x13] =	wrdreg s25  }
0x13: {  	s4 =	sshrl.u32 s4, $0x3;
	s31 =	sadd.s32 $0x60, s13;
	[dreg:$0x14] =	wrdreg s26  }
0x14: {  	s8 =	simm.s32 $0x4B00;
	s0 =	sadd.s32 s0, s4;
	[dreg:$0x15] =	wrdreg s31  }
0x15: {  	s10 =	simm.s32 $0x4B80;
	s5 =	sadd.s32 s7, s11;
	[dreg:$0x5] =	wrdreg s0  }
0x16: {  	s12 =	simm.s32 $0x5000;
	s15 =	sadd.s32 $0x10, s5;
	[dreg:$0x4] =	wrdreg s5  }
0x17: {  	s1 =	simm.s32 $0x4C00;
	s16 =	sadd.s32 $0x20, s5;
	[dreg:$0x9] =	wrdreg s15  }
0x18: {  	s23 =	simm.s32 $0x4880;
	s17 =	sadd.s32 $0x30, s5;
	[dreg:$0xa] =	wrdreg s16  }
0x19: {  	s24 =	simm.s32 $0x4C80;
	s18 =	sadd.s32 $0x40, s5;
	[dreg:$0xb] =	wrdreg s17  }
0x1a: {  	s25 =	simm.s32 $0x4900;
	s19 =	sadd.s32 $0x50, s5;
	[dreg:$0xc] =	wrdreg s18  }
0x1b: {  	s26 =	simm.s32 $0x4D00;
	s20 =	sadd.s32 $0x60, s5;
	[dreg:$0xd] =	wrdreg s19  }
0x1c: {  	s7 =	simm.s32 $0x4E80;
	s21 =	sadd.s32 $0x70, s5;
	[dreg:$0xe] =	wrdreg s20  }
0x1d: {  	s11 =	simm.s32 $0x4F80;
	s0 =	sadd.s32 $0x70, s13;
	[dreg:$0xf] =	wrdreg s21  }
0x1e: {  	v0 =	vimm.f32 $0.0e+00;
	v1 =	vimm.f32 $7.500000000e-01;
	s5 =	simm.s32 $0x4A80;
	s13 =	simm.s32 $0x5080;
	[dreg:$0x16] =	wrdreg s0  }
.LBB2_1:
0x1f: {  	[tilespmem:$0x4800] =	vst v0  }
0x20: {  	[tilespmem:$0x4880] =	vst v0  }
0x21: {  	[tilespmem:$0x4900] =	vst v0  }
0x22: {  	[tilespmem:$0x4980] =	vst v0  }
0x23: {  	[tilespmem:$0x4A00] =	vst v0  }
0x24: {  	[tilespmem:$0x4A80] =	vst v0  }
0x25: {  	[tilespmem:$0x4B00] =	vst v0  }
0x26: {  	[tilespmem:$0x4B80] =	vst v0  }
0x27: {  	[tilespmem:$0x4C00] =	vst v0  }
0x28: {  	[tilespmem:$0x4C80] =	vst v0  }
0x29: {  	[tilespmem:$0x4D00] =	vst v0  }
0x2a: {  	[tilespmem:$0x4D80] =	vst v0  }
0x2b: {  	[tilespmem:$0x4E00] =	vst v0  }
0x2c: {  	[tilespmem:$0x4E80] =	vst v0  }
0x2d: {  	[tilespmem:$0x4F00] =	vst v0  }
0x2e: {  	[tilespmem:$0x4F80] =	vst v0  }
0x2f: {  	[dreg:$0x17] =	wrdreg s6;
	[tilespmem:$0x5000] =	vst v0  }
0x30: {  	[tilespmem:$0x5080] =	vst v0;
	s0 =	rddreg [dreg:$0x3]  }
0x31: {  	[tilespmem:s2], [sflag:$0x1] =	stream.linear.gather [hbm4b:s0+s2], $0x2000, $0x38;
	[tilespmem:$0x5400] =	vst v63  }
0x32: {  	s21 =	rddreg [dreg:$0x4];
	s4 =	simm.s32 $0x4000  }
0x33: {  	[tilespmem:s4], [sflag:$0x3] =	stream.linear.gather [hbm4b:s21+s2], $0x80, $0x38;
	[tilespmem:$0x5400] =	vst v63  }
0x34: {  	s22 =	rddreg [dreg:$0x9];
	s31 =	simm.s32 $0x4100  }
0x35: {  	[tilespmem:s31], [sflag:$0x3] =	stream.linear.gather [hbm4b:s22+s2], $0x80, $0x38;
	[tilespmem:$0x5400] =	vst v63  }
0x36: {  	s6 =	simm.s32 $0x4200;
	s4 =	rddreg [dreg:$0xa]  }
0x37: {  	[tilespmem:s6], [sflag:$0x3] =	stream.linear.gather [hbm4b:s4+s2], $0x80, $0x38;
	[tilespmem:$0x5400] =	vst v63  }
0x38: {  	s14 =	rddreg [dreg:$0xb];
	s15 =	simm.s32 $0x4300  }
0x39: {  	[tilespmem:s15], [sflag:$0x3] =	stream.linear.gather [hbm4b:s14+s2], $0x80, $0x38;
	[tilespmem:$0x5400] =	vst v63  }
0x3a: {  	s16 =	rddreg [dreg:$0xc];
	s17 =	simm.s32 $0x4400  }
0x3b: {  	[tilespmem:s17], [sflag:$0x3] =	stream.linear.gather [hbm4b:s16+s2], $0x80, $0x38;
	[tilespmem:$0x5400] =	vst v63  }
0x3c: {  	s18 =	rddreg [dreg:$0xd];
	s19 =	simm.s32 $0x4500  }
0x3d: {  	[tilespmem:s19], [sflag:$0x3] =	stream.linear.gather [hbm4b:s18+s2], $0x80, $0x38;
	[tilespmem:$0x5400] =	vst v63  }
0x3e: {  	s20 =	rddreg [dreg:$0xe];
	s21 =	simm.s32 $0x4600  }
0x3f: {  	[tilespmem:s21], [sflag:$0x3] =	stream.linear.gather [hbm4b:s20+s2], $0x80, $0x38;
	[tilespmem:$0x5400] =	vst v63  }
0x40: {  	s22 =	rddreg [dreg:$0xf];
	s31 =	simm.s32 $0x4700  }
0x41: {  	[tilespmem:s31], [sflag:$0x3] =	stream.linear.gather [hbm4b:s22+s2], $0x80, $0x38;
	[tilespmem:$0x5400] =	vst v63  }
0x42: {  	s4 =	rddreg [dreg:$0x5];
	s6 =	simm.s32 $0x2000  }
0x43: {  	[tilespmem:s6], [sflag:$0x2] =	stream.linear.gather [hbm4b:s4+s2], $0x2000, $0x38;
	[tilespmem:$0x5400] =	vst v63  }
0x44: {  	s14 =	rddreg [dreg:$0x6];
	s15 =	simm.s32 $0x4080  }
0x45: {  	[tilespmem:s15], [sflag:$0x4] =	stream.linear.gather [hbm4b:s14+s2], $0x80, $0x38;
	[tilespmem:$0x5400] =	vst v63  }
0x46: {  	s16 =	rddreg [dreg:$0x10];
	s17 =	simm.s32 $0x4180  }
0x47: {  	[tilespmem:s17], [sflag:$0x4] =	stream.linear.gather [hbm4b:s16+s2], $0x80, $0x38;
	[tilespmem:$0x5400] =	vst v63  }
0x48: {  	s18 =	rddreg [dreg:$0x11];
	s19 =	simm.s32 $0x4280  }
0x49: {  	[tilespmem:s19], [sflag:$0x4] =	stream.linear.gather [hbm4b:s18+s2], $0x80, $0x38;
	[tilespmem:$0x5400] =	vst v63  }
0x4a: {  	s20 =	rddreg [dreg:$0x12];
	s21 =	simm.s32 $0x4380  }
0x4b: {  	[tilespmem:s21], [sflag:$0x4] =	stream.linear.gather [hbm4b:s20+s2], $0x80, $0x38;
	[tilespmem:$0x5400] =	vst v63  }
0x4c: {  	s22 =	rddreg [dreg:$0x13];
	s31 =	simm.s32 $0x4480  }
0x4d: {  	[tilespmem:s31], [sflag:$0x4] =	stream.linear.gather [hbm4b:s22+s2], $0x80, $0x38;
	[tilespmem:$0x5400] =	vst v63  }
0x4e: {  	s4 =	rddreg [dreg:$0x14];
	s6 =	simm.s32 $0x4580  }
0x4f: {  	[tilespmem:s6], [sflag:$0x4] =	stream.linear.gather [hbm4b:s4+s2], $0x80, $0x38;
	[tilespmem:$0x5400] =	vst v63  }
0x50: {  	s14 =	rddreg [dreg:$0x15];
	s15 =	simm.s32 $0x4680  }
0x51: {  	[tilespmem:s15], [sflag:$0x4] =	stream.linear.gather [hbm4b:s14+s2], $0x80, $0x38;
	[tilespmem:$0x5400] =	vst v63  }
0x52: {  	s16 =	rddreg [dreg:$0x16];
	s17 =	simm.s32 $0x4780;
	s18 =	simm.s32 $0x1  }
0x53: {  	[tilespmem:s17], [sflag:$0x4] =	stream.linear.gather [hbm4b:s16+s2], $0x80, $0x38;
	[tilespmem:$0x5400] =	vst v63  }
0x54: {  	_ =	swait.ge [sflag:s18], $0x2000  }
0x55: {  	[sflag:s18] =	ssyncset.done $0x0  }
0x56: {  	s19 =	simm.s32 $0x3;
	[sflag:s18] =	ssyncadd.s32 $0xFFFFE000  }
0x57: {  	_ =	swait.ge [sflag:s19], $0x400  }
0x58: {  	s20 =	sand.u32 $0x60, s2;
	s21 =	sand.u32 $0x1C00, s2;
	[sflag:s19] =	ssyncset.done $0x0  }
0x59: {  	s22 =	sor.u32 s20, s21;
	[sflag:s19] =	ssyncadd.s32 $0xFFFFFC00  }
0x5a: {  	v2 =	vld [tilespmem:s22+$0x380]  }
0x5b: {  	v3 =	vld [tilespmem:s22+$0x300]  }
0x5c: {  	v4 =	vld [tilespmem:s22+$0x100]  }
0x5d: {  	v5 =	vld [tilespmem:s22+$0x280]  }
0x5e: {  	v6 =	vld [tilespmem:s22+$0x200]  }
0x5f: {  	v8 =	vld [tilespmem:s22+$0x180];
	v7 =	vmul.f32 $1.442695020e+00, v2  }
0x60: {  	v9 =	vld [tilespmem:s22+$0x80];
	v10 =	vmul.f32 $1.442695020e+00, v3  }
0x61: {  	v11 =	vld [tilespmem:s22+$0x0];
	v12 =	vmul.f32 $1.442695020e+00, v4;
	(erf) = vpow2.f32 v7  }
0x62: {  	v7 =	vmul.f32 $1.442695020e+00, v5;
	(erf) = vpow2.f32 v10  }
0x63: {  	v10 =	vmul.f32 $1.442695020e+00, v6;
	(erf) = vpow2.f32 v12  }
0x64: {  	v12 =	vmul.f32 $1.442695020e+00, v8;
	(erf) = vpow2.f32 v7  }
0x65: {  	v7 =	vmul.f32 $1.442695020e+00, v9;
	(erf) = vpow2.f32 v10  }
0x66: {  	v10 =	vmul.f32 $1.442695020e+00, v11;
	(erf) = vpow2.f32 v12  }
0x67: {  	(erf) = vpow2.f32 v7  }
0x68: {  	(erf) = vpow2.f32 v10;
	_ =	sdelay $0x1  }
0x69: {  	v7 =	vpop (erf)  }
0x6a: {  	v10 =	vpop (erf)  }
0x6b: {  	v12 =	vpop (erf)  }
0x6c: {  	v13 =	vpop (erf)  }
0x6d: {  	v14 =	vpop (erf)  }
0x6e: {  	v15 =	vpop (erf)  }
0x6f: {  	v16 =	vpop (erf)  }
0x70: {  	v17 =	vadd.f32 v7, v10;
	v18 =	vadd.f32 v13, v14;
	v19 =	vpop (erf)  }
0x71: {  	v20 =	vadd.f32 v15, v12;
	v21 =	vadd.f32 v16, v19;
	_ =	sdelay $0x1  }
0x72: {  	v17 =	vadd.f32 v17, v18;
	v32 =	vadd.f32 v20, v21;
	_ =	sdelay $0x1  }
0x73: {  	v17 =	vadd.f32 v17, v32;
	_ =	sdelay $0x1  }
0x74: {  	v18 =	vand.u32 $0x7FFFFF, v17  }
0x75: {  	v18 =	vor.u32 $0x3F800000, v18  }
0x76: {  	v33 =	vadd.f32 $1.000000000e+00, v18  }
0x77: {  	(erf) = vrcp.f32 v17  }
0x78: {  	(erf) = vrcp.f32 v33;
	_ =	sdelay $0x5  }
0x79: {  	v17 =	vshrl.u32 v17, $0x17  }
0x7a: {  	v17 =	vand.u32 $0xFF, v17  }
0x7b: {  	v17 =	vadd.s32 $0xFFFFFF81, v17;
	v18 =	vadd.f32 $-1.000000000e+00, v18;
	v34 =	vpop (erf)  }
0x7c: {  	v17 =	vcvt.s32.f32 v17;
	v35 =	vpop (erf)  }
0x7d: {  	v19 =	vmul.f32 v34, v19;
	v18 =	vmul.f32 v35, v18  }
0x7e: {  	v10 =	vmul.f32 v34, v10;
	v13 =	vmul.f32 v34, v13  }
0x7f: {  	v7 =	vmul.f32 v34, v7;
	v21 =	vmul.f32 v18, v18  }
0x80: {  	v15 =	vmul.f32 v34, v15;
	v16 =	vmul.f32 v34, v16  }
0x81: {  	v12 =	vmul.f32 v34, v12;
	v22 =	vmul.f32 $1.428571490e-01, v21  }
0x82: {  	v14 =	vmul.f32 v34, v14;
	v11 =	vmul.f32 v19, v11;
	v23 =	vmin.f32 v10, v7  }
0x83: {  	v8 =	vmul.f32 v15, v8;
	v5 =	vmul.f32 v13, v5;
	v22 =	vadd.f32 $2.000000030e-01, v22  }
0x84: {  	v24 =	vmax.f32 v10, v7;
	v3 =	vmul.f32 v10, v3;
	v4 =	vmul.f32 v12, v4  }
0x85: {  	v10 =	vmax.f32 v12, v15;
	v2 =	vmul.f32 v7, v2;
	v22 =	vmul.f32 v22, v21  }
0x86: {  	v9 =	vmul.f32 v16, v9;
	v6 =	vmul.f32 v14, v6;
	v4 =	vadd.f32 v8, v4  }
0x87: {  	v36 =	vmin.f32 v19, v16;
	v2 =	vadd.f32 v2, v3;
	v8 =	vadd.f32 $3.333333430e-01, v22  }
0x88: {  	v7 =	vmin.f32 v12, v15;
	v9 =	vadd.f32 v9, v11;
	v5 =	vadd.f32 v5, v6  }
0x89: {  	v12 =	vmax.f32 v19, v16;
	v37 =	vmin.f32 v14, v13;
	v3 =	vmul.f32 v8, v21  }
0x8a: {  	s31 =	sshrl.u32 s21, $0x2;
	v15 =	vmin.f32 v36, v7;
	v4 =	vadd.f32 v4, v9;
	v2 =	vadd.f32 v2, v5  }
0x8b: {  	s0 =	sor.u32 $0x4000, s31;
	v6 =	vmax.f32 v36, v7;
	v7 =	vadd.f32 v18, v18;
	v3 =	vadd.f32 $1.000000000e+00, v3  }
0x8c: {  	s14 =	sor.u32 s20, s0;
	v38 =	vmin.f32 v12, v10;
	v5 =	vmax.f32 v12, v10;
	v2 =	vadd.f32 v2, v4  }
0x8d: {  	v4 =	vld [tilespmem:s14+$0x0];
	v8 =	vmax.f32 v14, v13;
	v14 =	vmul.f32 $6.931471820e-01, v17;
	v3 =	vmul.f32 v3, v7  }
0x8e: {  	v10 =	vmin.f32 v37, v23;
	v13 =	vmax.f32 v37, v23;
	v11 =	vmax.f32 v8, v24  }
0x8f: {  	v12 =	vmin.f32 v5, v11;
	v5 =	vmax.f32 v5, v11;
	v3 =	vadd.f32 v3, v14  }
0x90: {  	v7 =	vmin.f32 v8, v24;
	v8 =	vmin.f32 v6, v38;
	v6 =	vmax.f32 v6, v38  }
0x91: {  	v9 =	vmin.f32 v13, v7;
	v7 =	vmax.f32 v13, v7;
	v2 =	vsub.f32 v3, v2  }
0x92: {  	v42 =	vmul.f32 v5, v4;
	v14 =	vmax.f32 v8, v9;
	v11 =	vmax.f32 v6, v7  }
0x93: {  	v6 =	vmin.f32 v6, v7;
	v39 =	vmax.f32 v14, v12;
	vm0 =	vge.f32 v2, $2.000000000e+00  }
0x94: {  	v3 =	vmax.f32 v15, v10;
	v7 =	vmax.f32 v11, v39;
	v40 =	vsel vm0, $0x40000000, v1  }
0x95: {  	v13 =	vmax.f32 v3, v6;
	v41 =	vadd.f32 v7, v5;
	vm0 =	vle.f32 v5, v40  }
0x96: {  	v5 =	vmin.f32 v11, v39;
	v11 =	vmin.f32 v14, v12;
	v12 =	vnsel vm0, $0x0, v4  }
0x97: {  	[tilespmem:s1+$0x0] =	vst.add.f32.msk $0xffff, v42;
	v14 =	vadd.f32 v41, v5;
	vm0 =	vle.f32 v41, v40;
	v7 =	vmul.f32 v12, v7  }
0x98: {  	v3 =	vmin.f32 v3, v6;
	v6 =	vmax.f32 v13, v11;
	[tilespmem:s23+$0x0] =	vst.add.f32.msk $0xffff, v12;
	v12 =	vnsel vm0, $0x0, v4  }
0x99: {  	v43 =	vadd.f32 v14, v6;
	vm0 =	vle.f32 v14, v40;
	v5 =	vmul.f32 v12, v5;
	[tilespmem:s24+$0x0] =	vst.add.f32.msk $0xffff, v7  }
0x9a: {  	v7 =	vmin.f32 v8, v9;
	v8 =	vmin.f32 v13, v11;
	v9 =	vnsel vm0, $0x0, v4;
	[tilespmem:s25+$0x0] =	vst.add.f32.msk $0xffff, v12  }
0x9b: {  	vm0 =	vle.f32 v43, v40;
	v11 =	vadd.f32 v43, v8;
	[tilespmem:s26+$0x0] =	vst.add.f32.msk $0xffff, v5;
	v5 =	vmul.f32 v9, v6  }
0x9c: {  	v6 =	vmax.f32 v3, v7;
	[tilespmem:s28+$0x0] =	vst.add.f32.msk $0xffff, v9;
	v9 =	vnsel vm0, $0x0, v4  }
0x9d: {  	vm0 =	vle.f32 v11, v40;
	v11 =	vadd.f32 v11, v6;
	[tilespmem:s29+$0x0] =	vst.add.f32.msk $0xffff, v5;
	v5 =	vmul.f32 v9, v8  }
0x9e: {  	v3 =	vmin.f32 v3, v7;
	v7 =	vnsel vm0, $0x0, v4;
	[tilespmem:s30+$0x0] =	vst.add.f32.msk $0xffff, v9  }
0x9f: {  	vm0 =	vle.f32 v11, v40;
	v8 =	vadd.f32 v11, v3;
	[tilespmem:s3+$0x0] =	vst.add.f32.msk $0xffff, v5;
	v5 =	vmul.f32 v7, v6  }
0xa0: {  	v6 =	vnsel vm0, $0x0, v4;
	[tilespmem:s5+$0x0] =	vst.add.f32.msk $0xffff, v7  }
0xa1: {  	vm0 =	vle.f32 v8, v40;
	v3 =	vmul.f32 v6, v3;
	[tilespmem:s7+$0x0] =	vst.add.f32.msk $0xffff, v5  }
0xa2: {  	v5 =	vmin.f32 v15, v10;
	[tilespmem:s8+$0x0] =	vst.add.f32.msk $0xffff, v6;
	v6 =	vnsel vm0, $0x0, v4  }
0xa3: {  	[tilespmem:s9+$0x0] =	vst.add.f32.msk $0xffff, v3;
	v3 =	vmul.f32 v6, v5  }
0xa4: {  	[tilespmem:s10+$0x0] =	vst.add.f32.msk $0xffff, v6  }
0xa5: {  	[tilespmem:s11+$0x0] =	vst.add.f32.msk $0xffff, v3  }
0xa6: {  	s6 =	sor.u32 $0x10, s20;
	[tilespmem:s12+$0x0] =	vst.add.f32.msk $0xffff, v2  }
0xa7: {  	s4 =	sor.u32 s6, s21;
	[tilespmem:s13+$0x0] =	vst.add.f32.msk $0xffff, v4  }
0xa8: {  	v2 =	vld [tilespmem:s4+$0x0]  }
0xa9: {  	v3 =	vld [tilespmem:s4+$0x100]  }
0xaa: {  	v4 =	vld [tilespmem:s4+$0x80]  }
0xab: {  	v5 =	vld [tilespmem:s4+$0x300]  }
0xac: {  	v6 =	vld [tilespmem:s4+$0x180]  }
0xad: {  	v7 =	vld [tilespmem:s4+$0x280];
	v8 =	vmul.f32 $1.442695020e+00, v2  }
0xae: {  	v9 =	vld [tilespmem:s4+$0x380];
	v10 =	vmul.f32 $1.442695020e+00, v3  }
0xaf: {  	v11 =	vld [tilespmem:s4+$0x200];
	v12 =	vmul.f32 $1.442695020e+00, v4;
	(erf) = vpow2.f32 v8  }
0xb0: {  	v8 =	vmul.f32 $1.442695020e+00, v5;
	(erf) = vpow2.f32 v10  }
0xb1: {  	v10 =	vmul.f32 $1.442695020e+00, v6;
	(erf) = vpow2.f32 v12  }
0xb2: {  	v12 =	vmul.f32 $1.442695020e+00, v7;
	(erf) = vpow2.f32 v8  }
0xb3: {  	v8 =	vmul.f32 $1.442695020e+00, v9;
	(erf) = vpow2.f32 v10  }
0xb4: {  	v10 =	vmul.f32 $1.442695020e+00, v11;
	(erf) = vpow2.f32 v12  }
0xb5: {  	(erf) = vpow2.f32 v8  }
0xb6: {  	(erf) = vpow2.f32 v10;
	_ =	sdelay $0x1  }
0xb7: {  	v8 =	vpop (erf)  }
0xb8: {  	v10 =	vpop (erf)  }
0xb9: {  	v12 =	vpop (erf)  }
0xba: {  	v13 =	vpop (erf)  }
0xbb: {  	v14 =	vpop (erf)  }
0xbc: {  	v15 =	vpop (erf)  }
0xbd: {  	v44 =	vpop (erf)  }
0xbe: {  	v48 =	vadd.f32 v12, v8;
	v45 =	vadd.f32 v14, v10;
	v47 =	vpop (erf)  }
0xbf: {  	v46 =	vadd.f32 v44, v13;
	v49 =	vadd.f32 v15, v47;
	_ =	sdelay $0x1  }
0xc0: {  	v17 =	vadd.f32 v45, v48;
	v18 =	vadd.f32 v46, v49;
	_ =	sdelay $0x1  }
0xc1: {  	v17 =	vadd.f32 v18, v17;
	_ =	sdelay $0x1  }
0xc2: {  	v18 =	vand.u32 $0x7FFFFF, v17  }
0xc3: {  	v18 =	vor.u32 $0x3F800000, v18  }
0xc4: {  	v50 =	vadd.f32 $1.000000000e+00, v18  }
0xc5: {  	(erf) = vrcp.f32 v17  }
0xc6: {  	(erf) = vrcp.f32 v50;
	_ =	sdelay $0x2  }
0xc7: {  	v17 =	vshrl.u32 v17, $0x17  }
0xc8: {  	v17 =	vand.u32 $0xFF, v17  }
0xc9: {  	v17 =	vadd.s32 $0xFFFFFF81, v17  }
0xca: {  	v17 =	vcvt.s32.f32 v17;
	_ =	sdelay $0x1  }
0xcb: {  	v18 =	vadd.f32 $-1.000000000e+00, v18;
	v17 =	vmul.f32 $6.931471820e-01, v17;
	v51 =	vpop (erf)  }
0xcc: {  	v8 =	vmul.f32 v51, v8;
	v12 =	vmul.f32 v51, v12;
	v52 =	vpop (erf)  }
0xcd: {  	v10 =	vmul.f32 v51, v10;
	v18 =	vmul.f32 v52, v18  }
0xce: {  	v14 =	vmul.f32 v51, v14;
	v19 =	vmul.f32 v51, v47  }
0xcf: {  	v15 =	vmul.f32 v51, v15;
	v21 =	vmul.f32 v18, v18  }
0xd0: {  	v13 =	vmul.f32 v51, v13;
	v16 =	vmul.f32 v51, v44;
	v53 =	vmax.f32 v10, v14  }
0xd1: {  	v54 =	vmin.f32 v10, v14;
	v55 =	vmax.f32 v19, v15;
	v25 =	vmul.f32 $1.428571490e-01, v21  }
0xd2: {  	v56 =	vmax.f32 v8, v12;
	v26 =	vmin.f32 v8, v12;
	v5 =	vmul.f32 v13, v5  }
0xd3: {  	v9 =	vmul.f32 v16, v9;
	v3 =	vmul.f32 v10, v3;
	v25 =	vadd.f32 $2.000000030e-01, v25  }
0xd4: {  	v27 =	vmin.f32 v19, v15;
	v11 =	vmul.f32 v19, v11;
	v7 =	vmul.f32 v15, v7  }
0xd5: {  	v28 =	vmax.f32 v13, v16;
	v6 =	vmul.f32 v14, v6;
	v58 =	vmul.f32 v25, v21  }
0xd6: {  	v13 =	vmin.f32 v13, v16;
	v2 =	vmul.f32 v8, v2;
	v4 =	vmul.f32 v12, v4  }
0xd7: {  	v57 =	vmax.f32 v27, v13;
	v10 =	vmin.f32 v55, v28;
	v8 =	vadd.f32 $3.333333430e-01, v58  }
0xd8: {  	v14 =	vmin.f32 v27, v13;
	v15 =	vmax.f32 v56, v53;
	v59 =	vmax.f32 v55, v28  }
0xd9: {  	v5 =	vadd.f32 v9, v5;
	v2 =	vadd.f32 v4, v2;
	v4 =	vmul.f32 v8, v21  }
0xda: {  	v7 =	vadd.f32 v7, v11;
	v11 =	vmin.f32 v57, v10;
	v3 =	vadd.f32 v6, v3  }
0xdb: {  	v6 =	vmax.f32 v57, v10;
	v12 =	vadd.f32 v18, v18;
	v4 =	vadd.f32 $1.000000000e+00, v4  }
0xdc: {  	s0 =	sor.u32 s6, s0;
	v10 =	vmin.f32 v26, v54;
	v3 =	vadd.f32 v3, v2;
	v5 =	vadd.f32 v5, v7  }
0xdd: {  	v9 =	vmax.f32 v26, v54;
	v2 =	vld [tilespmem:s0+$0x0];
	v8 =	vmin.f32 v56, v53;
	v4 =	vmul.f32 v4, v12  }
0xde: {  	v60 =	vmin.f32 v15, v59;
	v3 =	vadd.f32 v5, v3;
	v7 =	vmin.f32 v9, v8  }
0xdf: {  	v13 =	vmax.f32 v9, v8;
	v61 =	vmax.f32 v7, v11;
	v4 =	vadd.f32 v4, v17  }
0xe0: {  	v9 =	vmin.f32 v13, v6;
	v13 =	vmax.f32 v13, v6;
	v62 =	vmax.f32 v61, v60  }
0xe1: {  	v15 =	vmax.f32 v15, v59;
	v12 =	vmax.f32 v13, v62;
	v3 =	vsub.f32 v4, v3  }
0xe2: {  	v63 =	vmul.f32 v15, v2;
	v8 =	vmax.f32 v10, v14;
	v16 =	vadd.f32 v12, v15  }
0xe3: {  	v6 =	vmin.f32 v7, v11;
	v11 =	vmin.f32 v13, v62;
	vm0 =	vge.f32 v3, $2.000000000e+00  }
0xe4: {  	v5 =	vmin.f32 v8, v9;
	v13 =	vadd.f32 v16, v11;
	v7 =	vsel vm0, $0x40000000, v1  }
0xe5: {  	v4 =	vmin.f32 v10, v14;
	v10 =	vmin.f32 v61, v60;
	vm2 =	vle.f32 v15, v7  }
0xe6: {  	s18 =	simm.s32 $0x100;
	s19 =	simm.s32 $0x0;
	[tilespmem:s1+$0x0] =	vst.add.f32.msk $0xffff, v63;
	vm1 =	vle.f32 v16, v7;
	vm0 =	vle.f32 v13, v7;
	v14 =	vnsel vm2, $0x0, v2  }
.LBB2_2:
0xe7: {  	p0 =	sne.s32 s18, $0x1F00  }
0xe8: {  	s19 =	sadd.s32 $0x20, s19;
	s0 =	smov.u32 s18;
	s18 =	sadd.s32 $0x100, s18  }
0xe9: {  	_ = 	snop  }
0xea: {  	v8 =	vmax.f32 v8, v9;
	v9 =	vmul.f32 v14, v12  }
0xeb: {  	v12 =	vmax.f32 v8, v10;
	[tilespmem:s23+$0x0] =	vst.add.f32.msk $0xffff, v14;
	v14 =	vnsel vm1, $0x0, v2  }
0xec: {  	[tilespmem:s24+$0x0] =	vst.add.f32.msk $0xffff, v9;
	v9 =	vmul.f32 v14, v11;
	v11 =	vadd.f32 v13, v12  }
0xed: {  	v8 =	vmin.f32 v8, v10;
	v10 =	vnsel vm0, $0x0, v2;
	[tilespmem:s25+$0x0] =	vst.add.f32.msk $0xffff, v14  }
0xee: {  	[tilespmem:s26+$0x0] =	vst.add.f32.msk $0xffff, v9;
	v9 =	vmul.f32 v10, v12;
	vm0 =	vle.f32 v11, v7;
	v11 =	vadd.f32 v11, v8  }
0xef: {  	v12 =	vmax.f32 v5, v6;
	[tilespmem:s28+$0x0] =	vst.add.f32.msk $0xffff, v10;
	v10 =	vnsel vm0, $0x0, v2  }
0xf0: {  	[tilespmem:s29+$0x0] =	vst.add.f32.msk $0xffff, v9;
	v8 =	vmul.f32 v10, v8;
	vm0 =	vle.f32 v11, v7;
	v9 =	vadd.f32 v11, v12  }
0xf1: {  	v5 =	vmin.f32 v5, v6;
	[tilespmem:s30+$0x0] =	vst.add.f32.msk $0xffff, v10;
	v6 =	vnsel vm0, $0x0, v2  }
0xf2: {  	[tilespmem:s3+$0x0] =	vst.add.f32.msk $0xffff, v8;
	v8 =	vmul.f32 v6, v12;
	vm0 =	vle.f32 v9, v7;
	v9 =	vadd.f32 v9, v5  }
0xf3: {  	[tilespmem:s5+$0x0] =	vst.add.f32.msk $0xffff, v6;
	v6 =	vnsel vm0, $0x0, v2  }
0xf4: {  	[tilespmem:s7+$0x0] =	vst.add.f32.msk $0xffff, v8;
	v5 =	vmul.f32 v6, v5;
	vm0 =	vle.f32 v9, v7  }
0xf5: {  	[tilespmem:s8+$0x0] =	vst.add.f32.msk $0xffff, v6;
	v6 =	vnsel vm0, $0x0, v2  }
0xf6: {  	[tilespmem:s9+$0x0] =	vst.add.f32.msk $0xffff, v5;
	v4 =	vmul.f32 v6, v4  }
0xf7: {  	[tilespmem:s10+$0x0] =	vst.add.f32.msk $0xffff, v6  }
0xf8: {  	[tilespmem:s11+$0x0] =	vst.add.f32.msk $0xffff, v4  }
0xf9: {  	[tilespmem:s12+$0x0] =	vst.add.f32.msk $0xffff, v3  }
0xfa: {  	[tilespmem:s13+$0x0] =	vst.add.f32.msk $0xffff, v2;
	_ =	sdelay $0x1  }
0xfb: {  	s4 =	sand.u32 $0x60, s19;
	s21 =	sand.u32 $0x1C00, s0  }
0xfc: {  	s6 =	sor.u32 s4, s21;
	s0 =	sshrl.u32 s21, $0x2;
	s22 =	sor.u32 $0x10, s4  }
0xfd: {  	s14 =	sor.u32 $0x4000, s0;
	v4 =	vld [tilespmem:s6+$0x380]  }
0xfe: {  	s0 =	sor.u32 s4, s14;
	s20 =	sor.u32 s22, s14;
	v5 =	vld [tilespmem:s6+$0x100]  }
0xff: {  	v6 =	vld [tilespmem:s6+$0x300]  }
0x100: {  	v7 =	vld [tilespmem:s6+$0x0]  }
0x101: {  	v8 =	vld [tilespmem:s6+$0x280]  }
0x102: {  	v2 =	vld [tilespmem:s6+$0x200];
	v9 =	vmul.f32 $1.442695020e+00, v4  }
0x103: {  	v10 =	vld [tilespmem:s6+$0x180];
	v11 =	vmul.f32 $1.442695020e+00, v5  }
0x104: {  	v3 =	vld [tilespmem:s6+$0x80];
	v12 =	vmul.f32 $1.442695020e+00, v6;
	(erf) = vpow2.f32 v9  }
0x105: {  	v9 =	vmul.f32 $1.442695020e+00, v7  }
0x106: {  	v13 =	vmul.f32 $1.442695020e+00, v8;
	(erf) = vpow2.f32 v12  }
0x107: {  	v12 =	vmul.f32 $1.442695020e+00, v2;
	(erf) = vpow2.f32 v11  }
0x108: {  	v11 =	vmul.f32 $1.442695020e+00, v10;
	(erf) = vpow2.f32 v13  }
0x109: {  	v13 =	vmul.f32 $1.442695020e+00, v3;
	(erf) = vpow2.f32 v12  }
0x10a: {  	(erf) = vpow2.f32 v11  }
0x10b: {  	(erf) = vpow2.f32 v13  }
0x10c: {  	(erf) = vpow2.f32 v9  }
0x10d: {  	v9 =	vpop (erf);
	_ =	sdelay $0x1  }
0x10e: {  	v11 =	vpop (erf)  }
0x10f: {  	v12 =	vadd.f32 v9, v11;
	v13 =	vpop (erf)  }
0x110: {  	v14 =	vpop (erf)  }
0x111: {  	v15 =	vpop (erf)  }
0x112: {  	v16 =	vpop (erf)  }
0x113: {  	v17 =	vadd.f32 v14, v15;
	v18 =	vpop (erf)  }
0x114: {  	v19 =	vadd.f32 v16, v13;
	v20 =	vpop (erf)  }
0x115: {  	v21 =	vadd.f32 v18, v20  }
0x116: {  	v12 =	vadd.f32 v12, v17  }
0x117: {  	v17 =	vadd.f32 v19, v21;
	_ =	sdelay $0x1  }
0x118: {  	v12 =	vadd.f32 v12, v17;
	_ =	sdelay $0x1  }
0x119: {  	v17 =	vshrl.u32 v12, $0x17;
	v19 =	vand.u32 $0x7FFFFF, v12;
	(erf) = vrcp.f32 v12  }
0x11a: {  	v12 =	vand.u32 $0xFF, v17;
	v17 =	vor.u32 $0x3F800000, v19  }
0x11b: {  	v12 =	vadd.s32 $0xFFFFFF81, v12;
	v19 =	vadd.f32 $1.000000000e+00, v17  }
0x11c: {  	v12 =	vcvt.s32.f32 v12  }
0x11d: {  	(erf) = vrcp.f32 v19;
	_ =	sdelay $0x4  }
0x11e: {  	v19 =	vpop (erf)  }
0x11f: {  	v20 =	vmul.f32 v19, v20;
	v11 =	vmul.f32 v19, v11  }
0x120: {  	v14 =	vmul.f32 v19, v14;
	v9 =	vmul.f32 v19, v9  }
0x121: {  	v17 =	vadd.f32 $-1.000000000e+00, v17;
	v16 =	vmul.f32 v19, v16;
	v7 =	vmul.f32 v20, v7  }
0x122: {  	v18 =	vmul.f32 v19, v18;
	v13 =	vmul.f32 v19, v13;
	v21 =	vmin.f32 v11, v9;
	v22 =	vpop (erf)  }
0x123: {  	v10 =	vmul.f32 v16, v10;
	v17 =	vmul.f32 v22, v17;
	v22 =	vmax.f32 v11, v9  }
0x124: {  	v8 =	vmul.f32 v14, v8;
	v6 =	vmul.f32 v11, v6;
	v11 =	vmax.f32 v13, v16  }
0x125: {  	v15 =	vmul.f32 v19, v15;
	v23 =	vmin.f32 v20, v18;
	v19 =	vmul.f32 v17, v17  }
0x126: {  	v5 =	vmul.f32 v13, v5;
	v4 =	vmul.f32 v9, v4;
	v9 =	vmin.f32 v13, v16  }
0x127: {  	v16 =	vmax.f32 v20, v18;
	v20 =	vmin.f32 v23, v9;
	v13 =	vmul.f32 $1.428571490e-01, v19  }
0x128: {  	v5 =	vadd.f32 v10, v5;
	v10 =	vmin.f32 v15, v14;
	v24 =	vmin.f32 v16, v11  }
0x129: {  	v14 =	vmax.f32 v15, v14;
	v25 =	vmin.f32 v10, v21;
	v13 =	vadd.f32 $2.000000030e-01, v13  }
0x12a: {  	v9 =	vmax.f32 v23, v9;
	v23 =	vmax.f32 v14, v22;
	v10 =	vmax.f32 v10, v21  }
0x12b: {  	v11 =	vmax.f32 v16, v11;
	v14 =	vmin.f32 v14, v22;
	v13 =	vmul.f32 v13, v19  }
0x12c: {  	v16 =	vmax.f32 v9, v24;
	v9 =	vmin.f32 v9, v24;
	v21 =	vmin.f32 v10, v14  }
0x12d: {  	v22 =	vmin.f32 v11, v23;
	v24 =	vmax.f32 v9, v21;
	v13 =	vadd.f32 $3.333333430e-01, v13  }
0x12e: {  	v3 =	vmul.f32 v18, v3;
	v2 =	vmul.f32 v15, v2;
	v15 =	vmax.f32 v24, v22  }
0x12f: {  	v4 =	vadd.f32 v4, v6;
	v6 =	vmul.f32 v13, v19;
	v13 =	vmax.f32 v20, v25  }
0x130: {  	v3 =	vadd.f32 v3, v7;
	v2 =	vadd.f32 v8, v2;
	v7 =	vmin.f32 v20, v25  }
0x131: {  	v8 =	vadd.f32 v17, v17;
	v6 =	vadd.f32 $1.000000000e+00, v6  }
0x132: {  	v12 =	vmul.f32 $6.931471820e-01, v12;
	v10 =	vmax.f32 v10, v14;
	v17 =	vld [tilespmem:s0+$0x0]  }
0x133: {  	v3 =	vadd.f32 v5, v3;
	v2 =	vadd.f32 v4, v2;
	v4 =	vmul.f32 v6, v8  }
0x134: {  	v5 =	vmax.f32 v11, v23;
	v6 =	vmax.f32 v16, v10;
	v8 =	vmin.f32 v16, v10  }
0x135: {  	v2 =	vadd.f32 v2, v3;
	v3 =	vadd.f32 v4, v12;
	v4 =	vmax.f32 v6, v15  }
0x136: {  	v10 =	vmax.f32 v13, v8;
	v8 =	vmin.f32 v13, v8;
	v11 =	vadd.f32 v4, v5  }
0x137: {  	v2 =	vsub.f32 v3, v2;
	v3 =	vmin.f32 v6, v15;
	v6 =	vmul.f32 v5, v17  }
0x138: {  	v12 =	vmin.f32 v24, v22;
	v13 =	vadd.f32 v11, v3  }
0x139: {  	v9 =	vmin.f32 v9, v21;
	v14 =	vmax.f32 v10, v12;
	vm0 =	vge.f32 v2, $2.000000000e+00  }
0x13a: {  	v10 =	vmin.f32 v10, v12;
	v15 =	vsel vm0, $0x40000000, v1;
	v12 =	vadd.f32 v13, v14  }
0x13b: {  	vm0 =	vle.f32 v5, v15;
	vm1 =	vle.f32 v11, v15;
	vm2 =	vle.f32 v13, v15  }
0x13c: {  	v5 =	vnsel vm0, $0x0, v17;
	vm0 =	vle.f32 v12, v15;
	v11 =	vadd.f32 v12, v10  }
0x13d: {  	v12 =	vmax.f32 v8, v9;
	[tilespmem:s1+$0x0] =	vst.add.f32.msk $0xffff, v6;
	v4 =	vmul.f32 v5, v4  }
0x13e: {  	[tilespmem:s23+$0x0] =	vst.add.f32.msk $0xffff, v5;
	v5 =	vnsel vm1, $0x0, v17;
	vm1 =	vle.f32 v11, v15;
	v6 =	vadd.f32 v11, v12  }
0x13f: {  	v8 =	vmin.f32 v8, v9;
	[tilespmem:s24+$0x0] =	vst.add.f32.msk $0xffff, v4;
	v3 =	vmul.f32 v5, v3  }
0x140: {  	v4 =	vnsel vm2, $0x0, v17;
	[tilespmem:s25+$0x0] =	vst.add.f32.msk $0xffff, v5;
	vm2 =	vle.f32 v6, v15;
	v5 =	vadd.f32 v6, v8  }
0x141: {  	[tilespmem:s26+$0x0] =	vst.add.f32.msk $0xffff, v3;
	v3 =	vmul.f32 v4, v14  }
0x142: {  	[tilespmem:s28+$0x0] =	vst.add.f32.msk $0xffff, v4;
	v4 =	vnsel vm0, $0x0, v17;
	vm0 =	vle.f32 v5, v15  }
0x143: {  	[tilespmem:s29+$0x0] =	vst.add.f32.msk $0xffff, v3;
	v3 =	vmul.f32 v4, v10  }
0x144: {  	[tilespmem:s30+$0x0] =	vst.add.f32.msk $0xffff, v4;
	v4 =	vnsel vm1, $0x0, v17  }
0x145: {  	[tilespmem:s3+$0x0] =	vst.add.f32.msk $0xffff, v3;
	v3 =	vmul.f32 v4, v12  }
0x146: {  	[tilespmem:s5+$0x0] =	vst.add.f32.msk $0xffff, v4;
	v4 =	vnsel vm2, $0x0, v17  }
0x147: {  	[tilespmem:s7+$0x0] =	vst.add.f32.msk $0xffff, v3;
	v3 =	vmul.f32 v4, v8  }
0x148: {  	[tilespmem:s8+$0x0] =	vst.add.f32.msk $0xffff, v4;
	v4 =	vnsel vm0, $0x0, v17  }
0x149: {  	[tilespmem:s9+$0x0] =	vst.add.f32.msk $0xffff, v3;
	v3 =	vmul.f32 v4, v7  }
0x14a: {  	[tilespmem:s10+$0x0] =	vst.add.f32.msk $0xffff, v4  }
0x14b: {  	[tilespmem:s11+$0x0] =	vst.add.f32.msk $0xffff, v3  }
0x14c: {  	[tilespmem:s12+$0x0] =	vst.add.f32.msk $0xffff, v2  }
0x14d: {  	s0 =	sor.u32 s22, s21;
	[tilespmem:s13+$0x0] =	vst.add.f32.msk $0xffff, v17  }
0x14e: {  	v3 =	vld [tilespmem:s0+$0x0]  }
0x14f: {  	v2 =	vld [tilespmem:s0+$0x80]  }
0x150: {  	v4 =	vld [tilespmem:s0+$0x100]  }
0x151: {  	v5 =	vld [tilespmem:s0+$0x280]  }
0x152: {  	v6 =	vld [tilespmem:s0+$0x300]  }
0x153: {  	v7 =	vld [tilespmem:s0+$0x180];
	v8 =	vmul.f32 $1.442695020e+00, v3  }
0x154: {  	v9 =	vld [tilespmem:s0+$0x380];
	v10 =	vmul.f32 $1.442695020e+00, v2  }
0x155: {  	v11 =	vmul.f32 $1.442695020e+00, v4  }
0x156: {  	v12 =	vld [tilespmem:s0+$0x200];
	v13 =	vmul.f32 $1.442695020e+00, v5;
	(erf) = vpow2.f32 v8  }
0x157: {  	v8 =	vmul.f32 $1.442695020e+00, v6;
	(erf) = vpow2.f32 v11  }
0x158: {  	v11 =	vmul.f32 $1.442695020e+00, v7;
	(erf) = vpow2.f32 v10  }
0x159: {  	v10 =	vmul.f32 $1.442695020e+00, v9;
	(erf) = vpow2.f32 v8  }
0x15a: {  	(erf) = vpow2.f32 v11  }
0x15b: {  	v8 =	vmul.f32 $1.442695020e+00, v12;
	(erf) = vpow2.f32 v13  }
0x15c: {  	(erf) = vpow2.f32 v10  }
0x15d: {  	(erf) = vpow2.f32 v8;
	_ =	sdelay $0x1  }
0x15e: {  	v8 =	vpop (erf)  }
0x15f: {  	v10 =	vpop (erf)  }
0x160: {  	v11 =	vpop (erf)  }
0x161: {  	v13 =	vpop (erf)  }
0x162: {  	v14 =	vpop (erf)  }
0x163: {  	v15 =	vadd.f32 v14, v10;
	v16 =	vpop (erf)  }
0x164: {  	v17 =	vpop (erf)  }
0x165: {  	v18 =	vadd.f32 v17, v13;
	v19 =	vpop (erf)  }
0x166: {  	v20 =	vadd.f32 v11, v8;
	v21 =	vadd.f32 v16, v19;
	_ =	sdelay $0x1  }
0x167: {  	v15 =	vadd.f32 v15, v20;
	v18 =	vadd.f32 v18, v21;
	_ =	sdelay $0x1  }
0x168: {  	v15 =	vadd.f32 v18, v15;
	_ =	sdelay $0x1  }
0x169: {  	v18 =	vshrl.u32 v15, $0x17;
	v20 =	vand.u32 $0x7FFFFF, v15;
	(erf) = vrcp.f32 v15  }
0x16a: {  	v15 =	vand.u32 $0xFF, v18;
	v18 =	vor.u32 $0x3F800000, v20  }
0x16b: {  	v15 =	vadd.s32 $0xFFFFFF81, v15;
	v20 =	vadd.f32 $1.000000000e+00, v18  }
0x16c: {  	v15 =	vcvt.s32.f32 v15  }
0x16d: {  	(erf) = vrcp.f32 v20;
	_ =	sdelay $0x4  }
0x16e: {  	v15 =	vmul.f32 $6.931471820e-01, v15;
	v20 =	vpop (erf)  }
0x16f: {  	v8 =	vmul.f32 v20, v8;
	v11 =	vmul.f32 v20, v11  }
0x170: {  	v10 =	vmul.f32 v20, v10;
	v14 =	vmul.f32 v20, v14  }
0x171: {  	v18 =	vadd.f32 $-1.000000000e+00, v18;
	v19 =	vmul.f32 v20, v19;
	v16 =	vmul.f32 v20, v16  }
0x172: {  	v13 =	vmul.f32 v20, v13;
	v21 =	vmax.f32 v10, v14;
	v22 =	vmin.f32 v10, v14;
	v23 =	vpop (erf)  }
0x173: {  	v17 =	vmul.f32 v20, v17;
	v20 =	vmax.f32 v19, v16;
	v18 =	vmul.f32 v23, v18  }
0x174: {  	v24 =	vmin.f32 v8, v11;
	v25 =	vmin.f32 v19, v16;
	v23 =	vmax.f32 v8, v11  }
0x175: {  	v27 =	vmax.f32 v13, v17;
	v28 =	vmin.f32 v13, v17;
	v26 =	vmul.f32 v18, v18  }
0x176: {  	v6 =	vmul.f32 v13, v6;
	v9 =	vmul.f32 v17, v9;
	v13 =	vmax.f32 v25, v28  }
0x177: {  	v4 =	vmul.f32 v10, v4;
	v17 =	vmin.f32 v20, v27;
	v10 =	vmul.f32 $1.428571490e-01, v26  }
0x178: {  	v12 =	vmul.f32 v19, v12;
	v5 =	vmul.f32 v16, v5;
	v6 =	vadd.f32 v9, v6  }
0x179: {  	v3 =	vmul.f32 v8, v3;
	v7 =	vmul.f32 v14, v7;
	v8 =	vadd.f32 $2.000000030e-01, v10  }
0x17a: {  	v2 =	vmul.f32 v11, v2;
	v11 =	vmin.f32 v13, v17;
	v10 =	vadd.f32 v5, v12  }
0x17b: {  	v4 =	vadd.f32 v7, v4;
	v7 =	vmax.f32 v13, v17;
	v5 =	vmul.f32 v8, v26  }
0x17c: {  	v3 =	vadd.f32 v2, v3;
	v13 =	vmin.f32 v25, v28;
	v12 =	vmin.f32 v24, v22  }
0x17d: {  	v9 =	vmax.f32 v24, v22;
	v8 =	vmin.f32 v23, v21;
	v5 =	vadd.f32 $3.333333430e-01, v5  }
0x17e: {  	v14 =	vmax.f32 v9, v8;
	v16 =	vmin.f32 v9, v8;
	v8 =	vmax.f32 v12, v13;
	v2 =	vld [tilespmem:s20+$0x0]  }
0x17f: {  	v19 =	vmax.f32 v20, v27;
	v17 =	vmax.f32 v23, v21;
	v5 =	vmul.f32 v5, v26  }
0x180: {  	v3 =	vadd.f32 v4, v3;
	v20 =	vmin.f32 v17, v19;
	v9 =	vmin.f32 v14, v7  }
0x181: {  	v18 =	vadd.f32 v18, v18;
	v4 =	vadd.f32 $1.000000000e+00, v5;
	v5 =	vmin.f32 v8, v9  }
0x182: {  	v17 =	vmax.f32 v17, v19;
	v10 =	vadd.f32 v6, v10;
	v6 =	vmin.f32 v16, v11  }
0x183: {  	v18 =	vmul.f32 v4, v18;
	v4 =	vmin.f32 v12, v13;
	v12 =	vmul.f32 v17, v2  }
0x184: {  	v3 =	vadd.f32 v10, v3;
	v10 =	vmax.f32 v16, v11  }
0x185: {  	v7 =	vmax.f32 v14, v7;
	v11 =	vmax.f32 v10, v20;
	v13 =	vadd.f32 v18, v15;
	[tilespmem:s1+$0x0] =	vst.add.f32.msk $0xffff, v12  }
0x186: {  	v10 =	vmin.f32 v10, v20;
	v12 =	vmax.f32 v7, v11;
	v11 =	vmin.f32 v7, v11  }
0x187: {  	v14 =	vadd.f32 v12, v17;
	v3 =	vsub.f32 v13, v3  }
.Ltmp0:
0x188: {  	(pc) =	sbr.rel @p0 .LBB2_2-.Ltmp0, $4  }
0x189: {  	v13 =	vadd.f32 v14, v11;
	vm0 =	vge.f32 v3, $2.000000000e+00  }
0x18a: {  	v7 =	vsel vm0, $0x40000000, v1  }
0x18b: {  	vm2 =	vle.f32 v17, v7;
	vm1 =	vle.f32 v14, v7;
	vm0 =	vle.f32 v13, v7  }
0x18c: {  	v14 =	vnsel vm2, $0x0, v2  }
0x18d: {  	v8 =	vmax.f32 v8, v9;
	v49 =	vmul.f32 v14, v12  }
0x18e: {  	[tilespmem:s23+$0x0] =	vst.add.f32.msk $0xffff, v14;
	v51 =	vnsel vm1, $0x0, v2;
	v50 =	vmax.f32 v8, v10  }
0x18f: {  	v52 =	vmul.f32 v51, v11;
	[tilespmem:s24+$0x0] =	vst.add.f32.msk $0xffff, v49;
	v53 =	vadd.f32 v13, v50  }
0x190: {  	v54 =	vnsel vm0, $0x0, v2;
	v8 =	vmin.f32 v8, v10;
	[tilespmem:s25+$0x0] =	vst.add.f32.msk $0xffff, v51  }
0x191: {  	v55 =	vmul.f32 v54, v50;
	[tilespmem:s26+$0x0] =	vst.add.f32.msk $0xffff, v52;
	vm12 =	vle.f32 v53, v7;
	v11 =	vadd.f32 v53, v8  }
0x192: {  	v56 =	vmax.f32 v5, v6;
	[tilespmem:s28+$0x0] =	vst.add.f32.msk $0xffff, v54;
	v57 =	vnsel vm12, $0x0, v2  }
0x193: {  	[tilespmem:s29+$0x0] =	vst.add.f32.msk $0xffff, v55;
	v8 =	vmul.f32 v57, v8;
	vm13 =	vle.f32 v11, v7;
	v58 =	vadd.f32 v11, v56  }
0x194: {  	v59 =	vmin.f32 v5, v6;
	[tilespmem:s30+$0x0] =	vst.add.f32.msk $0xffff, v57;
	v60 =	vnsel vm13, $0x0, v2  }
0x195: {  	[tilespmem:s3+$0x0] =	vst.add.f32.msk $0xffff, v8;
	v61 =	vmul.f32 v60, v56;
	vm14 =	vle.f32 v58, v7;
	v9 =	vadd.f32 v58, v59  }
0x196: {  	[tilespmem:s5+$0x0] =	vst.add.f32.msk $0xffff, v60;
	v62 =	vnsel vm14, $0x0, v2  }
0x197: {  	[tilespmem:s7+$0x0] =	vst.add.f32.msk $0xffff, v61;
	v5 =	vmul.f32 v62, v59;
	vm15 =	vle.f32 v9, v7  }
0x198: {  	[tilespmem:s8+$0x0] =	vst.add.f32.msk $0xffff, v62;
	v63 =	vnsel vm15, $0x0, v2  }
0x199: {  	[tilespmem:s9+$0x0] =	vst.add.f32.msk $0xffff, v5;
	v4 =	vmul.f32 v63, v4  }
0x19a: {  	[tilespmem:s10+$0x0] =	vst.add.f32.msk $0xffff, v63  }
0x19b: {  	[tilespmem:s11+$0x0] =	vst.add.f32.msk $0xffff, v4  }
0x19c: {  	[tilespmem:s12+$0x0] =	vst.add.f32.msk $0xffff, v3  }
0x19d: {  	s0 =	simm.s32 $0x2;
	[tilespmem:s13+$0x0] =	vst.add.f32.msk $0xffff, v2  }
0x19e: {  	_ =	swait.ge [sflag:s0], $0x2000  }
0x19f: {  	[sflag:s0] =	ssyncset.done $0x0  }
0x1a0: {  	s31 =	simm.s32 $0x4;
	[sflag:s0] =	ssyncadd.s32 $0xFFFFE000  }
0x1a1: {  	_ =	swait.ge [sflag:s31], $0x400  }
0x1a2: {  	[sflag:s31] =	ssyncset.done $0x0  }
0x1a3: {  	s18 =	simm.s32 $0x0;
	s19 =	simm.s32 $0x0;
	[sflag:s31] =	ssyncadd.s32 $0xFFFFFC00  }
.LBB2_4:
0x1a4: {  	s16 =	sand.u32 $0x1C00, s19  }
0x1a5: {  	s22 =	sand.u32 $0x60, s18;
	s20 =	sor.u32 $0x2000, s16  }
0x1a6: {  	s21 =	sor.u32 $0x2080, s16;
	s0 =	sor.u32 s22, s20  }
0x1a7: {  	s4 =	sor.u32 $0x2100, s16;
	s14 =	sor.u32 s22, s21;
	v2 =	vld [tilespmem:s0+$0x0]  }
0x1a8: {  	s6 =	sor.u32 $0x2180, s16;
	s15 =	sor.u32 s22, s4;
	v3 =	vld [tilespmem:s14+$0x0]  }
0x1a9: {  	s31 =	sor.u32 $0x2200, s16;
	s17 =	sor.u32 s22, s6;
	v4 =	vld [tilespmem:s15+$0x0]  }
0x1aa: {  	v5 =	vld [tilespmem:s17+$0x0];
	s14 =	sor.u32 s22, s31;
	s0 =	sor.u32 $0x2280, s16  }
0x1ab: {  	v6 =	vld [tilespmem:s14+$0x0];
	s15 =	sor.u32 s22, s0;
	s14 =	sor.u32 $0x2300, s16  }
0x1ac: {  	v7 =	vld [tilespmem:s15+$0x0];
	s17 =	sor.u32 s22, s14;
	s15 =	sor.u32 $0x2380, s16;
	v8 =	vmul.f32 $1.442695020e+00, v2  }
0x1ad: {  	v9 =	vld [tilespmem:s17+$0x0];
	s17 =	sor.u32 s22, s15;
	v10 =	vmul.f32 $1.442695020e+00, v3  }
0x1ae: {  	v11 =	vld [tilespmem:s17+$0x0];
	v21 =	vmul.f32 $1.442695020e+00, v4;
	(erf) = vpow2.f32 v8  }
0x1af: {  	v22 =	vmul.f32 $1.442695020e+00, v5;
	(erf) = vpow2.f32 v10  }
0x1b0: {  	v23 =	vmul.f32 $1.442695020e+00, v6;
	(erf) = vpow2.f32 v21  }
0x1b1: {  	v24 =	vmul.f32 $1.442695020e+00, v7;
	(erf) = vpow2.f32 v22  }
0x1b2: {  	v25 =	vmul.f32 $1.442695020e+00, v9;
	(erf) = vpow2.f32 v23  }
0x1b3: {  	v26 =	vmul.f32 $1.442695020e+00, v11;
	(erf) = vpow2.f32 v24  }
0x1b4: {  	(erf) = vpow2.f32 v25  }
0x1b5: {  	(erf) = vpow2.f32 v26;
	_ =	sdelay $0x1  }
0x1b6: {  	v27 =	vpop (erf)  }
0x1b7: {  	v28 =	vpop (erf)  }
0x1b8: {  	v12 =	vpop (erf)  }
0x1b9: {  	v13 =	vpop (erf)  }
0x1ba: {  	v14 =	vpop (erf)  }
0x1bb: {  	v15 =	vpop (erf)  }
0x1bc: {  	v16 =	vpop (erf)  }
0x1bd: {  	v18 =	vadd.f32 v28, v27;
	v19 =	vadd.f32 v13, v12;
	v17 =	vpop (erf)  }
0x1be: {  	v20 =	vadd.f32 v15, v14;
	v21 =	vadd.f32 v17, v16;
	_ =	sdelay $0x1  }
0x1bf: {  	v18 =	vadd.f32 v19, v18;
	v29 =	vadd.f32 v21, v20;
	_ =	sdelay $0x1  }
0x1c0: {  	v18 =	vadd.f32 v29, v18;
	_ =	sdelay $0x1  }
0x1c1: {  	v19 =	vand.u32 $0x7FFFFF, v18  }
0x1c2: {  	v19 =	vor.u32 $0x3F800000, v19  }
0x1c3: {  	(erf) = vrcp.f32 v18;
	v30 =	vadd.f32 $1.000000000e+00, v19;
	_ =	sdelay $0x1  }
0x1c4: {  	(erf) = vrcp.f32 v30;
	_ =	sdelay $0x6  }
0x1c5: {  	v31 =	vpop (erf)  }
0x1c6: {  	v19 =	vadd.f32 $-1.000000000e+00, v19;
	v8 =	vmul.f32 v31, v27  }
0x1c7: {  	v10 =	vmul.f32 v31, v28;
	v12 =	vmul.f32 v31, v12;
	v32 =	vpop (erf)  }
0x1c8: {  	v13 =	vmul.f32 v31, v13;
	v19 =	vmul.f32 v32, v19  }
0x1c9: {  	v14 =	vmul.f32 v31, v14;
	v15 =	vmul.f32 v31, v15  }
0x1ca: {  	v16 =	vmul.f32 v31, v16;
	v21 =	vmul.f32 v19, v19  }
0x1cb: {  	v17 =	vmul.f32 v31, v17;
	v2 =	vmul.f32 v8, v2  }
0x1cc: {  	v18 =	vshrl.u32 v18, $0x17;
	v3 =	vmul.f32 v10, v3;
	v22 =	vmul.f32 $1.428571490e-01, v21  }
0x1cd: {  	v38 =	vand.u32 $0xFF, v18;
	v34 =	vmul.f32 v13, v5;
	v35 =	vmul.f32 v14, v6  }
0x1ce: {  	v36 =	vmul.f32 v15, v7;
	v9 =	vmul.f32 v16, v9;
	v22 =	vadd.f32 $2.000000030e-01, v22  }
0x1cf: {  	v11 =	vmul.f32 v17, v11;
	v42 =	vmax.f32 v8, v10;
	v43 =	vmin.f32 v8, v10  }
0x1d0: {  	v44 =	vmax.f32 v12, v13;
	v45 =	vmin.f32 v12, v13;
	v33 =	vmul.f32 v22, v21  }
0x1d1: {  	v46 =	vmax.f32 v14, v15;
	v47 =	vmin.f32 v14, v15;
	v48 =	vmax.f32 v16, v17  }
0x1d2: {  	v49 =	vmin.f32 v16, v17;
	v50 =	vmax.f32 v42, v44;
	v37 =	vadd.f32 $3.333333430e-01, v33  }
0x1d3: {  	s16 =	sshrl.u32 s16, $0x2;
	v51 =	vmax.f32 v43, v45;
	v2 =	vadd.f32 v3, v2;
	v3 =	vmul.f32 v12, v4  }
0x1d4: {  	s16 =	sor.u32 $0x4000, s16;
	v5 =	vadd.f32 v36, v35;
	v4 =	vadd.s32 $0xFFFFFF81, v38;
	v7 =	vmul.f32 v37, v21  }
0x1d5: {  	s17 =	sor.u32 s22, s16;
	v39 =	vadd.f32 v11, v9;
	v4 =	vcvt.s32.f32 v4;
	v3 =	vadd.f32 v34, v3  }
0x1d6: {  	v53 =	vld [tilespmem:s17+$0x80];
	v52 =	vmax.f32 v46, v48;
	v40 =	vadd.f32 v19, v19;
	v7 =	vadd.f32 $1.000000000e+00, v7  }
0x1d7: {  	v8 =	vmin.f32 v46, v48;
	v54 =	vmax.f32 v47, v49;
	v4 =	vmul.f32 $6.931471820e-01, v4  }
0x1d8: {  	v2 =	vadd.f32 v3, v2;
	v3 =	vadd.f32 v39, v5;
	v41 =	vmul.f32 v7, v40  }
0x1d9: {  	v9 =	vmin.f32 v47, v49;
	v56 =	vmax.f32 v54, v8;
	v8 =	vmin.f32 v54, v8  }
0x1da: {  	v57 =	vmax.f32 v50, v52;
	v2 =	vadd.f32 v3, v2;
	v3 =	vadd.f32 v41, v4  }
0x1db: {  	v63 =	vmul.f32 v57, v53;
	v5 =	vmin.f32 v43, v45;
	v4 =	vmin.f32 v42, v44  }
0x1dc: {  	v55 =	vmax.f32 v51, v4;
	v4 =	vmin.f32 v51, v4;
	v2 =	vsub.f32 v3, v2  }
0x1dd: {  	v61 =	vmax.f32 v5, v9;
	v7 =	vmin.f32 v50, v52;
	v58 =	vmax.f32 v4, v8  }
0x1de: {  	v59 =	vmax.f32 v55, v56;
	v60 =	vmax.f32 v58, v7;
	vm0 =	vge.f32 v2, $2.000000000e+00  }
0x1df: {  	v6 =	vmin.f32 v55, v56;
	v62 =	vmax.f32 v59, v60;
	v3 =	vsel vm0, $0x40000000, v1  }
0x1e0: {  	v7 =	vmin.f32 v58, v7;
	v13 =	vadd.f32 v62, v57;
	vm0 =	vle.f32 v57, v3  }
0x1e1: {  	v20 =	vmax.f32 v61, v6;
	v11 =	vmin.f32 v59, v60;
	v21 =	vnsel vm0, $0x0, v53  }
0x1e2: {  	[tilespmem:s1+$0x0] =	vst.add.f32.msk $0xffff, v63;
	vm15 =	vle.f32 v13, v3;
	v13 =	vadd.f32 v13, v11;
	v12 =	vmul.f32 v21, v62  }
0x1e3: {  	v4 =	vmin.f32 v4, v8;
	v22 =	vmax.f32 v20, v7;
	[tilespmem:s23+$0x0] =	vst.add.f32.msk $0xffff, v21;
	v23 =	vnsel vm15, $0x0, v53  }
0x1e4: {  	v11 =	vmul.f32 v23, v11;
	vm4 =	vle.f32 v13, v3;
	v24 =	vadd.f32 v13, v22;
	[tilespmem:s24+$0x0] =	vst.add.f32.msk $0xffff, v12  }
0x1e5: {  	v6 =	vmin.f32 v61, v6;
	v7 =	vmin.f32 v20, v7;
	v25 =	vnsel vm4, $0x0, v53;
	[tilespmem:s25+$0x0] =	vst.add.f32.msk $0xffff, v23  }
0x1e6: {  	v8 =	vmul.f32 v25, v22;
	vm5 =	vle.f32 v24, v3;
	v26 =	vadd.f32 v24, v7;
	[tilespmem:s26+$0x0] =	vst.add.f32.msk $0xffff, v11  }
0x1e7: {  	v27 =	vmax.f32 v6, v4;
	v28 =	vnsel vm5, $0x0, v53;
	[tilespmem:s28+$0x0] =	vst.add.f32.msk $0xffff, v25  }
0x1e8: {  	v7 =	vmul.f32 v28, v7;
	vm6 =	vle.f32 v26, v3;
	v29 =	vadd.f32 v26, v27;
	[tilespmem:s29+$0x0] =	vst.add.f32.msk $0xffff, v8  }
0x1e9: {  	v4 =	vmin.f32 v6, v4;
	v30 =	vnsel vm6, $0x0, v53;
	[tilespmem:s30+$0x0] =	vst.add.f32.msk $0xffff, v28  }
0x1ea: {  	v31 =	vmul.f32 v30, v27;
	vm7 =	vle.f32 v29, v3;
	v8 =	vadd.f32 v29, v4;
	[tilespmem:s3+$0x0] =	vst.add.f32.msk $0xffff, v7  }
0x1eb: {  	v32 =	vnsel vm7, $0x0, v53;
	[tilespmem:s5+$0x0] =	vst.add.f32.msk $0xffff, v30  }
0x1ec: {  	v4 =	vmul.f32 v32, v4;
	vm8 =	vle.f32 v8, v3;
	[tilespmem:s7+$0x0] =	vst.add.f32.msk $0xffff, v31  }
0x1ed: {  	v3 =	vmin.f32 v5, v9;
	v33 =	vnsel vm8, $0x0, v53;
	[tilespmem:s8+$0x0] =	vst.add.f32.msk $0xffff, v32  }
0x1ee: {  	v3 =	vmul.f32 v33, v3;
	[tilespmem:s9+$0x0] =	vst.add.f32.msk $0xffff, v4  }
0x1ef: {  	[tilespmem:s10+$0x0] =	vst.add.f32.msk $0xffff, v33  }
0x1f0: {  	[tilespmem:s11+$0x0] =	vst.add.f32.msk $0xffff, v3  }
0x1f1: {  	s22 =	sor.u32 $0x10, s22;
	[tilespmem:s12+$0x0] =	vst.add.f32.msk $0xffff, v2  }
0x1f2: {  	s20 =	sor.u32 s22, s20;
	[tilespmem:s13+$0x0] =	vst.add.f32.msk $0xffff, v53  }
0x1f3: {  	s21 =	sor.u32 s22, s21;
	v2 =	vld [tilespmem:s20+$0x0]  }
0x1f4: {  	s4 =	sor.u32 s22, s4;
	v3 =	vld [tilespmem:s21+$0x0]  }
0x1f5: {  	s6 =	sor.u32 s22, s6;
	v4 =	vld [tilespmem:s4+$0x0]  }
0x1f6: {  	s17 =	sor.u32 s22, s31;
	v5 =	vld [tilespmem:s6+$0x0]  }
0x1f7: {  	s0 =	sor.u32 s22, s0;
	v6 =	vld [tilespmem:s17+$0x0]  }
0x1f8: {  	v7 =	vld [tilespmem:s0+$0x0];
	s20 =	sor.u32 s22, s14;
	v34 =	vmul.f32 $1.442695020e+00, v2  }
0x1f9: {  	s21 =	sor.u32 s22, s15;
	v35 =	vld [tilespmem:s20+$0x0];
	v36 =	vmul.f32 $1.442695020e+00, v3  }
0x1fa: {  	v37 =	vld [tilespmem:s21+$0x0];
	v38 =	vmul.f32 $1.442695020e+00, v4;
	(erf) = vpow2.f32 v34  }
0x1fb: {  	v39 =	vmul.f32 $1.442695020e+00, v5;
	(erf) = vpow2.f32 v36  }
0x1fc: {  	v40 =	vmul.f32 $1.442695020e+00, v6;
	(erf) = vpow2.f32 v38  }
0x1fd: {  	v41 =	vmul.f32 $1.442695020e+00, v7;
	(erf) = vpow2.f32 v39  }
0x1fe: {  	v42 =	vmul.f32 $1.442695020e+00, v35;
	(erf) = vpow2.f32 v40  }
0x1ff: {  	v43 =	vmul.f32 $1.442695020e+00, v37;
	(erf) = vpow2.f32 v41  }
0x200: {  	(erf) = vpow2.f32 v42  }
0x201: {  	(erf) = vpow2.f32 v43;
	_ =	sdelay $0x1  }
0x202: {  	v44 =	vpop (erf)  }
0x203: {  	v45 =	vpop (erf)  }
0x204: {  	v46 =	vpop (erf)  }
0x205: {  	v47 =	vpop (erf)  }
0x206: {  	v48 =	vpop (erf)  }
0x207: {  	v49 =	vpop (erf)  }
0x208: {  	v50 =	vpop (erf)  }
0x209: {  	v52 =	vadd.f32 v45, v44;
	v53 =	vadd.f32 v47, v46;
	v51 =	vpop (erf)  }
0x20a: {  	v54 =	vadd.f32 v49, v48;
	v55 =	vadd.f32 v51, v50;
	_ =	sdelay $0x1  }
0x20b: {  	v18 =	vadd.f32 v53, v52;
	v56 =	vadd.f32 v55, v54;
	_ =	sdelay $0x1  }
0x20c: {  	v18 =	vadd.f32 v56, v18;
	_ =	sdelay $0x1  }
0x20d: {  	v19 =	vand.u32 $0x7FFFFF, v18  }
0x20e: {  	v19 =	vor.u32 $0x3F800000, v19  }
0x20f: {  	(erf) = vrcp.f32 v18;
	v57 =	vadd.f32 $1.000000000e+00, v19;
	_ =	sdelay $0x1  }
0x210: {  	(erf) = vrcp.f32 v57;
	_ =	sdelay $0x6  }
0x211: {  	v58 =	vpop (erf)  }
0x212: {  	v19 =	vadd.f32 $-1.000000000e+00, v19;
	v8 =	vmul.f32 v58, v44  }
0x213: {  	v10 =	vmul.f32 v58, v45;
	v12 =	vmul.f32 v58, v46;
	v59 =	vpop (erf)  }
0x214: {  	v13 =	vmul.f32 v58, v47;
	v19 =	vmul.f32 v59, v19  }
0x215: {  	v14 =	vmul.f32 v58, v48;
	v15 =	vmul.f32 v58, v49  }
0x216: {  	v16 =	vmul.f32 v58, v50;
	v21 =	vmul.f32 v19, v19  }
0x217: {  	v17 =	vmul.f32 v58, v51;
	v2 =	vmul.f32 v8, v2  }
0x218: {  	v18 =	vshrl.u32 v18, $0x17;
	v3 =	vmul.f32 v10, v3;
	v60 =	vmul.f32 $1.428571490e-01, v21  }
0x219: {  	v24 =	vand.u32 $0xFF, v18;
	v62 =	vmul.f32 v13, v5;
	v63 =	vmul.f32 v14, v6  }
0x21a: {  	v9 =	vmul.f32 v16, v35;
	v11 =	vmul.f32 v17, v37;
	v22 =	vadd.f32 $2.000000030e-01, v60  }
0x21b: {  	v28 =	vmax.f32 v8, v10;
	v29 =	vmin.f32 v8, v10;
	v30 =	vmax.f32 v12, v13  }
0x21c: {  	v31 =	vmin.f32 v12, v13;
	v32 =	vmax.f32 v14, v15;
	v61 =	vmul.f32 v22, v21  }
0x21d: {  	v33 =	vmin.f32 v14, v15;
	v34 =	vmax.f32 v16, v17;
	v35 =	vmin.f32 v16, v17  }
0x21e: {  	v36 =	vmax.f32 v28, v30;
	v37 =	vmax.f32 v29, v31;
	v23 =	vadd.f32 $3.333333430e-01, v61  }
0x21f: {  	v2 =	vadd.f32 v3, v2;
	v3 =	vmul.f32 v12, v4;
	v25 =	vadd.f32 v11, v9  }
0x220: {  	v4 =	vadd.s32 $0xFFFFFF81, v24;
	v22 =	vmul.f32 v15, v7;
	v7 =	vmul.f32 v23, v21  }
0x221: {  	s31 =	sor.u32 s22, s16;
	v4 =	vcvt.s32.f32 v4;
	v3 =	vadd.f32 v62, v3;
	v26 =	vadd.f32 v19, v19  }
0x222: {  	v39 =	vld [tilespmem:s31+$0x80];
	v38 =	vmax.f32 v32, v34;
	v5 =	vadd.f32 v22, v63;
	v7 =	vadd.f32 $1.000000000e+00, v7  }
0x223: {  	v8 =	vmin.f32 v32, v34;
	v40 =	vmax.f32 v33, v35;
	v4 =	vmul.f32 $6.931471820e-01, v4  }
0x224: {  	v2 =	vadd.f32 v3, v2;
	v3 =	vadd.f32 v25, v5;
	v27 =	vmul.f32 v7, v26  }
0x225: {  	v9 =	vmin.f32 v33, v35;
	v42 =	vmax.f32 v40, v8;
	v8 =	vmin.f32 v40, v8  }
0x226: {  	v43 =	vmax.f32 v36, v38;
	v2 =	vadd.f32 v3, v2;
	v3 =	vadd.f32 v27, v4  }
0x227: {  	v49 =	vmul.f32 v43, v39;
	v5 =	vmin.f32 v29, v31;
	v4 =	vmin.f32 v28, v30  }
0x228: {  	v41 =	vmax.f32 v37, v4;
	v4 =	vmin.f32 v37, v4;
	v2 =	vsub.f32 v3, v2  }
0x229: {  	v47 =	vmax.f32 v5, v9;
	v7 =	vmin.f32 v36, v38;
	v44 =	vmax.f32 v4, v8  }
0x22a: {  	v45 =	vmax.f32 v41, v42;
	v46 =	vmax.f32 v44, v7;
	vm9 =	vge.f32 v2, $2.000000000e+00  }
0x22b: {  	v6 =	vmin.f32 v41, v42;
	v48 =	vmax.f32 v45, v46;
	v3 =	vsel vm9, $0x40000000, v1  }
0x22c: {  	v7 =	vmin.f32 v44, v7;
	v13 =	vadd.f32 v48, v43;
	vm0 =	vle.f32 v43, v3  }
0x22d: {  	v50 =	vmax.f32 v47, v6;
	v11 =	vmin.f32 v45, v46;
	v51 =	vnsel vm0, $0x0, v39  }
0x22e: {  	[tilespmem:s1+$0x0] =	vst.add.f32.msk $0xffff, v49;
	vm10 =	vle.f32 v13, v3;
	v13 =	vadd.f32 v13, v11;
	v12 =	vmul.f32 v51, v48  }
0x22f: {  	v4 =	vmin.f32 v4, v8;
	v52 =	vmax.f32 v50, v7;
	[tilespmem:s23+$0x0] =	vst.add.f32.msk $0xffff, v51;
	v53 =	vnsel vm10, $0x0, v39  }
0x230: {  	v11 =	vmul.f32 v53, v11;
	vm11 =	vle.f32 v13, v3;
	v54 =	vadd.f32 v13, v52;
	[tilespmem:s24+$0x0] =	vst.add.f32.msk $0xffff, v12  }
0x231: {  	v6 =	vmin.f32 v47, v6;
	v7 =	vmin.f32 v50, v7;
	v55 =	vnsel vm11, $0x0, v39;
	[tilespmem:s25+$0x0] =	vst.add.f32.msk $0xffff, v53  }
0x232: {  	v8 =	vmul.f32 v55, v52;
	vm12 =	vle.f32 v54, v3;
	v56 =	vadd.f32 v54, v7;
	[tilespmem:s26+$0x0] =	vst.add.f32.msk $0xffff, v11  }
0x233: {  	v57 =	vmax.f32 v6, v4;
	v58 =	vnsel vm12, $0x0, v39;
	[tilespmem:s28+$0x0] =	vst.add.f32.msk $0xffff, v55  }
0x234: {  	v7 =	vmul.f32 v58, v7;
	vm13 =	vle.f32 v56, v3;
	v59 =	vadd.f32 v56, v57;
	[tilespmem:s29+$0x0] =	vst.add.f32.msk $0xffff, v8  }
0x235: {  	v4 =	vmin.f32 v6, v4;
	v60 =	vnsel vm13, $0x0, v39;
	[tilespmem:s30+$0x0] =	vst.add.f32.msk $0xffff, v58  }
0x236: {  	v61 =	vmul.f32 v60, v57;
	vm14 =	vle.f32 v59, v3;
	v8 =	vadd.f32 v59, v4;
	[tilespmem:s3+$0x0] =	vst.add.f32.msk $0xffff, v7  }
0x237: {  	v62 =	vnsel vm14, $0x0, v39;
	[tilespmem:s5+$0x0] =	vst.add.f32.msk $0xffff, v60  }
0x238: {  	v4 =	vmul.f32 v62, v4;
	vm15 =	vle.f32 v8, v3;
	[tilespmem:s7+$0x0] =	vst.add.f32.msk $0xffff, v61  }
0x239: {  	p0 =	sne.s32 s19, $0x1F00;
	v3 =	vmin.f32 v5, v9;
	v63 =	vnsel vm15, $0x0, v39;
	[tilespmem:s8+$0x0] =	vst.add.f32.msk $0xffff, v62  }
.Ltmp1:
0x23a: {  	v3 =	vmul.f32 v63, v3;
	[tilespmem:s9+$0x0] =	vst.add.f32.msk $0xffff, v4;
	(pc) =	sbr.rel @p0 .LBB2_4-.Ltmp1, $4  }
0x23b: {  	[tilespmem:s10+$0x0] =	vst.add.f32.msk $0xffff, v63  }
0x23c: {  	[tilespmem:s11+$0x0] =	vst.add.f32.msk $0xffff, v3  }
0x23d: {  	[tilespmem:s12+$0x0] =	vst.add.f32.msk $0xffff, v2  }
0x23e: {  	s18 =	sadd.s32 $0x20, s18;
	s19 =	sadd.s32 $0x100, s19;
	[tilespmem:s13+$0x0] =	vst.add.f32.msk $0xffff, v39  }
0x23f: {  	s0 =	rddreg [dreg:$0x7];
	s4 =	simm.s32 $0x4800;
	s22 =	simm.s32 $0x5  }
0x240: {  	[hbm4b:s0+s2] =	stream.linear.scatter [tilespmem:s4], [sflag:$0x5], $0x900, $0x38;
	[tilespmem:$0x5400] =	vst v63  }
0x241: {  	_ =	swait.ge [sflag:s22], $0x900  }
0x242: {  	s6 =	rddreg [dreg:$0x17]  }
0x243: {  	s31 =	rddreg [dreg:$0x8];
	s6 =	sadd.s32 $0x1, s6  }
0x244: {  	p0 =	sne.s32 s6, s31  }
.Ltmp2:
0x245: {  	_ = 	snop;
	(pc) =	sbr.rel @p0 .LBB2_1-.Ltmp2, $3  }
0x246: {  	_ =	sdelay $0x1  }
0x247: {  	[sflag:s22] =	ssyncset.done $0x0  }
0x248: {  	[sflag:s22] =	ssyncadd.s32 $0xFFFFF700  }
0x249: {  	_ =	sfence.sel $0x180000  }
0x24a: {  	[bflag:$0x0] =	sbarrier.arrive $0xFFFF  }
0x24b: {  	_ =	strace $0x90000047  }
0x24c: {  	s0 =	stileid.u32;
	[bflag:$0x2] =	sbarrier.arrive $0xFFFF  }
0x24d: {  	p0 =	sne.s32 s0, $0x0;
	s0 =	rddreg [dreg:$0x2]  }
0x24e: {  	s0 =	sadd.s32 @!p0 $0x100000, s0  }
0x24f: {  	[sflag:s0] =	ssyncadd.tile.s32 @!p0 $0x1;
	_ =	shalt  }
.Lfunc_end2:
_tile_overlayer_lowered:
.L_overlay_start_2:
0x250: {  	(tag) =	ssettag $0x2  }
0x251: {  	s0 =	rddreg [dreg:$0x0];
	s2 =	stileid.u32  }
0x252: {  	s1 =	rddreg [dreg:$0x1];
	p0 =	sne.s32 s2, $0x0  }
0x253: {  	s3 =	rddreg [dreg:$0x2];
	[bflag:$0x3] =	sbarrier.arrive $0xFFFF;
	s2 =	simm.s32 @!p0 $0x1C05  }
0x254: {  	[timem:s3], [sflag:s2] =	dma.local @!p0 [hbm:s0], s1  }
0x255: {  	s0 =	simm.s32 @!p0 $0x5  }
0x256: {  	_ =	swait.ge @!p0 [sflag:s0], s1  }
0x257: {  	s1 =	ssub.s32 @!p0 $0x0, s1;
	[sflag:s0] =	ssyncset.done @!p0 $0x0  }
0x258: {  	[sflag:s0] =	ssyncadd.s32 @!p0 s1  }
0x259: {  	[bflag:$0x3] =	sbarrier.arrive $0xFFFF  }
0x25a: {  	_ =	shalt  }

</sc_bundles>
